<compile_context>
chip_gen: v7x
topology: tpu7x:2x2x1
jax: 0.10.2.dev20260603
libtpu: 0.0.44.dev20260713+nightly
codegen_flags: <defaults>
</compile_context>

<pallas_src>
import functools

import jax
import jax.numpy as jnp
from jax import lax
from jax.experimental import pallas as pl
from jax.experimental.pallas import tpu as pltpu
from jax.experimental.pallas import tpu_sc as plsc

N = 10000
E = 320000
D = 128
NCLS = 10

NC = 2
NS = 16
NW = NC * NS
CH = 80
GRP = 5
EPT = E // NW
NG = EPT // (CH * GRP)
NSLOT = 4
PCH = EPT // CH
NROW = 10240
RPT = NROW // NS
ZB = 640
DUMMY = 10016

_mesh = plsc.VectorSubcoreMesh(core_axis_name="c", subcore_axis_name="s")
_sc_params = pltpu.CompilerParams(needs_layout_passes=False, disable_bounds_checks=True)


@functools.partial(
    pl.kernel,
    out_type=jax.ShapeDtypeStruct((NC, NROW), jnp.float32),
    mesh=_mesh,
    compiler_params=_sc_params,
    scratch_types=[
        pltpu.VMEM((ZB,), jnp.float32),
        pltpu.VMEM((CH,), jnp.float32),
        pltpu.VMEM((2, GRP, CH), jnp.int32),
        pltpu.VMEM_SHARED((NROW,), jnp.float32),
        pltpu.SemaphoreType.DMA,
        pltpu.SemaphoreType.DMA,
    ],
)
def _sc_deg(srcp_hbm, deg_hbm,
            zvec_v, ones_v, srcv, deg_sh, isem, ssem):
    c = lax.axis_index("c")
    s = lax.axis_index("s")
    base_t = c * (E // NC) + s * EPT

    zeros16 = jnp.zeros((16,), jnp.float32)
    ones16 = jnp.ones((16,), jnp.float32)

    def zfill(i, _):
        zvec_v[pl.ds(i * 16, 16)] = zeros16
        return 0

    lax.fori_loop(0, ZB // 16, zfill, 0)
    for j in range(CH // 16):
        ones_v[pl.ds(j * 16, 16)] = ones16

    pltpu.sync_copy(zvec_v, deg_sh.at[pl.ds(s * ZB, ZB)])

    def fire_idx(o, slot):
        for b in range(GRP):
            base = base_t + (o * GRP + b) * CH
            pltpu.async_copy(srcp_hbm.at[pl.ds(base, CH)], srcv.at[slot, b], isem)

    def drain_idx(o, slot):
        for b in range(GRP):
            base = base_t + (o * GRP + b) * CH
            pltpu.make_async_copy(srcp_hbm.at[pl.ds(base, CH)], srcv.at[slot, b], isem).wait()

    fire_idx(0, 0)
    plsc.subcore_barrier()

    def body(o, _):
        g = lax.rem(o, 2)
        g1 = lax.rem(o + 1, 2)
        drain_idx(o, g)

        @pl.when(o > 0)
        def _():
            for b in range(GRP):
                pltpu.make_async_copy(ones_v, deg_sh.at[srcv.at[g1, b]], ssem).wait()

        @pl.when(o < NG - 1)
        def _():
            fire_idx(o + 1, g1)

        for b in range(GRP):
            pltpu.async_copy(ones_v, deg_sh.at[srcv.at[g, b]], ssem, add=True)
        return 0

    lax.fori_loop(0, NG, body, 0)
    for b in range(GRP):
        pltpu.make_async_copy(ones_v, deg_sh.at[srcv.at[0, b]], ssem).wait()
    plsc.subcore_barrier()
    pltpu.sync_copy(deg_sh.at[pl.ds(s * ZB, ZB)], deg_hbm.at[c, pl.ds(s * ZB, ZB)])


@functools.partial(
    pl.kernel,
    out_type=jax.ShapeDtypeStruct((NC, NROW, D), jnp.float32),
    mesh=_mesh,
    compiler_params=_sc_params,
    scratch_types=[
        pltpu.VMEM((32, D), jnp.float32),
        pltpu.VMEM((NSLOT, CH), jnp.int32),
        pltpu.VMEM((NSLOT, CH), jnp.int32),
        pltpu.VMEM((NSLOT, CH, D), jnp.float32),
        pltpu.VMEM_SHARED((NROW, D), jnp.float32),
        pltpu.SemaphoreType.DMA,
        pltpu.SemaphoreType.DMA((NSLOT,)),
        pltpu.SemaphoreType.DMA((NSLOT,)),
    ],
)
def _sc_prop(src_hbm, dstp_hbm, tab_hbm, acc_hbm,
             zrows_v, srcv, dstv, rows_v, acc_sh, isem, gsem, ssem):
    c = lax.axis_index("c")
    s = lax.axis_index("s")
    wid = c * NS + s
    base_t = wid * EPT

    zeros16 = jnp.zeros((16,), jnp.float32)

    def zfill(i, _):
        for cc in range(8):
            zrows_v[i, pl.ds(cc * 16, 16)] = zeros16
        return 0

    lax.fori_loop(0, 32, zfill, 0)
    for k in range(20):
        pltpu.async_copy(zrows_v, acc_sh.at[pl.ds(s * RPT + k * 32, 32)], isem)
    for k in range(20):
        pltpu.make_async_copy(zrows_v, acc_sh.at[pl.ds(s * RPT + k * 32, 32)], isem).wait()

    def fire_idx(o, slot):
        base = base_t + o * CH
        pltpu.async_copy(src_hbm.at[pl.ds(base, CH)], srcv.at[slot], isem)
        pltpu.async_copy(dstp_hbm.at[pl.ds(base, CH)], dstv.at[slot], isem)

    def drain_idx(o, slot):
        base = base_t + o * CH
        pltpu.make_async_copy(src_hbm.at[pl.ds(base, CH)], srcv.at[slot], isem).wait()
        pltpu.make_async_copy(dstp_hbm.at[pl.ds(base, CH)], dstv.at[slot], isem).wait()

    def drain_gather(slot):
        pltpu.make_async_copy(tab_hbm.at[srcv.at[slot]], rows_v.at[slot],
                              gsem.at[slot]).wait()

    def fire_scatter(slot):
        pltpu.async_copy(rows_v.at[slot], acc_sh.at[dstv.at[slot]],
                         ssem.at[slot], add=True)

    def drain_scatter(slot):
        pltpu.make_async_copy(rows_v.at[slot], acc_sh.at[dstv.at[slot]],
                              ssem.at[slot]).wait()

    fire_idx(0, 0)
    plsc.subcore_barrier()

    def body(o, _):
        g = lax.rem(o, NSLOT)
        gp1 = lax.rem(o + 1, NSLOT)
        gm1 = lax.rem(o + NSLOT - 1, NSLOT)
        gm3 = lax.rem(o + NSLOT - 3, NSLOT)
        drain_idx(o, g)
        pltpu.async_copy(tab_hbm.at[srcv.at[g]], rows_v.at[g], gsem.at[g])

        @pl.when(o > 0)
        def _():
            drain_gather(gm1)
            fire_scatter(gm1)

        @pl.when(o > 2)
        def _():
            drain_scatter(gm3)

        @pl.when(o < PCH - 1)
        def _():
            fire_idx(o + 1, gp1)

        return 0

    lax.fori_loop(0, PCH, body, 0)
    s124 = (PCH - 1) % NSLOT
    drain_gather(s124)
    fire_scatter(s124)
    for o in (PCH - 3, PCH - 2, PCH - 1):
        drain_scatter(o % NSLOT)

    plsc.subcore_barrier()
    pltpu.sync_copy(acc_sh.at[pl.ds(s * RPT, RPT)], acc_hbm.at[c, pl.ds(s * RPT, RPT)])


EF = 2500


def _tc_fix_body(src_ref, dst_ref, srcp_ref, dstp_ref):
    sv = src_ref[...]
    dv = dst_ref[...]
    ne = sv != dv
    srcp_ref[...] = jnp.where(ne, sv, DUMMY)
    dstp_ref[...] = jnp.where(ne, dv, DUMMY)


def _tc_fix(src2d, dst2d):
    return pl.pallas_call(
        _tc_fix_body,
        out_shape=[
            jax.ShapeDtypeStruct((EF, 128), jnp.int32),
            jax.ShapeDtypeStruct((EF, 128), jnp.int32),
        ],
    )(src2d, dst2d)


def _tc_dinv_body(deg_ref, dinv_ref):
    deg = deg_ref[0:1, :] + deg_ref[1:2, :]
    r = jnp.where(deg > 0.0, lax.rsqrt(deg), 0.0)
    dinv_ref[...] = r.reshape(NROW, 1)


def _tc_dinv(deg2):
    return pl.pallas_call(
        _tc_dinv_body,
        out_shape=jax.ShapeDtypeStruct((NROW, 1), jnp.float32),
    )(deg2)


_BM = 2000


def _tc_xscale_body(x_ref, dinv_ref, xt_ref):
    xt_ref[...] = x_ref[...] * dinv_ref[...]


def _tc_xscale(x, dinv_col):
    return pl.pallas_call(
        _tc_xscale_body,
        grid=(N // _BM,),
        in_specs=[
            pl.BlockSpec((_BM, D), lambda i: (i, 0)),
            pl.BlockSpec((_BM, 1), lambda i: (i, 0)),
        ],
        out_specs=pl.BlockSpec((_BM, D), lambda i: (i, 0)),
        out_shape=jax.ShapeDtypeStruct((N, D), jnp.float32),
    )(x, dinv_col)


def _tc_xw_body(x_ref, w0_ref, w2_ref, b_ref, xw_ref):
    w02 = w0_ref[...] - w2_ref[...]
    xw_ref[...] = jnp.dot(x_ref[...], w02,
                          preferred_element_type=jnp.float32) + b_ref[...]


def _tc_xw(x, W0, W2, bias2d):
    return pl.pallas_call(
        _tc_xw_body,
        grid=(N // _BM,),
        in_specs=[
            pl.BlockSpec((_BM, D), lambda i: (i, 0)),
            pl.BlockSpec((D, D), lambda i: (0, 0)),
            pl.BlockSpec((D, D), lambda i: (0, 0)),
            pl.BlockSpec((1, D), lambda i: (0, 0)),
        ],
        out_specs=pl.BlockSpec((_BM, D), lambda i: (i, 0)),
        out_shape=jax.ShapeDtypeStruct((N, D), jnp.float32),
    )(x, W0, W2, bias2d)


def _tc_mid_body(xw_ref, u1_ref, dinv_ref, w1_ref, p1t_ref, out0_ref):
    dv = dinv_ref[...]
    u1 = u1_ref[0] + u1_ref[1]
    p1 = -dv * u1
    p1t_ref[...] = dv * p1
    out0_ref[...] = xw_ref[...] + jnp.dot(p1, w1_ref[...],
                                          preferred_element_type=jnp.float32)


def _tc_mid(xw, u1parts, dinv_col, W1):
    return pl.pallas_call(
        _tc_mid_body,
        grid=(N // _BM,),
        in_specs=[
            pl.BlockSpec((_BM, D), lambda i: (i, 0)),
            pl.BlockSpec((NC, _BM, D), lambda i: (0, i, 0)),
            pl.BlockSpec((_BM, 1), lambda i: (i, 0)),
            pl.BlockSpec((D, D), lambda i: (0, 0)),
        ],
        out_specs=[
            pl.BlockSpec((_BM, D), lambda i: (i, 0)),
            pl.BlockSpec((_BM, D), lambda i: (i, 0)),
        ],
        out_shape=[
            jax.ShapeDtypeStruct((N, D), jnp.float32),
            jax.ShapeDtypeStruct((N, D), jnp.float32),
        ],
    )(xw, u1parts, dinv_col, W1)


def _tc_final_body(out0_ref, u2_ref, dinv_ref, w2_ref, h_ref):
    u2 = u2_ref[0] + u2_ref[1]
    p2 = -dinv_ref[...] * u2
    out = out0_ref[...] + 2.0 * jnp.dot(p2, w2_ref[...],
                                        preferred_element_type=jnp.float32)
    h_ref[...] = jnp.maximum(out, 0.0)


def _tc_final(out0, u2parts, dinv_col, W2):
    return pl.pallas_call(
        _tc_final_body,
        grid=(N // _BM,),
        in_specs=[
            pl.BlockSpec((_BM, D), lambda i: (i, 0)),
            pl.BlockSpec((NC, _BM, D), lambda i: (0, i, 0)),
            pl.BlockSpec((_BM, 1), lambda i: (i, 0)),
            pl.BlockSpec((D, D), lambda i: (0, 0)),
        ],
        out_specs=pl.BlockSpec((_BM, D), lambda i: (i, 0)),
        out_shape=jax.ShapeDtypeStruct((N, D), jnp.float32),
    )(out0, u2parts, dinv_col, W2)


_FB = _BM * D


def _tc_logits_body(h_ref, lw_ref, lb_ref, logits_ref):
    i = pl.program_id(0)
    contrib = jnp.sum(lw_ref[...] * h_ref[...], axis=1)

    @pl.when(i == 0)
    def _():
        logits_ref[...] = lb_ref[...]

    logits_ref[...] += contrib[None, :]


def _tc_logits(hflat, lin_w, lin_b2d):
    return pl.pallas_call(
        _tc_logits_body,
        grid=(N * D // _FB,),
        in_specs=[
            pl.BlockSpec((1, _FB), lambda i: (0, i)),
            pl.BlockSpec((NCLS, _FB), lambda i: (0, i)),
            pl.BlockSpec((1, NCLS), lambda i: (0, 0)),
        ],
        out_specs=pl.BlockSpec((1, NCLS), lambda i: (0, 0)),
        out_shape=jax.ShapeDtypeStruct((1, NCLS), jnp.float32),
    )(hflat, lin_w, lin_b2d)


def kernel(x, edge_index, batch, W0, W1, W2, conv_bias, lin_w, lin_b):
    src = edge_index[0]
    dst = edge_index[1]

    srcp2d, dstp2d = _tc_fix(src.reshape(EF, 128), dst.reshape(EF, 128))
    srcp = srcp2d.reshape(E)
    dstp = dstp2d.reshape(E)
    deg2 = _sc_deg(srcp)
    dinv_col = _tc_dinv(deg2)
    xt = _tc_xscale(x, dinv_col)
    xw = _tc_xw(x, W0, W2, conv_bias.reshape(1, D))
    u1parts = _sc_prop(src, dstp, xt)
    p1t, out0 = _tc_mid(xw, u1parts, dinv_col, W1)
    u2parts = _sc_prop(src, dstp, p1t)
    h = _tc_final(out0, u2parts, dinv_col, W2)
    logits = _tc_logits(h.reshape(1, N * D), lin_w, lin_b.reshape(1, NCLS))
    return logits

# --- scband reference (transcript-rebuilt; emitter-appended) ---
"""Pipeline reference for scband-cheb-conv-net-82463372083215 (READ-ONLY COPY).

The authoritative reference and input builder live on the scoring server;
editing this copy changes nothing except your own understanding.
"""

import jax, jax.numpy as jnp
import numpy as np

N = 10000
E = 320000
D_IN = 128
D_OUT = 128
K = 3
N_CLASSES = 10


def setup_inputs(seed: int = 0) -> dict:
    key = jax.random.key(seed)
    ks = jax.random.split(key, 8)
    x = jax.random.normal(ks[0], (N, D_IN), dtype=jnp.float32)
    edge_index = jax.random.randint(ks[1], (2, E), 0, N, dtype=jnp.int32)
    batch = jnp.zeros((N,), dtype=jnp.int32)
    s = 0.05
    W0 = jax.random.normal(ks[2], (D_IN, D_OUT), dtype=jnp.float32) * s
    W1 = jax.random.normal(ks[3], (D_IN, D_OUT), dtype=jnp.float32) * s
    W2 = jax.random.normal(ks[4], (D_IN, D_OUT), dtype=jnp.float32) * s
    conv_bias = jax.random.normal(ks[5], (D_OUT,), dtype=jnp.float32) * s
    lin_w = jax.random.normal(ks[6], (N_CLASSES, N * D_OUT), dtype=jnp.float32) * 0.001
    lin_b = jnp.zeros((N_CLASSES,), dtype=jnp.float32)
    return dict(x=x, edge_index=edge_index, batch=batch, W0=W0, W1=W1, W2=W2,
                conv_bias=conv_bias, lin_w=lin_w, lin_b=lin_b)


def _cheb_norm(edge_index):
    # Faithful to PyG ChebConv.__norm__ with edge_weight=None, normalization='sym', lambda_max=2:
    #   remove self loops -> sym laplacian L = I - D^-1/2 A D^-1/2 -> scale 2L/lambda_max -> add self loops with -1
    src, dst = edge_index[0], edge_index[1]
    w = jnp.where(src == dst, 0.0, 1.0).astype(jnp.float32)  # remove_self_loops
    deg = jax.ops.segment_sum(w, src, num_segments=N)
    dinv = jnp.where(deg > 0, deg ** -0.5, 0.0)
    lap_off = -dinv[src] * w * dinv[dst]           # off-diagonal entries of L
    lam = 2.0
    norm = (2.0 * lap_off) / lam                   # rescale by lambda_max
    diag = (2.0 * 1.0) / lam - 1.0                 # scaled laplacian diag (1) plus added self loop (-1) = 0
    return src, dst, norm, diag


def reference(x, edge_index, batch, W0, W1, W2, conv_bias, lin_w, lin_b):
    src, dst, norm, diag = _cheb_norm(edge_index)

    def prop(h):
        # propagate: out_i = sum_{e: dst=i} norm_e * h[src_e]  (+ diag self term)
        return jax.ops.segment_sum(norm[:, None] * h[src], dst, num_segments=N) + diag * h

    # ChebConv forward (K=3)
    Tx0 = x
    out = Tx0 @ W0
    Tx1 = prop(x)
    out = out + Tx1 @ W1
    Tx2 = 2.0 * prop(Tx1) - Tx0
    out = out + Tx2 @ W2
    out = out + conv_bias
    # ChebConvNet: relu, reshape to (batch_size, n_features*n_channels), final linear
    h = jax.nn.relu(out)
    h = h.reshape(1, N * D_OUT)
    return h @ lin_w.T + lin_b

if __name__ == "__main__":
    import jax
    _d = setup_inputs()
    print(jax.jit(kernel)(*tuple(_d.values())))

</pallas_src>

<mosaic_0001>
#map = affine_map<(d0, d1) -> (0)>
#map1 = affine_map<(d0, d1) -> (0, 0)>
#map2 = affine_map<(d0, d1) -> (0, 0, 0)>
module attributes {stable_mosaic.version = 14 : i64} {
  func.func @_sc_prop(%arg0: i32, %arg1: i32, %arg2: memref<320000xi32, #tpu.memory_space<hbm>>, %arg3: memref<320000xi32, #tpu.memory_space<hbm>>, %arg4: memref<10000x128xf32, #tpu.memory_space<hbm>>, %arg5: memref<2x10240x128xf32, #tpu.memory_space<hbm>>, %arg6: memref<32x128xf32, #tpu.memory_space<vmem>>, %arg7: memref<4x80xi32, #tpu.memory_space<vmem>>, %arg8: memref<4x80xi32, #tpu.memory_space<vmem>>, %arg9: memref<4x80x128xf32, #tpu.memory_space<vmem>>, %arg10: memref<10240x128xf32, #tpu.memory_space<vmem_shared>>, %arg11: memref<!tpu.dma_semaphore, #tpu.memory_space<semaphore_mem>>, %arg12: memref<4x!tpu.dma_semaphore, #tpu.memory_space<semaphore_mem>>, %arg13: memref<4x!tpu.dma_semaphore, #tpu.memory_space<semaphore_mem>>) attributes {dimension_semantics = [#tpu.dimension_semantics<core_parallel>, #tpu.dimension_semantics<subcore_parallel>], iteration_bounds = array<i64: 2, 16>, scalar_prefetch = 0 : i64, scratch_operands = 8 : i64, tpu.core_type = #tpu.core_type<sc_vector_subcore>, window_params = [{transform_indices = #map}, {transform_indices = #map}, {transform_indices = #map1}, {transform_indices = #map2}]} {
    %mul3A = arith.constant 16 : i32
    %mul3A_0 = arith.muli %arg0, %mul3A : i32
    %add3A = arith.addi %mul3A_0, %arg1 : i32
    %mul3A_1 = arith.constant 10000 : i32
    %mul3A_2 = arith.muli %add3A, %mul3A_1 : i32
    %broadcast_in_dim3A = arith.constant 0.000000e+00 : f32
    %broadcast_in_dim3A_3 = vector.broadcast %broadcast_in_dim3A : f32 to vector<16xf32>
    %scan3A = arith.constant 0 : i32
    %scan3A_4 = arith.constant 0 : i32
    %scan3A_5 = arith.constant 32 : i32
    %scan3A_6 = arith.addi %scan3A_4, %scan3A_5 : i32
    %scan3A_7 = arith.constant 1 : i32
    %scan3A_8 = scf.for %scan3A_435 = %scan3A_4 to %scan3A_6 step %scan3A_7 iter_args(%scan3A_436 = %scan3A) -> (i32)  : i32 {
      %swap3A = arith.index_cast %scan3A_435 : i32 to index
      %swap3A_437 = arith.constant 0 : index
      %swap3A_438 = tpu.vector_load %arg6[%swap3A, %swap3A_437] {strides = array<i32>} : memref<32x128xf32, #tpu.memory_space<vmem>>, vector<16xf32>,
      tpu.vector_store %arg6[%swap3A, %swap3A_437], %broadcast_in_dim3A_3 {strides = array<i32>} : memref<32x128xf32, #tpu.memory_space<vmem>>, vector<16xf32>,
      %swap3A_439 = arith.index_cast %scan3A_435 : i32 to index
      %swap3A_440 = arith.constant 16 : index
      %swap3A_441 = tpu.vector_load %arg6[%swap3A_439, %swap3A_440] {strides = array<i32>} : memref<32x128xf32, #tpu.memory_space<vmem>>, vector<16xf32>,
      tpu.vector_store %arg6[%swap3A_439, %swap3A_440], %broadcast_in_dim3A_3 {strides = array<i32>} : memref<32x128xf32, #tpu.memory_space<vmem>>, vector<16xf32>,
      %swap3A_442 = arith.index_cast %scan3A_435 : i32 to index
      %swap3A_443 = arith.constant 32 : index
      %swap3A_444 = tpu.vector_load %arg6[%swap3A_442, %swap3A_443] {strides = array<i32>} : memref<32x128xf32, #tpu.memory_space<vmem>>, vector<16xf32>,
      tpu.vector_store %arg6[%swap3A_442, %swap3A_443], %broadcast_in_dim3A_3 {strides = array<i32>} : memref<32x128xf32, #tpu.memory_space<vmem>>, vector<16xf32>,
      %swap3A_445 = arith.index_cast %scan3A_435 : i32 to index
      %swap3A_446 = arith.constant 48 : index
      %swap3A_447 = tpu.vector_load %arg6[%swap3A_445, %swap3A_446] {strides = array<i32>} : memref<32x128xf32, #tpu.memory_space<vmem>>, vector<16xf32>,
      tpu.vector_store %arg6[%swap3A_445, %swap3A_446], %broadcast_in_dim3A_3 {strides = array<i32>} : memref<32x128xf32, #tpu.memory_space<vmem>>, vector<16xf32>,
      %swap3A_448 = arith.index_cast %scan3A_435 : i32 to index
      %swap3A_449 = arith.constant 64 : index
      %swap3A_450 = tpu.vector_load %arg6[%swap3A_448, %swap3A_449] {strides = array<i32>} : memref<32x128xf32, #tpu.memory_space<vmem>>, vector<16xf32>,
      tpu.vector_store %arg6[%swap3A_448, %swap3A_449], %broadcast_in_dim3A_3 {strides = array<i32>} : memref<32x128xf32, #tpu.memory_space<vmem>>, vector<16xf32>,
      %swap3A_451 = arith.index_cast %scan3A_435 : i32 to index
      %swap3A_452 = arith.constant 80 : index
      %swap3A_453 = tpu.vector_load %arg6[%swap3A_451, %swap3A_452] {strides = array<i32>} : memref<32x128xf32, #tpu.memory_space<vmem>>, vector<16xf32>,
      tpu.vector_store %arg6[%swap3A_451, %swap3A_452], %broadcast_in_dim3A_3 {strides = array<i32>} : memref<32x128xf32, #tpu.memory_space<vmem>>, vector<16xf32>,
      %swap3A_454 = arith.index_cast %scan3A_435 : i32 to index
      %swap3A_455 = arith.constant 96 : index
      %swap3A_456 = tpu.vector_load %arg6[%swap3A_454, %swap3A_455] {strides = array<i32>} : memref<32x128xf32, #tpu.memory_space<vmem>>, vector<16xf32>,
      tpu.vector_store %arg6[%swap3A_454, %swap3A_455], %broadcast_in_dim3A_3 {strides = array<i32>} : memref<32x128xf32, #tpu.memory_space<vmem>>, vector<16xf32>,
      %swap3A_457 = arith.index_cast %scan3A_435 : i32 to index
      %swap3A_458 = arith.constant 112 : index
      %swap3A_459 = tpu.vector_load %arg6[%swap3A_457, %swap3A_458] {strides = array<i32>} : memref<32x128xf32, #tpu.memory_space<vmem>>, vector<16xf32>,
      tpu.vector_store %arg6[%swap3A_457, %swap3A_458], %broadcast_in_dim3A_3 {strides = array<i32>} : memref<32x128xf32, #tpu.memory_space<vmem>>, vector<16xf32>,
      %scan3A_460 = arith.constant 0 : i32
      scf.yield %scan3A_460 : i32
    }
    %scan3A_9 = arith.constant 32 : i32
    %mul3A_10 = arith.constant 640 : i32
    %mul3A_11 = arith.muli %arg1, %mul3A_10 : i32
    %add3A_12 = arith.constant 0 : i32
    %add3A_13 = arith.addi %mul3A_11, %add3A_12 : i32
    %dma_start3A = arith.constant 0 : i32
    %dma_start3A_14 = tpu.memref_slice %arg10[%add3A_13, %dma_start3A] : memref<10240x128xf32, #tpu.memory_space<vmem_shared>> -> memref<32x128xf32, #tpu.memory_space<vmem_shared>>
    %dma_start3A_15 = arith.constant 0 : i32
    %dma_start3A_16 = tpu.memref_slice %arg10[%add3A_13, %dma_start3A_15] : memref<10240x128xf32, #tpu.memory_space<vmem_shared>> -> memref<32x128xf32, #tpu.memory_space<vmem_shared>>
    tpu.enqueue_dma source(%arg6 : memref<32x128xf32, #tpu.memory_space<vmem>>) target(%dma_start3A_16 : memref<32x128xf32, #tpu.memory_space<vmem_shared>>) target_semaphore(%arg11 : memref<!tpu.dma_semaphore, #tpu.memory_space<semaphore_mem>>)
    %mul3A_17 = arith.constant 640 : i32
    %mul3A_18 = arith.muli %arg1, %mul3A_17 : i32
    %add3A_19 = arith.constant 32 : i32
    %add3A_20 = arith.addi %mul3A_18, %add3A_19 : i32
    %dma_start3A_21 = arith.constant 0 : i32
    %dma_start3A_22 = tpu.memref_slice %arg10[%add3A_20, %dma_start3A_21] : memref<10240x128xf32, #tpu.memory_space<vmem_shared>> -> memref<32x128xf32, #tpu.memory_space<vmem_shared>>
    %dma_start3A_23 = arith.constant 0 : i32
    %dma_start3A_24 = tpu.memref_slice %arg10[%add3A_20, %dma_start3A_23] : memref<10240x128xf32, #tpu.memory_space<vmem_shared>> -> memref<32x128xf32, #tpu.memory_space<vmem_shared>>
    tpu.enqueue_dma source(%arg6 : memref<32x128xf32, #tpu.memory_space<vmem>>) target(%dma_start3A_24 : memref<32x128xf32, #tpu.memory_space<vmem_shared>>) target_semaphore(%arg11 : memref<!tpu.dma_semaphore, #tpu.memory_space<semaphore_mem>>)
    %mul3A_25 = arith.constant 640 : i32
    %mul3A_26 = arith.muli %arg1, %mul3A_25 : i32
    %add3A_27 = arith.constant 64 : i32
    %add3A_28 = arith.addi %mul3A_26, %add3A_27 : i32
    %dma_start3A_29 = arith.constant 0 : i32
    %dma_start3A_30 = tpu.memref_slice %arg10[%add3A_28, %dma_start3A_29] : memref<10240x128xf32, #tpu.memory_space<vmem_shared>> -> memref<32x128xf32, #tpu.memory_space<vmem_shared>>
    %dma_start3A_31 = arith.constant 0 : i32
    %dma_start3A_32 = tpu.memref_slice %arg10[%add3A_28, %dma_start3A_31] : memref<10240x128xf32, #tpu.memory_space<vmem_shared>> -> memref<32x128xf32, #tpu.memory_space<vmem_shared>>
    tpu.enqueue_dma source(%arg6 : memref<32x128xf32, #tpu.memory_space<vmem>>) target(%dma_start3A_32 : memref<32x128xf32, #tpu.memory_space<vmem_shared>>) target_semaphore(%arg11 : memref<!tpu.dma_semaphore, #tpu.memory_space<semaphore_mem>>)
    %mul3A_33 = arith.constant 640 : i32
    %mul3A_34 = arith.muli %arg1, %mul3A_33 : i32
    %add3A_35 = arith.constant 96 : i32
    %add3A_36 = arith.addi %mul3A_34, %add3A_35 : i32
    %dma_start3A_37 = arith.constant 0 : i32
    %dma_start3A_38 = tpu.memref_slice %arg10[%add3A_36, %dma_start3A_37] : memref<10240x128xf32, #tpu.memory_space<vmem_shared>> -> memref<32x128xf32, #tpu.memory_space<vmem_shared>>
    %dma_start3A_39 = arith.constant 0 : i32
    %dma_start3A_40 = tpu.memref_slice %arg10[%add3A_36, %dma_start3A_39] : memref<10240x128xf32, #tpu.memory_space<vmem_shared>> -> memref<32x128xf32, #tpu.memory_space<vmem_shared>>
    tpu.enqueue_dma source(%arg6 : memref<32x128xf32, #tpu.memory_space<vmem>>) target(%dma_start3A_40 : memref<32x128xf32, #tpu.memory_space<vmem_shared>>) target_semaphore(%arg11 : memref<!tpu.dma_semaphore, #tpu.memory_space<semaphore_mem>>)
    %mul3A_41 = arith.constant 640 : i32
    %mul3A_42 = arith.muli %arg1, %mul3A_41 : i32
    %add3A_43 = arith.constant 128 : i32
    %add3A_44 = arith.addi %mul3A_42, %add3A_43 : i32
    %dma_start3A_45 = arith.constant 0 : i32
    %dma_start3A_46 = tpu.memref_slice %arg10[%add3A_44, %dma_start3A_45] : memref<10240x128xf32, #tpu.memory_space<vmem_shared>> -> memref<32x128xf32, #tpu.memory_space<vmem_shared>>
    %dma_start3A_47 = arith.constant 0 : i32
    %dma_start3A_48 = tpu.memref_slice %arg10[%add3A_44, %dma_start3A_47] : memref<10240x128xf32, #tpu.memory_space<vmem_shared>> -> memref<32x128xf32, #tpu.memory_space<vmem_shared>>
    tpu.enqueue_dma source(%arg6 : memref<32x128xf32, #tpu.memory_space<vmem>>) target(%dma_start3A_48 : memref<32x128xf32, #tpu.memory_space<vmem_shared>>) target_semaphore(%arg11 : memref<!tpu.dma_semaphore, #tpu.memory_space<semaphore_mem>>)
    %mul3A_49 = arith.constant 640 : i32
    %mul3A_50 = arith.muli %arg1, %mul3A_49 : i32
    %add3A_51 = arith.constant 160 : i32
    %add3A_52 = arith.addi %mul3A_50, %add3A_51 : i32
    %dma_start3A_53 = arith.constant 0 : i32
    %dma_start3A_54 = tpu.memref_slice %arg10[%add3A_52, %dma_start3A_53] : memref<10240x128xf32, #tpu.memory_space<vmem_shared>> -> memref<32x128xf32, #tpu.memory_space<vmem_shared>>
    %dma_start3A_55 = arith.constant 0 : i32
    %dma_start3A_56 = tpu.memref_slice %arg10[%add3A_52, %dma_start3A_55] : memref<10240x128xf32, #tpu.memory_space<vmem_shared>> -> memref<32x128xf32, #tpu.memory_space<vmem_shared>>
    tpu.enqueue_dma source(%arg6 : memref<32x128xf32, #tpu.memory_space<vmem>>) target(%dma_start3A_56 : memref<32x128xf32, #tpu.memory_space<vmem_shared>>) target_semaphore(%arg11 : memref<!tpu.dma_semaphore, #tpu.memory_space<semaphore_mem>>)
    %mul3A_57 = arith.constant 640 : i32
    %mul3A_58 = arith.muli %arg1, %mul3A_57 : i32
    %add3A_59 = arith.constant 192 : i32
    %add3A_60 = arith.addi %mul3A_58, %add3A_59 : i32
    %dma_start3A_61 = arith.constant 0 : i32
    %dma_start3A_62 = tpu.memref_slice %arg10[%add3A_60, %dma_start3A_61] : memref<10240x128xf32, #tpu.memory_space<vmem_shared>> -> memref<32x128xf32, #tpu.memory_space<vmem_shared>>
    %dma_start3A_63 = arith.constant 0 : i32
    %dma_start3A_64 = tpu.memref_slice %arg10[%add3A_60, %dma_start3A_63] : memref<10240x128xf32, #tpu.memory_space<vmem_shared>> -> memref<32x128xf32, #tpu.memory_space<vmem_shared>>
    tpu.enqueue_dma source(%arg6 : memref<32x128xf32, #tpu.memory_space<vmem>>) target(%dma_start3A_64 : memref<32x128xf32, #tpu.memory_space<vmem_shared>>) target_semaphore(%arg11 : memref<!tpu.dma_semaphore, #tpu.memory_space<semaphore_mem>>)
    %mul3A_65 = arith.constant 640 : i32
    %mul3A_66 = arith.muli %arg1, %mul3A_65 : i32
    %add3A_67 = arith.constant 224 : i32
    %add3A_68 = arith.addi %mul3A_66, %add3A_67 : i32
    %dma_start3A_69 = arith.constant 0 : i32
    %dma_start3A_70 = tpu.memref_slice %arg10[%add3A_68, %dma_start3A_69] : memref<10240x128xf32, #tpu.memory_space<vmem_shared>> -> memref<32x128xf32, #tpu.memory_space<vmem_shared>>
    %dma_start3A_71 = arith.constant 0 : i32
    %dma_start3A_72 = tpu.memref_slice %arg10[%add3A_68, %dma_start3A_71] : memref<10240x128xf32, #tpu.memory_space<vmem_shared>> -> memref<32x128xf32, #tpu.memory_space<vmem_shared>>
    tpu.enqueue_dma source(%arg6 : memref<32x128xf32, #tpu.memory_space<vmem>>) target(%dma_start3A_72 : memref<32x128xf32, #tpu.memory_space<vmem_shared>>) target_semaphore(%arg11 : memref<!tpu.dma_semaphore, #tpu.memory_space<semaphore_mem>>)
    %mul3A_73 = arith.constant 640 : i32
    %mul3A_74 = arith.muli %arg1, %mul3A_73 : i32
    %add3A_75 = arith.constant 256 : i32
    %add3A_76 = arith.addi %mul3A_74, %add3A_75 : i32
    %dma_start3A_77 = arith.constant 0 : i32
    %dma_start3A_78 = tpu.memref_slice %arg10[%add3A_76, %dma_start3A_77] : memref<10240x128xf32, #tpu.memory_space<vmem_shared>> -> memref<32x128xf32, #tpu.memory_space<vmem_shared>>
    %dma_start3A_79 = arith.constant 0 : i32
    %dma_start3A_80 = tpu.memref_slice %arg10[%add3A_76, %dma_start3A_79] : memref<10240x128xf32, #tpu.memory_space<vmem_shared>> -> memref<32x128xf32, #tpu.memory_space<vmem_shared>>
    tpu.enqueue_dma source(%arg6 : memref<32x128xf32, #tpu.memory_space<vmem>>) target(%dma_start3A_80 : memref<32x128xf32, #tpu.memory_space<vmem_shared>>) target_semaphore(%arg11 : memref<!tpu.dma_semaphore, #tpu.memory_space<semaphore_mem>>)
    %mul3A_81 = arith.constant 640 : i32
    %mul3A_82 = arith.muli %arg1, %mul3A_81 : i32
    %add3A_83 = arith.constant 288 : i32
    %add3A_84 = arith.addi %mul3A_82, %add3A_83 : i32
    %dma_start3A_85 = arith.constant 0 : i32
    %dma_start3A_86 = tpu.memref_slice %arg10[%add3A_84, %dma_start3A_85] : memref<10240x128xf32, #tpu.memory_space<vmem_shared>> -> memref<32x128xf32, #tpu.memory_space<vmem_shared>>
    %dma_start3A_87 = arith.constant 0 : i32
    %dma_start3A_88 = tpu.memref_slice %arg10[%add3A_84, %dma_start3A_87] : memref<10240x128xf32, #tpu.memory_space<vmem_shared>> -> memref<32x128xf32, #tpu.memory_space<vmem_shared>>
    tpu.enqueue_dma source(%arg6 : memref<32x128xf32, #tpu.memory_space<vmem>>) target(%dma_start3A_88 : memref<32x128xf32, #tpu.memory_space<vmem_shared>>) target_semaphore(%arg11 : memref<!tpu.dma_semaphore, #tpu.memory_space<semaphore_mem>>)
    %mul3A_89 = arith.constant 640 : i32
    %mul3A_90 = arith.muli %arg1, %mul3A_89 : i32
    %add3A_91 = arith.constant 320 : i32
    %add3A_92 = arith.addi %mul3A_90, %add3A_91 : i32
    %dma_start3A_93 = arith.constant 0 : i32
    %dma_start3A_94 = tpu.memref_slice %arg10[%add3A_92, %dma_start3A_93] : memref<10240x128xf32, #tpu.memory_space<vmem_shared>> -> memref<32x128xf32, #tpu.memory_space<vmem_shared>>
    %dma_start3A_95 = arith.constant 0 : i32
    %dma_start3A_96 = tpu.memref_slice %arg10[%add3A_92, %dma_start3A_95] : memref<10240x128xf32, #tpu.memory_space<vmem_shared>> -> memref<32x128xf32, #tpu.memory_space<vmem_shared>>
    tpu.enqueue_dma source(%arg6 : memref<32x128xf32, #tpu.memory_space<vmem>>) target(%dma_start3A_96 : memref<32x128xf32, #tpu.memory_space<vmem_shared>>) target_semaphore(%arg11 : memref<!tpu.dma_semaphore, #tpu.memory_space<semaphore_mem>>)
    %mul3A_97 = arith.constant 640 : i32
    %mul3A_98 = arith.muli %arg1, %mul3A_97 : i32
    %add3A_99 = arith.constant 352 : i32
    %add3A_100 = arith.addi %mul3A_98, %add3A_99 : i32
    %dma_start3A_101 = arith.constant 0 : i32
    %dma_start3A_102 = tpu.memref_slice %arg10[%add3A_100, %dma_start3A_101] : memref<10240x128xf32, #tpu.memory_space<vmem_shared>> -> memref<32x128xf32, #tpu.memory_space<vmem_shared>>
    %dma_start3A_103 = arith.constant 0 : i32
    %dma_start3A_104 = tpu.memref_slice %arg10[%add3A_100, %dma_start3A_103] : memref<10240x128xf32, #tpu.memory_space<vmem_shared>> -> memref<32x128xf32, #tpu.memory_space<vmem_shared>>
    tpu.enqueue_dma source(%arg6 : memref<32x128xf32, #tpu.memory_space<vmem>>) target(%dma_start3A_104 : memref<32x128xf32, #tpu.memory_space<vmem_shared>>) target_semaphore(%arg11 : memref<!tpu.dma_semaphore, #tpu.memory_space<semaphore_mem>>)
    %mul3A_105 = arith.constant 640 : i32
    %mul3A_106 = arith.muli %arg1, %mul3A_105 : i32
    %add3A_107 = arith.constant 384 : i32
    %add3A_108 = arith.addi %mul3A_106, %add3A_107 : i32
    %dma_start3A_109 = arith.constant 0 : i32
    %dma_start3A_110 = tpu.memref_slice %arg10[%add3A_108, %dma_start3A_109] : memref<10240x128xf32, #tpu.memory_space<vmem_shared>> -> memref<32x128xf32, #tpu.memory_space<vmem_shared>>
    %dma_start3A_111 = arith.constant 0 : i32
    %dma_start3A_112 = tpu.memref_slice %arg10[%add3A_108, %dma_start3A_111] : memref<10240x128xf32, #tpu.memory_space<vmem_shared>> -> memref<32x128xf32, #tpu.memory_space<vmem_shared>>
    tpu.enqueue_dma source(%arg6 : memref<32x128xf32, #tpu.memory_space<vmem>>) target(%dma_start3A_112 : memref<32x128xf32, #tpu.memory_space<vmem_shared>>) target_semaphore(%arg11 : memref<!tpu.dma_semaphore, #tpu.memory_space<semaphore_mem>>)
    %mul3A_113 = arith.constant 640 : i32
    %mul3A_114 = arith.muli %arg1, %mul3A_113 : i32
    %add3A_115 = arith.constant 416 : i32
    %add3A_116 = arith.addi %mul3A_114, %add3A_115 : i32
    %dma_start3A_117 = arith.constant 0 : i32
    %dma_start3A_118 = tpu.memref_slice %arg10[%add3A_116, %dma_start3A_117] : memref<10240x128xf32, #tpu.memory_space<vmem_shared>> -> memref<32x128xf32, #tpu.memory_space<vmem_shared>>
    %dma_start3A_119 = arith.constant 0 : i32
    %dma_start3A_120 = tpu.memref_slice %arg10[%add3A_116, %dma_start3A_119] : memref<10240x128xf32, #tpu.memory_space<vmem_shared>> -> memref<32x128xf32, #tpu.memory_space<vmem_shared>>
    tpu.enqueue_dma source(%arg6 : memref<32x128xf32, #tpu.memory_space<vmem>>) target(%dma_start3A_120 : memref<32x128xf32, #tpu.memory_space<vmem_shared>>) target_semaphore(%arg11 : memref<!tpu.dma_semaphore, #tpu.memory_space<semaphore_mem>>)
    %mul3A_121 = arith.constant 640 : i32
    %mul3A_122 = arith.muli %arg1, %mul3A_121 : i32
    %add3A_123 = arith.constant 448 : i32
    %add3A_124 = arith.addi %mul3A_122, %add3A_123 : i32
    %dma_start3A_125 = arith.constant 0 : i32
    %dma_start3A_126 = tpu.memref_slice %arg10[%add3A_124, %dma_start3A_125] : memref<10240x128xf32, #tpu.memory_space<vmem_shared>> -> memref<32x128xf32, #tpu.memory_space<vmem_shared>>
    %dma_start3A_127 = arith.constant 0 : i32
    %dma_start3A_128 = tpu.memref_slice %arg10[%add3A_124, %dma_start3A_127] : memref<10240x128xf32, #tpu.memory_space<vmem_shared>> -> memref<32x128xf32, #tpu.memory_space<vmem_shared>>
    tpu.enqueue_dma source(%arg6 : memref<32x128xf32, #tpu.memory_space<vmem>>) target(%dma_start3A_128 : memref<32x128xf32, #tpu.memory_space<vmem_shared>>) target_semaphore(%arg11 : memref<!tpu.dma_semaphore, #tpu.memory_space<semaphore_mem>>)
    %mul3A_129 = arith.constant 640 : i32
    %mul3A_130 = arith.muli %arg1, %mul3A_129 : i32
    %add3A_131 = arith.constant 480 : i32
    %add3A_132 = arith.addi %mul3A_130, %add3A_131 : i32
    %dma_start3A_133 = arith.constant 0 : i32
    %dma_start3A_134 = tpu.memref_slice %arg10[%add3A_132, %dma_start3A_133] : memref<10240x128xf32, #tpu.memory_space<vmem_shared>> -> memref<32x128xf32, #tpu.memory_space<vmem_shared>>
    %dma_start3A_135 = arith.constant 0 : i32
    %dma_start3A_136 = tpu.memref_slice %arg10[%add3A_132, %dma_start3A_135] : memref<10240x128xf32, #tpu.memory_space<vmem_shared>> -> memref<32x128xf32, #tpu.memory_space<vmem_shared>>
    tpu.enqueue_dma source(%arg6 : memref<32x128xf32, #tpu.memory_space<vmem>>) target(%dma_start3A_136 : memref<32x128xf32, #tpu.memory_space<vmem_shared>>) target_semaphore(%arg11 : memref<!tpu.dma_semaphore, #tpu.memory_space<semaphore_mem>>)
    %mul3A_137 = arith.constant 640 : i32
    %mul3A_138 = arith.muli %arg1, %mul3A_137 : i32
    %add3A_139 = arith.constant 512 : i32
    %add3A_140 = arith.addi %mul3A_138, %add3A_139 : i32
    %dma_start3A_141 = arith.constant 0 : i32
    %dma_start3A_142 = tpu.memref_slice %arg10[%add3A_140, %dma_start3A_141] : memref<10240x128xf32, #tpu.memory_space<vmem_shared>> -> memref<32x128xf32, #tpu.memory_space<vmem_shared>>
    %dma_start3A_143 = arith.constant 0 : i32
    %dma_start3A_144 = tpu.memref_slice %arg10[%add3A_140, %dma_start3A_143] : memref<10240x128xf32, #tpu.memory_space<vmem_shared>> -> memref<32x128xf32, #tpu.memory_space<vmem_shared>>
    tpu.enqueue_dma source(%arg6 : memref<32x128xf32, #tpu.memory_space<vmem>>) target(%dma_start3A_144 : memref<32x128xf32, #tpu.memory_space<vmem_shared>>) target_semaphore(%arg11 : memref<!tpu.dma_semaphore, #tpu.memory_space<semaphore_mem>>)
    %mul3A_145 = arith.constant 640 : i32
    %mul3A_146 = arith.muli %arg1, %mul3A_145 : i32
    %add3A_147 = arith.constant 544 : i32
    %add3A_148 = arith.addi %mul3A_146, %add3A_147 : i32
    %dma_start3A_149 = arith.constant 0 : i32
    %dma_start3A_150 = tpu.memref_slice %arg10[%add3A_148, %dma_start3A_149] : memref<10240x128xf32, #tpu.memory_space<vmem_shared>> -> memref<32x128xf32, #tpu.memory_space<vmem_shared>>
    %dma_start3A_151 = arith.constant 0 : i32
    %dma_start3A_152 = tpu.memref_slice %arg10[%add3A_148, %dma_start3A_151] : memref<10240x128xf32, #tpu.memory_space<vmem_shared>> -> memref<32x128xf32, #tpu.memory_space<vmem_shared>>
    tpu.enqueue_dma source(%arg6 : memref<32x128xf32, #tpu.memory_space<vmem>>) target(%dma_start3A_152 : memref<32x128xf32, #tpu.memory_space<vmem_shared>>) target_semaphore(%arg11 : memref<!tpu.dma_semaphore, #tpu.memory_space<semaphore_mem>>)
    %mul3A_153 = arith.constant 640 : i32
    %mul3A_154 = arith.muli %arg1, %mul3A_153 : i32
    %add3A_155 = arith.constant 576 : i32
    %add3A_156 = arith.addi %mul3A_154, %add3A_155 : i32
    %dma_start3A_157 = arith.constant 0 : i32
    %dma_start3A_158 = tpu.memref_slice %arg10[%add3A_156, %dma_start3A_157] : memref<10240x128xf32, #tpu.memory_space<vmem_shared>> -> memref<32x128xf32, #tpu.memory_space<vmem_shared>>
    %dma_start3A_159 = arith.constant 0 : i32
    %dma_start3A_160 = tpu.memref_slice %arg10[%add3A_156, %dma_start3A_159] : memref<10240x128xf32, #tpu.memory_space<vmem_shared>> -> memref<32x128xf32, #tpu.memory_space<vmem_shared>>
    tpu.enqueue_dma source(%arg6 : memref<32x128xf32, #tpu.memory_space<vmem>>) target(%dma_start3A_160 : memref<32x128xf32, #tpu.memory_space<vmem_shared>>) target_semaphore(%arg11 : memref<!tpu.dma_semaphore, #tpu.memory_space<semaphore_mem>>)
    %mul3A_161 = arith.constant 640 : i32
    %mul3A_162 = arith.muli %arg1, %mul3A_161 : i32
    %add3A_163 = arith.constant 608 : i32
    %add3A_164 = arith.addi %mul3A_162, %add3A_163 : i32
    %dma_start3A_165 = arith.constant 0 : i32
    %dma_start3A_166 = tpu.memref_slice %arg10[%add3A_164, %dma_start3A_165] : memref<10240x128xf32, #tpu.memory_space<vmem_shared>> -> memref<32x128xf32, #tpu.memory_space<vmem_shared>>
    %dma_start3A_167 = arith.constant 0 : i32
    %dma_start3A_168 = tpu.memref_slice %arg10[%add3A_164, %dma_start3A_167] : memref<10240x128xf32, #tpu.memory_space<vmem_shared>> -> memref<32x128xf32, #tpu.memory_space<vmem_shared>>
    tpu.enqueue_dma source(%arg6 : memref<32x128xf32, #tpu.memory_space<vmem>>) target(%dma_start3A_168 : memref<32x128xf32, #tpu.memory_space<vmem_shared>>) target_semaphore(%arg11 : memref<!tpu.dma_semaphore, #tpu.memory_space<semaphore_mem>>)
    %mul3A_169 = arith.constant 640 : i32
    %mul3A_170 = arith.muli %arg1, %mul3A_169 : i32
    %add3A_171 = arith.constant 0 : i32
    %add3A_172 = arith.addi %mul3A_170, %add3A_171 : i32
    %dma_wait3A = arith.constant 0 : i32
    %dma_wait3A_173 = tpu.memref_slice %arg10[%add3A_172, %dma_wait3A] : memref<10240x128xf32, #tpu.memory_space<vmem_shared>> -> memref<32x128xf32, #tpu.memory_space<vmem_shared>>
    %dma_wait3A_174 = arith.constant 0 : i32
    %dma_wait3A_175 = tpu.memref_slice %arg10[%add3A_172, %dma_wait3A_174] : memref<10240x128xf32, #tpu.memory_space<vmem_shared>> -> memref<32x128xf32, #tpu.memory_space<vmem_shared>>
    tpu.wait_dma2 semaphore(%arg11 : memref<!tpu.dma_semaphore, #tpu.memory_space<semaphore_mem>>) src(%arg6 : memref<32x128xf32, #tpu.memory_space<vmem>>) dst(%dma_wait3A_175 : memref<32x128xf32, #tpu.memory_space<vmem_shared>>)
    %mul3A_176 = arith.constant 640 : i32
    %mul3A_177 = arith.muli %arg1, %mul3A_176 : i32
    %add3A_178 = arith.constant 32 : i32
    %add3A_179 = arith.addi %mul3A_177, %add3A_178 : i32
    %dma_wait3A_180 = arith.constant 0 : i32
    %dma_wait3A_181 = tpu.memref_slice %arg10[%add3A_179, %dma_wait3A_180] : memref<10240x128xf32, #tpu.memory_space<vmem_shared>> -> memref<32x128xf32, #tpu.memory_space<vmem_shared>>
    %dma_wait3A_182 = arith.constant 0 : i32
    %dma_wait3A_183 = tpu.memref_slice %arg10[%add3A_179, %dma_wait3A_182] : memref<10240x128xf32, #tpu.memory_space<vmem_shared>> -> memref<32x128xf32, #tpu.memory_space<vmem_shared>>
    tpu.wait_dma2 semaphore(%arg11 : memref<!tpu.dma_semaphore, #tpu.memory_space<semaphore_mem>>) src(%arg6 : memref<32x128xf32, #tpu.memory_space<vmem>>) dst(%dma_wait3A_183 : memref<32x128xf32, #tpu.memory_space<vmem_shared>>)
    %mul3A_184 = arith.constant 640 : i32
    %mul3A_185 = arith.muli %arg1, %mul3A_184 : i32
    %add3A_186 = arith.constant 64 : i32
    %add3A_187 = arith.addi %mul3A_185, %add3A_186 : i32
    %dma_wait3A_188 = arith.constant 0 : i32
    %dma_wait3A_189 = tpu.memref_slice %arg10[%add3A_187, %dma_wait3A_188] : memref<10240x128xf32, #tpu.memory_space<vmem_shared>> -> memref<32x128xf32, #tpu.memory_space<vmem_shared>>
    %dma_wait3A_190 = arith.constant 0 : i32
    %dma_wait3A_191 = tpu.memref_slice %arg10[%add3A_187, %dma_wait3A_190] : memref<10240x128xf32, #tpu.memory_space<vmem_shared>> -> memref<32x128xf32, #tpu.memory_space<vmem_shared>>
    tpu.wait_dma2 semaphore(%arg11 : memref<!tpu.dma_semaphore, #tpu.memory_space<semaphore_mem>>) src(%arg6 : memref<32x128xf32, #tpu.memory_space<vmem>>) dst(%dma_wait3A_191 : memref<32x128xf32, #tpu.memory_space<vmem_shared>>)
    %mul3A_192 = arith.constant 640 : i32
    %mul3A_193 = arith.muli %arg1, %mul3A_192 : i32
    %add3A_194 = arith.constant 96 : i32
    %add3A_195 = arith.addi %mul3A_193, %add3A_194 : i32
    %dma_wait3A_196 = arith.constant 0 : i32
    %dma_wait3A_197 = tpu.memref_slice %arg10[%add3A_195, %dma_wait3A_196] : memref<10240x128xf32, #tpu.memory_space<vmem_shared>> -> memref<32x128xf32, #tpu.memory_space<vmem_shared>>
    %dma_wait3A_198 = arith.constant 0 : i32
    %dma_wait3A_199 = tpu.memref_slice %arg10[%add3A_195, %dma_wait3A_198] : memref<10240x128xf32, #tpu.memory_space<vmem_shared>> -> memref<32x128xf32, #tpu.memory_space<vmem_shared>>
    tpu.wait_dma2 semaphore(%arg11 : memref<!tpu.dma_semaphore, #tpu.memory_space<semaphore_mem>>) src(%arg6 : memref<32x128xf32, #tpu.memory_space<vmem>>) dst(%dma_wait3A_199 : memref<32x128xf32, #tpu.memory_space<vmem_shared>>)
    %mul3A_200 = arith.constant 640 : i32
    %mul3A_201 = arith.muli %arg1, %mul3A_200 : i32
    %add3A_202 = arith.constant 128 : i32
    %add3A_203 = arith.addi %mul3A_201, %add3A_202 : i32
    %dma_wait3A_204 = arith.constant 0 : i32
    %dma_wait3A_205 = tpu.memref_slice %arg10[%add3A_203, %dma_wait3A_204] : memref<10240x128xf32, #tpu.memory_space<vmem_shared>> -> memref<32x128xf32, #tpu.memory_space<vmem_shared>>
    %dma_wait3A_206 = arith.constant 0 : i32
    %dma_wait3A_207 = tpu.memref_slice %arg10[%add3A_203, %dma_wait3A_206] : memref<10240x128xf32, #tpu.memory_space<vmem_shared>> -> memref<32x128xf32, #tpu.memory_space<vmem_shared>>
    tpu.wait_dma2 semaphore(%arg11 : memref<!tpu.dma_semaphore, #tpu.memory_space<semaphore_mem>>) src(%arg6 : memref<32x128xf32, #tpu.memory_space<vmem>>) dst(%dma_wait3A_207 : memref<32x128xf32, #tpu.memory_space<vmem_shared>>)
    %mul3A_208 = arith.constant 640 : i32
    %mul3A_209 = arith.muli %arg1, %mul3A_208 : i32
    %add3A_210 = arith.constant 160 : i32
    %add3A_211 = arith.addi %mul3A_209, %add3A_210 : i32
    %dma_wait3A_212 = arith.constant 0 : i32
    %dma_wait3A_213 = tpu.memref_slice %arg10[%add3A_211, %dma_wait3A_212] : memref<10240x128xf32, #tpu.memory_space<vmem_shared>> -> memref<32x128xf32, #tpu.memory_space<vmem_shared>>
    %dma_wait3A_214 = arith.constant 0 : i32
    %dma_wait3A_215 = tpu.memref_slice %arg10[%add3A_211, %dma_wait3A_214] : memref<10240x128xf32, #tpu.memory_space<vmem_shared>> -> memref<32x128xf32, #tpu.memory_space<vmem_shared>>
    tpu.wait_dma2 semaphore(%arg11 : memref<!tpu.dma_semaphore, #tpu.memory_space<semaphore_mem>>) src(%arg6 : memref<32x128xf32, #tpu.memory_space<vmem>>) dst(%dma_wait3A_215 : memref<32x128xf32, #tpu.memory_space<vmem_shared>>)
    %mul3A_216 = arith.constant 640 : i32
    %mul3A_217 = arith.muli %arg1, %mul3A_216 : i32
    %add3A_218 = arith.constant 192 : i32
    %add3A_219 = arith.addi %mul3A_217, %add3A_218 : i32
    %dma_wait3A_220 = arith.constant 0 : i32
    %dma_wait3A_221 = tpu.memref_slice %arg10[%add3A_219, %dma_wait3A_220] : memref<10240x128xf32, #tpu.memory_space<vmem_shared>> -> memref<32x128xf32, #tpu.memory_space<vmem_shared>>
    %dma_wait3A_222 = arith.constant 0 : i32
    %dma_wait3A_223 = tpu.memref_slice %arg10[%add3A_219, %dma_wait3A_222] : memref<10240x128xf32, #tpu.memory_space<vmem_shared>> -> memref<32x128xf32, #tpu.memory_space<vmem_shared>>
    tpu.wait_dma2 semaphore(%arg11 : memref<!tpu.dma_semaphore, #tpu.memory_space<semaphore_mem>>) src(%arg6 : memref<32x128xf32, #tpu.memory_space<vmem>>) dst(%dma_wait3A_223 : memref<32x128xf32, #tpu.memory_space<vmem_shared>>)
    %mul3A_224 = arith.constant 640 : i32
    %mul3A_225 = arith.muli %arg1, %mul3A_224 : i32
    %add3A_226 = arith.constant 224 : i32
    %add3A_227 = arith.addi %mul3A_225, %add3A_226 : i32
    %dma_wait3A_228 = arith.constant 0 : i32
    %dma_wait3A_229 = tpu.memref_slice %arg10[%add3A_227, %dma_wait3A_228] : memref<10240x128xf32, #tpu.memory_space<vmem_shared>> -> memref<32x128xf32, #tpu.memory_space<vmem_shared>>
    %dma_wait3A_230 = arith.constant 0 : i32
    %dma_wait3A_231 = tpu.memref_slice %arg10[%add3A_227, %dma_wait3A_230] : memref<10240x128xf32, #tpu.memory_space<vmem_shared>> -> memref<32x128xf32, #tpu.memory_space<vmem_shared>>
    tpu.wait_dma2 semaphore(%arg11 : memref<!tpu.dma_semaphore, #tpu.memory_space<semaphore_mem>>) src(%arg6 : memref<32x128xf32, #tpu.memory_space<vmem>>) dst(%dma_wait3A_231 : memref<32x128xf32, #tpu.memory_space<vmem_shared>>)
    %mul3A_232 = arith.constant 640 : i32
    %mul3A_233 = arith.muli %arg1, %mul3A_232 : i32
    %add3A_234 = arith.constant 256 : i32
    %add3A_235 = arith.addi %mul3A_233, %add3A_234 : i32
    %dma_wait3A_236 = arith.constant 0 : i32
    %dma_wait3A_237 = tpu.memref_slice %arg10[%add3A_235, %dma_wait3A_236] : memref<10240x128xf32, #tpu.memory_space<vmem_shared>> -> memref<32x128xf32, #tpu.memory_space<vmem_shared>>
    %dma_wait3A_238 = arith.constant 0 : i32
    %dma_wait3A_239 = tpu.memref_slice %arg10[%add3A_235, %dma_wait3A_238] : memref<10240x128xf32, #tpu.memory_space<vmem_shared>> -> memref<32x128xf32, #tpu.memory_space<vmem_shared>>
    tpu.wait_dma2 semaphore(%arg11 : memref<!tpu.dma_semaphore, #tpu.memory_space<semaphore_mem>>) src(%arg6 : memref<32x128xf32, #tpu.memory_space<vmem>>) dst(%dma_wait3A_239 : memref<32x128xf32, #tpu.memory_space<vmem_shared>>)
    %mul3A_240 = arith.constant 640 : i32
    %mul3A_241 = arith.muli %arg1, %mul3A_240 : i32
    %add3A_242 = arith.constant 288 : i32
    %add3A_243 = arith.addi %mul3A_241, %add3A_242 : i32
    %dma_wait3A_244 = arith.constant 0 : i32
    %dma_wait3A_245 = tpu.memref_slice %arg10[%add3A_243, %dma_wait3A_244] : memref<10240x128xf32, #tpu.memory_space<vmem_shared>> -> memref<32x128xf32, #tpu.memory_space<vmem_shared>>
    %dma_wait3A_246 = arith.constant 0 : i32
    %dma_wait3A_247 = tpu.memref_slice %arg10[%add3A_243, %dma_wait3A_246] : memref<10240x128xf32, #tpu.memory_space<vmem_shared>> -> memref<32x128xf32, #tpu.memory_space<vmem_shared>>
    tpu.wait_dma2 semaphore(%arg11 : memref<!tpu.dma_semaphore, #tpu.memory_space<semaphore_mem>>) src(%arg6 : memref<32x128xf32, #tpu.memory_space<vmem>>) dst(%dma_wait3A_247 : memref<32x128xf32, #tpu.memory_space<vmem_shared>>)
    %mul3A_248 = arith.constant 640 : i32
    %mul3A_249 = arith.muli %arg1, %mul3A_248 : i32
    %add3A_250 = arith.constant 320 : i32
    %add3A_251 = arith.addi %mul3A_249, %add3A_250 : i32
    %dma_wait3A_252 = arith.constant 0 : i32
    %dma_wait3A_253 = tpu.memref_slice %arg10[%add3A_251, %dma_wait3A_252] : memref<10240x128xf32, #tpu.memory_space<vmem_shared>> -> memref<32x128xf32, #tpu.memory_space<vmem_shared>>
    %dma_wait3A_254 = arith.constant 0 : i32
    %dma_wait3A_255 = tpu.memref_slice %arg10[%add3A_251, %dma_wait3A_254] : memref<10240x128xf32, #tpu.memory_space<vmem_shared>> -> memref<32x128xf32, #tpu.memory_space<vmem_shared>>
    tpu.wait_dma2 semaphore(%arg11 : memref<!tpu.dma_semaphore, #tpu.memory_space<semaphore_mem>>) src(%arg6 : memref<32x128xf32, #tpu.memory_space<vmem>>) dst(%dma_wait3A_255 : memref<32x128xf32, #tpu.memory_space<vmem_shared>>)
    %mul3A_256 = arith.constant 640 : i32
    %mul3A_257 = arith.muli %arg1, %mul3A_256 : i32
    %add3A_258 = arith.constant 352 : i32
    %add3A_259 = arith.addi %mul3A_257, %add3A_258 : i32
    %dma_wait3A_260 = arith.constant 0 : i32
    %dma_wait3A_261 = tpu.memref_slice %arg10[%add3A_259, %dma_wait3A_260] : memref<10240x128xf32, #tpu.memory_space<vmem_shared>> -> memref<32x128xf32, #tpu.memory_space<vmem_shared>>
    %dma_wait3A_262 = arith.constant 0 : i32
    %dma_wait3A_263 = tpu.memref_slice %arg10[%add3A_259, %dma_wait3A_262] : memref<10240x128xf32, #tpu.memory_space<vmem_shared>> -> memref<32x128xf32, #tpu.memory_space<vmem_shared>>
    tpu.wait_dma2 semaphore(%arg11 : memref<!tpu.dma_semaphore, #tpu.memory_space<semaphore_mem>>) src(%arg6 : memref<32x128xf32, #tpu.memory_space<vmem>>) dst(%dma_wait3A_263 : memref<32x128xf32, #tpu.memory_space<vmem_shared>>)
    %mul3A_264 = arith.constant 640 : i32
    %mul3A_265 = arith.muli %arg1, %mul3A_264 : i32
    %add3A_266 = arith.constant 384 : i32
    %add3A_267 = arith.addi %mul3A_265, %add3A_266 : i32
    %dma_wait3A_268 = arith.constant 0 : i32
    %dma_wait3A_269 = tpu.memref_slice %arg10[%add3A_267, %dma_wait3A_268] : memref<10240x128xf32, #tpu.memory_space<vmem_shared>> -> memref<32x128xf32, #tpu.memory_space<vmem_shared>>
    %dma_wait3A_270 = arith.constant 0 : i32
    %dma_wait3A_271 = tpu.memref_slice %arg10[%add3A_267, %dma_wait3A_270] : memref<10240x128xf32, #tpu.memory_space<vmem_shared>> -> memref<32x128xf32, #tpu.memory_space<vmem_shared>>
    tpu.wait_dma2 semaphore(%arg11 : memref<!tpu.dma_semaphore, #tpu.memory_space<semaphore_mem>>) src(%arg6 : memref<32x128xf32, #tpu.memory_space<vmem>>) dst(%dma_wait3A_271 : memref<32x128xf32, #tpu.memory_space<vmem_shared>>)
    %mul3A_272 = arith.constant 640 : i32
    %mul3A_273 = arith.muli %arg1, %mul3A_272 : i32
    %add3A_274 = arith.constant 416 : i32
    %add3A_275 = arith.addi %mul3A_273, %add3A_274 : i32
    %dma_wait3A_276 = arith.constant 0 : i32
    %dma_wait3A_277 = tpu.memref_slice %arg10[%add3A_275, %dma_wait3A_276] : memref<10240x128xf32, #tpu.memory_space<vmem_shared>> -> memref<32x128xf32, #tpu.memory_space<vmem_shared>>
    %dma_wait3A_278 = arith.constant 0 : i32
    %dma_wait3A_279 = tpu.memref_slice %arg10[%add3A_275, %dma_wait3A_278] : memref<10240x128xf32, #tpu.memory_space<vmem_shared>> -> memref<32x128xf32, #tpu.memory_space<vmem_shared>>
    tpu.wait_dma2 semaphore(%arg11 : memref<!tpu.dma_semaphore, #tpu.memory_space<semaphore_mem>>) src(%arg6 : memref<32x128xf32, #tpu.memory_space<vmem>>) dst(%dma_wait3A_279 : memref<32x128xf32, #tpu.memory_space<vmem_shared>>)
    %mul3A_280 = arith.constant 640 : i32
    %mul3A_281 = arith.muli %arg1, %mul3A_280 : i32
    %add3A_282 = arith.constant 448 : i32
    %add3A_283 = arith.addi %mul3A_281, %add3A_282 : i32
    %dma_wait3A_284 = arith.constant 0 : i32
    %dma_wait3A_285 = tpu.memref_slice %arg10[%add3A_283, %dma_wait3A_284] : memref<10240x128xf32, #tpu.memory_space<vmem_shared>> -> memref<32x128xf32, #tpu.memory_space<vmem_shared>>
    %dma_wait3A_286 = arith.constant 0 : i32
    %dma_wait3A_287 = tpu.memref_slice %arg10[%add3A_283, %dma_wait3A_286] : memref<10240x128xf32, #tpu.memory_space<vmem_shared>> -> memref<32x128xf32, #tpu.memory_space<vmem_shared>>
    tpu.wait_dma2 semaphore(%arg11 : memref<!tpu.dma_semaphore, #tpu.memory_space<semaphore_mem>>) src(%arg6 : memref<32x128xf32, #tpu.memory_space<vmem>>) dst(%dma_wait3A_287 : memref<32x128xf32, #tpu.memory_space<vmem_shared>>)
    %mul3A_288 = arith.constant 640 : i32
    %mul3A_289 = arith.muli %arg1, %mul3A_288 : i32
    %add3A_290 = arith.constant 480 : i32
    %add3A_291 = arith.addi %mul3A_289, %add3A_290 : i32
    %dma_wait3A_292 = arith.constant 0 : i32
    %dma_wait3A_293 = tpu.memref_slice %arg10[%add3A_291, %dma_wait3A_292] : memref<10240x128xf32, #tpu.memory_space<vmem_shared>> -> memref<32x128xf32, #tpu.memory_space<vmem_shared>>
    %dma_wait3A_294 = arith.constant 0 : i32
    %dma_wait3A_295 = tpu.memref_slice %arg10[%add3A_291, %dma_wait3A_294] : memref<10240x128xf32, #tpu.memory_space<vmem_shared>> -> memref<32x128xf32, #tpu.memory_space<vmem_shared>>
    tpu.wait_dma2 semaphore(%arg11 : memref<!tpu.dma_semaphore, #tpu.memory_space<semaphore_mem>>) src(%arg6 : memref<32x128xf32, #tpu.memory_space<vmem>>) dst(%dma_wait3A_295 : memref<32x128xf32, #tpu.memory_space<vmem_shared>>)
    %mul3A_296 = arith.constant 640 : i32
    %mul3A_297 = arith.muli %arg1, %mul3A_296 : i32
    %add3A_298 = arith.constant 512 : i32
    %add3A_299 = arith.addi %mul3A_297, %add3A_298 : i32
    %dma_wait3A_300 = arith.constant 0 : i32
    %dma_wait3A_301 = tpu.memref_slice %arg10[%add3A_299, %dma_wait3A_300] : memref<10240x128xf32, #tpu.memory_space<vmem_shared>> -> memref<32x128xf32, #tpu.memory_space<vmem_shared>>
    %dma_wait3A_302 = arith.constant 0 : i32
    %dma_wait3A_303 = tpu.memref_slice %arg10[%add3A_299, %dma_wait3A_302] : memref<10240x128xf32, #tpu.memory_space<vmem_shared>> -> memref<32x128xf32, #tpu.memory_space<vmem_shared>>
    tpu.wait_dma2 semaphore(%arg11 : memref<!tpu.dma_semaphore, #tpu.memory_space<semaphore_mem>>) src(%arg6 : memref<32x128xf32, #tpu.memory_space<vmem>>) dst(%dma_wait3A_303 : memref<32x128xf32, #tpu.memory_space<vmem_shared>>)
    %mul3A_304 = arith.constant 640 : i32
    %mul3A_305 = arith.muli %arg1, %mul3A_304 : i32
    %add3A_306 = arith.constant 544 : i32
    %add3A_307 = arith.addi %mul3A_305, %add3A_306 : i32
    %dma_wait3A_308 = arith.constant 0 : i32
    %dma_wait3A_309 = tpu.memref_slice %arg10[%add3A_307, %dma_wait3A_308] : memref<10240x128xf32, #tpu.memory_space<vmem_shared>> -> memref<32x128xf32, #tpu.memory_space<vmem_shared>>
    %dma_wait3A_310 = arith.constant 0 : i32
    %dma_wait3A_311 = tpu.memref_slice %arg10[%add3A_307, %dma_wait3A_310] : memref<10240x128xf32, #tpu.memory_space<vmem_shared>> -> memref<32x128xf32, #tpu.memory_space<vmem_shared>>
    tpu.wait_dma2 semaphore(%arg11 : memref<!tpu.dma_semaphore, #tpu.memory_space<semaphore_mem>>) src(%arg6 : memref<32x128xf32, #tpu.memory_space<vmem>>) dst(%dma_wait3A_311 : memref<32x128xf32, #tpu.memory_space<vmem_shared>>)
    %mul3A_312 = arith.constant 640 : i32
    %mul3A_313 = arith.muli %arg1, %mul3A_312 : i32
    %add3A_314 = arith.constant 576 : i32
    %add3A_315 = arith.addi %mul3A_313, %add3A_314 : i32
    %dma_wait3A_316 = arith.constant 0 : i32
    %dma_wait3A_317 = tpu.memref_slice %arg10[%add3A_315, %dma_wait3A_316] : memref<10240x128xf32, #tpu.memory_space<vmem_shared>> -> memref<32x128xf32, #tpu.memory_space<vmem_shared>>
    %dma_wait3A_318 = arith.constant 0 : i32
    %dma_wait3A_319 = tpu.memref_slice %arg10[%add3A_315, %dma_wait3A_318] : memref<10240x128xf32, #tpu.memory_space<vmem_shared>> -> memref<32x128xf32, #tpu.memory_space<vmem_shared>>
    tpu.wait_dma2 semaphore(%arg11 : memref<!tpu.dma_semaphore, #tpu.memory_space<semaphore_mem>>) src(%arg6 : memref<32x128xf32, #tpu.memory_space<vmem>>) dst(%dma_wait3A_319 : memref<32x128xf32, #tpu.memory_space<vmem_shared>>)
    %mul3A_320 = arith.constant 640 : i32
    %mul3A_321 = arith.muli %arg1, %mul3A_320 : i32
    %add3A_322 = arith.constant 608 : i32
    %add3A_323 = arith.addi %mul3A_321, %add3A_322 : i32
    %dma_wait3A_324 = arith.constant 0 : i32
    %dma_wait3A_325 = tpu.memref_slice %arg10[%add3A_323, %dma_wait3A_324] : memref<10240x128xf32, #tpu.memory_space<vmem_shared>> -> memref<32x128xf32, #tpu.memory_space<vmem_shared>>
    %dma_wait3A_326 = arith.constant 0 : i32
    %dma_wait3A_327 = tpu.memref_slice %arg10[%add3A_323, %dma_wait3A_326] : memref<10240x128xf32, #tpu.memory_space<vmem_shared>> -> memref<32x128xf32, #tpu.memory_space<vmem_shared>>
    tpu.wait_dma2 semaphore(%arg11 : memref<!tpu.dma_semaphore, #tpu.memory_space<semaphore_mem>>) src(%arg6 : memref<32x128xf32, #tpu.memory_space<vmem>>) dst(%dma_wait3A_327 : memref<32x128xf32, #tpu.memory_space<vmem_shared>>)
    %add3A_328 = arith.constant 0 : i32
    %add3A_329 = arith.addi %mul3A_2, %add3A_328 : i32
    %dma_start3A_330 = arith.constant 0 : i32
    %dma_start3A_331 = arith.constant 0 : i32
    %dma_start3A_332 = tpu.memref_slice %arg7[%dma_start3A_330, %dma_start3A_331] : memref<4x80xi32, #tpu.memory_space<vmem>> -> memref<1x80xi32, #tpu.memory_space<vmem>>
    %dma_start3A_333 = tpu.memref_squeeze %dma_start3A_332 : memref<1x80xi32, #tpu.memory_space<vmem>> -> memref<80xi32, #tpu.memory_space<vmem>>
    %dma_start3A_334 = tpu.memref_slice %arg2[%add3A_329] : memref<320000xi32, #tpu.memory_space<hbm>> -> memref<80xi32, #tpu.memory_space<hbm>>
    %dma_start3A_335 = arith.constant 0 : i32
    %dma_start3A_336 = tpu.memref_slice %arg7[%dma_start3A_330, %dma_start3A_335] : memref<4x80xi32, #tpu.memory_space<vmem>> -> memref<1x80xi32, #tpu.memory_space<vmem>>
    %dma_start3A_337 = tpu.memref_squeeze %dma_start3A_336 : memref<1x80xi32, #tpu.memory_space<vmem>> -> memref<80xi32, #tpu.memory_space<vmem>>
    %dma_start3A_338 = tpu.memref_slice %arg2[%add3A_329] : memref<320000xi32, #tpu.memory_space<hbm>> -> memref<80xi32, #tpu.memory_space<hbm>>
    tpu.enqueue_dma source(%dma_start3A_338 : memref<80xi32, #tpu.memory_space<hbm>>) target(%dma_start3A_337 : memref<80xi32, #tpu.memory_space<vmem>>) target_semaphore(%arg11 : memref<!tpu.dma_semaphore, #tpu.memory_space<semaphore_mem>>)
    %dma_start3A_339 = arith.constant 0 : i32
    %dma_start3A_340 = arith.constant 0 : i32
    %dma_start3A_341 = tpu.memref_slice %arg8[%dma_start3A_339, %dma_start3A_340] : memref<4x80xi32, #tpu.memory_space<vmem>> -> memref<1x80xi32, #tpu.memory_space<vmem>>
    %dma_start3A_342 = tpu.memref_squeeze %dma_start3A_341 : memref<1x80xi32, #tpu.memory_space<vmem>> -> memref<80xi32, #tpu.memory_space<vmem>>
    %dma_start3A_343 = tpu.memref_slice %arg3[%add3A_329] : memref<320000xi32, #tpu.memory_space<hbm>> -> memref<80xi32, #tpu.memory_space<hbm>>
    %dma_start3A_344 = arith.constant 0 : i32
    %dma_start3A_345 = tpu.memref_slice %arg8[%dma_start3A_339, %dma_start3A_344] : memref<4x80xi32, #tpu.memory_space<vmem>> -> memref<1x80xi32, #tpu.memory_space<vmem>>
    %dma_start3A_346 = tpu.memref_squeeze %dma_start3A_345 : memref<1x80xi32, #tpu.memory_space<vmem>> -> memref<80xi32, #tpu.memory_space<vmem>>
    %dma_start3A_347 = tpu.memref_slice %arg3[%add3A_329] : memref<320000xi32, #tpu.memory_space<hbm>> -> memref<80xi32, #tpu.memory_space<hbm>>
    tpu.enqueue_dma source(%dma_start3A_347 : memref<80xi32, #tpu.memory_space<hbm>>) target(%dma_start3A_346 : memref<80xi32, #tpu.memory_space<vmem>>) target_semaphore(%arg11 : memref<!tpu.dma_semaphore, #tpu.memory_space<semaphore_mem>>)
    %barrier3A = arith.constant 0 : index
    tpu.barrier barrier_id(%barrier3A)
    %scan3A_348 = arith.constant 0 : i32
    %scan3A_349 = arith.constant 0 : i32
    %scan3A_350 = arith.constant 125 : i32
    %scan3A_351 = arith.addi %scan3A_349, %scan3A_350 : i32
    %scan3A_352 = arith.constant 1 : i32
    %scan3A_353 = scf.for %scan3A_435 = %scan3A_349 to %scan3A_351 step %scan3A_352 iter_args(%scan3A_436 = %scan3A_348) -> (i32)  : i32 {
      %rem3A = arith.constant 4 : i32
      %rem3A_437 = arith.remsi %scan3A_435, %rem3A : i32
      %add3A_438 = arith.constant 1 : i32
      %add3A_439 = arith.addi %scan3A_435, %add3A_438 : i32
      %rem3A_440 = arith.constant 4 : i32
      %rem3A_441 = arith.remsi %add3A_439, %rem3A_440 : i32
      %add3A_442 = arith.constant 4 : i32
      %add3A_443 = arith.addi %scan3A_435, %add3A_442 : i32
      %sub3A = arith.constant 1 : i32
      %sub3A_444 = arith.subi %add3A_443, %sub3A : i32
      %rem3A_445 = arith.constant 4 : i32
      %rem3A_446 = arith.remsi %sub3A_444, %rem3A_445 : i32
      %add3A_447 = arith.constant 4 : i32
      %add3A_448 = arith.addi %scan3A_435, %add3A_447 : i32
      %sub3A_449 = arith.constant 3 : i32
      %sub3A_450 = arith.subi %add3A_448, %sub3A_449 : i32
      %rem3A_451 = arith.constant 4 : i32
      %rem3A_452 = arith.remsi %sub3A_450, %rem3A_451 : i32
      %mul3A_453 = arith.constant 80 : i32
      %mul3A_454 = arith.muli %scan3A_435, %mul3A_453 : i32
      %add3A_455 = arith.addi %mul3A_2, %mul3A_454 : i32
      %dma_wait3A_456 = arith.constant 0 : i32
      %dma_wait3A_457 = tpu.memref_slice %arg7[%rem3A_437, %dma_wait3A_456] : memref<4x80xi32, #tpu.memory_space<vmem>> -> memref<1x80xi32, #tpu.memory_space<vmem>>
      %dma_wait3A_458 = tpu.memref_squeeze %dma_wait3A_457 : memref<1x80xi32, #tpu.memory_space<vmem>> -> memref<80xi32, #tpu.memory_space<vmem>>
      %dma_wait3A_459 = tpu.memref_slice %arg2[%add3A_455] : memref<320000xi32, #tpu.memory_space<hbm>> -> memref<80xi32, #tpu.memory_space<hbm>>
      %dma_wait3A_460 = arith.constant 0 : i32
      %dma_wait3A_461 = tpu.memref_slice %arg7[%rem3A_437, %dma_wait3A_460] : memref<4x80xi32, #tpu.memory_space<vmem>> -> memref<1x80xi32, #tpu.memory_space<vmem>>
      %dma_wait3A_462 = tpu.memref_squeeze %dma_wait3A_461 : memref<1x80xi32, #tpu.memory_space<vmem>> -> memref<80xi32, #tpu.memory_space<vmem>>
      %dma_wait3A_463 = tpu.memref_slice %arg2[%add3A_455] : memref<320000xi32, #tpu.memory_space<hbm>> -> memref<80xi32, #tpu.memory_space<hbm>>
      tpu.wait_dma2 semaphore(%arg11 : memref<!tpu.dma_semaphore, #tpu.memory_space<semaphore_mem>>) src(%dma_wait3A_463 : memref<80xi32, #tpu.memory_space<hbm>>) dst(%dma_wait3A_462 : memref<80xi32, #tpu.memory_space<vmem>>)
      %dma_wait3A_464 = arith.constant 0 : i32
      %dma_wait3A_465 = tpu.memref_slice %arg8[%rem3A_437, %dma_wait3A_464] : memref<4x80xi32, #tpu.memory_space<vmem>> -> memref<1x80xi32, #tpu.memory_space<vmem>>
      %dma_wait3A_466 = tpu.memref_squeeze %dma_wait3A_465 : memref<1x80xi32, #tpu.memory_space<vmem>> -> memref<80xi32, #tpu.memory_space<vmem>>
      %dma_wait3A_467 = tpu.memref_slice %arg3[%add3A_455] : memref<320000xi32, #tpu.memory_space<hbm>> -> memref<80xi32, #tpu.memory_space<hbm>>
      %dma_wait3A_468 = arith.constant 0 : i32
      %dma_wait3A_469 = tpu.memref_slice %arg8[%rem3A_437, %dma_wait3A_468] : memref<4x80xi32, #tpu.memory_space<vmem>> -> memref<1x80xi32, #tpu.memory_space<vmem>>
      %dma_wait3A_470 = tpu.memref_squeeze %dma_wait3A_469 : memref<1x80xi32, #tpu.memory_space<vmem>> -> memref<80xi32, #tpu.memory_space<vmem>>
      %dma_wait3A_471 = tpu.memref_slice %arg3[%add3A_455] : memref<320000xi32, #tpu.memory_space<hbm>> -> memref<80xi32, #tpu.memory_space<hbm>>
      tpu.wait_dma2 semaphore(%arg11 : memref<!tpu.dma_semaphore, #tpu.memory_space<semaphore_mem>>) src(%dma_wait3A_471 : memref<80xi32, #tpu.memory_space<hbm>>) dst(%dma_wait3A_470 : memref<80xi32, #tpu.memory_space<vmem>>)
      %dma_start3A_472 = arith.constant 0 : i32
      %dma_start3A_473 = arith.constant 0 : i32
      %dma_start3A_474 = tpu.memref_slice %arg9[%rem3A_437, %dma_start3A_472, %dma_start3A_473] : memref<4x80x128xf32, #tpu.memory_space<vmem>> -> memref<1x80x128xf32, #tpu.memory_space<vmem>>
      %dma_start3A_475 = tpu.memref_squeeze %dma_start3A_474 : memref<1x80x128xf32, #tpu.memory_space<vmem>> -> memref<80x128xf32, #tpu.memory_space<vmem>>
      %dma_start3A_476 = arith.constant 0 : i32
      %dma_start3A_477 = tpu.memref_slice %arg7[%rem3A_437, %dma_start3A_476] : memref<4x80xi32, #tpu.memory_space<vmem>> -> memref<1x80xi32, #tpu.memory_space<vmem>>
      %dma_start3A_478 = tpu.memref_squeeze %dma_start3A_477 : memref<1x80xi32, #tpu.memory_space<vmem>> -> memref<80xi32, #tpu.memory_space<vmem>>
      %dma_start3A_479 = arith.constant 0 : i32
      %dma_start3A_480 = arith.constant 0 : i32
      %dma_start3A_481 = tpu.memref_slice %arg4[%dma_start3A_479, %dma_start3A_480] : memref<10000x128xf32, #tpu.memory_space<hbm>> -> memref<10000x128xf32, #tpu.memory_space<hbm>>
      %dma_start3A_482 = tpu.memref_slice %arg12[%rem3A_437] : memref<4x!tpu.dma_semaphore, #tpu.memory_space<semaphore_mem>> -> memref<1x!tpu.dma_semaphore, #tpu.memory_space<semaphore_mem>>
      %dma_start3A_483 = tpu.memref_squeeze %dma_start3A_482 : memref<1x!tpu.dma_semaphore, #tpu.memory_space<semaphore_mem>> -> memref<!tpu.dma_semaphore, #tpu.memory_space<semaphore_mem>>
      tpu.enqueue_indirect_dma source(%dma_start3A_481 : memref<10000x128xf32, #tpu.memory_space<hbm>>) target(%dma_start3A_475 : memref<80x128xf32, #tpu.memory_space<vmem>>) offsets(%dma_start3A_478 : memref<80xi32, #tpu.memory_space<vmem>>) semaphore(%dma_start3A_483 : memref<!tpu.dma_semaphore, #tpu.memory_space<semaphore_mem>>)
      %gt3A = arith.constant 0 : i32
      %gt3A_484 = arith.cmpi sgt, %scan3A_435, %gt3A : i32
      %convert_element_type3A = arith.extui %gt3A_484 : i1 to i32
      %cond3A = arith.constant 0 : i32
      %cond3A_485 = arith.cmpi ne, %convert_element_type3A, %cond3A : i32
      scf.if %cond3A_485 {
        %dma_wait3A_496 = arith.constant 0 : i32
        %dma_wait3A_497 = arith.constant 0 : i32
        %dma_wait3A_498 = tpu.memref_slice %arg9[%rem3A_446, %dma_wait3A_496, %dma_wait3A_497] : memref<4x80x128xf32, #tpu.memory_space<vmem>> -> memref<1x80x128xf32, #tpu.memory_space<vmem>>
        %dma_wait3A_499 = tpu.memref_squeeze %dma_wait3A_498 : memref<1x80x128xf32, #tpu.memory_space<vmem>> -> memref<80x128xf32, #tpu.memory_space<vmem>>
        %dma_wait3A_500 = arith.constant 0 : i32
        %dma_wait3A_501 = tpu.memref_slice %arg7[%rem3A_446, %dma_wait3A_500] : memref<4x80xi32, #tpu.memory_space<vmem>> -> memref<1x80xi32, #tpu.memory_space<vmem>>
        %dma_wait3A_502 = tpu.memref_squeeze %dma_wait3A_501 : memref<1x80xi32, #tpu.memory_space<vmem>> -> memref<80xi32, #tpu.memory_space<vmem>>
        %dma_wait3A_503 = arith.constant 0 : i32
        %dma_wait3A_504 = arith.constant 0 : i32
        %dma_wait3A_505 = tpu.memref_slice %arg4[%dma_wait3A_503, %dma_wait3A_504] : memref<10000x128xf32, #tpu.memory_space<hbm>> -> memref<10000x128xf32, #tpu.memory_space<hbm>>
        %dma_wait3A_506 = tpu.memref_slice %arg12[%rem3A_446] : memref<4x!tpu.dma_semaphore, #tpu.memory_space<semaphore_mem>> -> memref<1x!tpu.dma_semaphore, #tpu.memory_space<semaphore_mem>>
        %dma_wait3A_507 = tpu.memref_squeeze %dma_wait3A_506 : memref<1x!tpu.dma_semaphore, #tpu.memory_space<semaphore_mem>> -> memref<!tpu.dma_semaphore, #tpu.memory_space<semaphore_mem>>
        tpu.wait_indirect_dma semaphore(%dma_wait3A_507 : memref<!tpu.dma_semaphore, #tpu.memory_space<semaphore_mem>>) src(%dma_wait3A_505 : memref<10000x128xf32, #tpu.memory_space<hbm>>) dst(%dma_wait3A_499 : memref<80x128xf32, #tpu.memory_space<vmem>>)
        %dma_start3A_508 = arith.constant 0 : i32
        %dma_start3A_509 = arith.constant 0 : i32
        %dma_start3A_510 = tpu.memref_slice %arg9[%rem3A_446, %dma_start3A_508, %dma_start3A_509] : memref<4x80x128xf32, #tpu.memory_space<vmem>> -> memref<1x80x128xf32, #tpu.memory_space<vmem>>
        %dma_start3A_511 = tpu.memref_squeeze %dma_start3A_510 : memref<1x80x128xf32, #tpu.memory_space<vmem>> -> memref<80x128xf32, #tpu.memory_space<vmem>>
        %dma_start3A_512 = arith.constant 0 : i32
        %dma_start3A_513 = tpu.memref_slice %arg8[%rem3A_446, %dma_start3A_512] : memref<4x80xi32, #tpu.memory_space<vmem>> -> memref<1x80xi32, #tpu.memory_space<vmem>>
        %dma_start3A_514 = tpu.memref_squeeze %dma_start3A_513 : memref<1x80xi32, #tpu.memory_space<vmem>> -> memref<80xi32, #tpu.memory_space<vmem>>
        %dma_start3A_515 = arith.constant 0 : i32
        %dma_start3A_516 = arith.constant 0 : i32
        %dma_start3A_517 = tpu.memref_slice %arg10[%dma_start3A_515, %dma_start3A_516] : memref<10240x128xf32, #tpu.memory_space<vmem_shared>> -> memref<10240x128xf32, #tpu.memory_space<vmem_shared>>
        %dma_start3A_518 = tpu.memref_slice %arg13[%rem3A_446] : memref<4x!tpu.dma_semaphore, #tpu.memory_space<semaphore_mem>> -> memref<1x!tpu.dma_semaphore, #tpu.memory_space<semaphore_mem>>
        %dma_start3A_519 = tpu.memref_squeeze %dma_start3A_518 : memref<1x!tpu.dma_semaphore, #tpu.memory_space<semaphore_mem>> -> memref<!tpu.dma_semaphore, #tpu.memory_space<semaphore_mem>>
        tpu.enqueue_indirect_dma source(%dma_start3A_511 : memref<80x128xf32, #tpu.memory_space<vmem>>) target(%dma_start3A_517 : memref<10240x128xf32, #tpu.memory_space<vmem_shared>>) offsets(%dma_start3A_514 : memref<80xi32, #tpu.memory_space<vmem>>) semaphore(%dma_start3A_519 : memref<!tpu.dma_semaphore, #tpu.memory_space<semaphore_mem>>) {add = true}
      } else {
      }
      %gt3A_486 = arith.constant 2 : i32
      %gt3A_487 = arith.cmpi sgt, %scan3A_435, %gt3A_486 : i32
      %convert_element_type3A_488 = arith.extui %gt3A_487 : i1 to i32
      %cond3A_489 = arith.constant 0 : i32
      %cond3A_490 = arith.cmpi ne, %convert_element_type3A_488, %cond3A_489 : i32
      scf.if %cond3A_490 {
        %dma_wait3A_496 = arith.constant 0 : i32
        %dma_wait3A_497 = arith.constant 0 : i32
        %dma_wait3A_498 = tpu.memref_slice %arg9[%rem3A_452, %dma_wait3A_496, %dma_wait3A_497] : memref<4x80x128xf32, #tpu.memory_space<vmem>> -> memref<1x80x128xf32, #tpu.memory_space<vmem>>
        %dma_wait3A_499 = tpu.memref_squeeze %dma_wait3A_498 : memref<1x80x128xf32, #tpu.memory_space<vmem>> -> memref<80x128xf32, #tpu.memory_space<vmem>>
        %dma_wait3A_500 = arith.constant 0 : i32
        %dma_wait3A_501 = tpu.memref_slice %arg8[%rem3A_452, %dma_wait3A_500] : memref<4x80xi32, #tpu.memory_space<vmem>> -> memref<1x80xi32, #tpu.memory_space<vmem>>
        %dma_wait3A_502 = tpu.memref_squeeze %dma_wait3A_501 : memref<1x80xi32, #tpu.memory_space<vmem>> -> memref<80xi32, #tpu.memory_space<vmem>>
        %dma_wait3A_503 = arith.constant 0 : i32
        %dma_wait3A_504 = arith.constant 0 : i32
        %dma_wait3A_505 = tpu.memref_slice %arg10[%dma_wait3A_503, %dma_wait3A_504] : memref<10240x128xf32, #tpu.memory_space<vmem_shared>> -> memref<10240x128xf32, #tpu.memory_space<vmem_shared>>
        %dma_wait3A_506 = tpu.memref_slice %arg13[%rem3A_452] : memref<4x!tpu.dma_semaphore, #tpu.memory_space<semaphore_mem>> -> memref<1x!tpu.dma_semaphore, #tpu.memory_space<semaphore_mem>>
        %dma_wait3A_507 = tpu.memref_squeeze %dma_wait3A_506 : memref<1x!tpu.dma_semaphore, #tpu.memory_space<semaphore_mem>> -> memref<!tpu.dma_semaphore, #tpu.memory_space<semaphore_mem>>
        tpu.wait_indirect_dma semaphore(%dma_wait3A_507 : memref<!tpu.dma_semaphore, #tpu.memory_space<semaphore_mem>>) src(%dma_wait3A_499 : memref<80x128xf32, #tpu.memory_space<vmem>>) dst(%dma_wait3A_505 : memref<10240x128xf32, #tpu.memory_space<vmem_shared>>)
      } else {
      }
      %lt3A = arith.constant 124 : i32
      %lt3A_491 = arith.cmpi slt, %scan3A_435, %lt3A : i32
      %convert_element_type3A_492 = arith.extui %lt3A_491 : i1 to i32
      %cond3A_493 = arith.constant 0 : i32
      %cond3A_494 = arith.cmpi ne, %convert_element_type3A_492, %cond3A_493 : i32
      scf.if %cond3A_494 {
        %add3A_496 = arith.constant 1 : i32
        %add3A_497 = arith.addi %scan3A_435, %add3A_496 : i32
        %mul3A_498 = arith.constant 80 : i32
        %mul3A_499 = arith.muli %add3A_497, %mul3A_498 : i32
        %add3A_500 = arith.addi %mul3A_2, %mul3A_499 : i32
        %dma_start3A_501 = arith.constant 0 : i32
        %dma_start3A_502 = tpu.memref_slice %arg7[%rem3A_441, %dma_start3A_501] : memref<4x80xi32, #tpu.memory_space<vmem>> -> memref<1x80xi32, #tpu.memory_space<vmem>>
        %dma_start3A_503 = tpu.memref_squeeze %dma_start3A_502 : memref<1x80xi32, #tpu.memory_space<vmem>> -> memref<80xi32, #tpu.memory_space<vmem>>
        %dma_start3A_504 = tpu.memref_slice %arg2[%add3A_500] : memref<320000xi32, #tpu.memory_space<hbm>> -> memref<80xi32, #tpu.memory_space<hbm>>
        %dma_start3A_505 = arith.constant 0 : i32
        %dma_start3A_506 = tpu.memref_slice %arg7[%rem3A_441, %dma_start3A_505] : memref<4x80xi32, #tpu.memory_space<vmem>> -> memref<1x80xi32, #tpu.memory_space<vmem>>
        %dma_start3A_507 = tpu.memref_squeeze %dma_start3A_506 : memref<1x80xi32, #tpu.memory_space<vmem>> -> memref<80xi32, #tpu.memory_space<vmem>>
        %dma_start3A_508 = tpu.memref_slice %arg2[%add3A_500] : memref<320000xi32, #tpu.memory_space<hbm>> -> memref<80xi32, #tpu.memory_space<hbm>>
        tpu.enqueue_dma source(%dma_start3A_508 : memref<80xi32, #tpu.memory_space<hbm>>) target(%dma_start3A_507 : memref<80xi32, #tpu.memory_space<vmem>>) target_semaphore(%arg11 : memref<!tpu.dma_semaphore, #tpu.memory_space<semaphore_mem>>)
        %dma_start3A_509 = arith.constant 0 : i32
        %dma_start3A_510 = tpu.memref_slice %arg8[%rem3A_441, %dma_start3A_509] : memref<4x80xi32, #tpu.memory_space<vmem>> -> memref<1x80xi32, #tpu.memory_space<vmem>>
        %dma_start3A_511 = tpu.memref_squeeze %dma_start3A_510 : memref<1x80xi32, #tpu.memory_space<vmem>> -> memref<80xi32, #tpu.memory_space<vmem>>
        %dma_start3A_512 = tpu.memref_slice %arg3[%add3A_500] : memref<320000xi32, #tpu.memory_space<hbm>> -> memref<80xi32, #tpu.memory_space<hbm>>
        %dma_start3A_513 = arith.constant 0 : i32
        %dma_start3A_514 = tpu.memref_slice %arg8[%rem3A_441, %dma_start3A_513] : memref<4x80xi32, #tpu.memory_space<vmem>> -> memref<1x80xi32, #tpu.memory_space<vmem>>
        %dma_start3A_515 = tpu.memref_squeeze %dma_start3A_514 : memref<1x80xi32, #tpu.memory_space<vmem>> -> memref<80xi32, #tpu.memory_space<vmem>>
        %dma_start3A_516 = tpu.memref_slice %arg3[%add3A_500] : memref<320000xi32, #tpu.memory_space<hbm>> -> memref<80xi32, #tpu.memory_space<hbm>>
        tpu.enqueue_dma source(%dma_start3A_516 : memref<80xi32, #tpu.memory_space<hbm>>) target(%dma_start3A_515 : memref<80xi32, #tpu.memory_space<vmem>>) target_semaphore(%arg11 : memref<!tpu.dma_semaphore, #tpu.memory_space<semaphore_mem>>)
      } else {
      }
      %scan3A_495 = arith.constant 0 : i32
      scf.yield %scan3A_495 : i32
    }
    %scan3A_354 = arith.constant 125 : i32
    %dma_wait3A_355 = arith.constant 0 : i32
    %dma_wait3A_356 = arith.constant 0 : i32
    %dma_wait3A_357 = arith.constant 0 : i32
    %dma_wait3A_358 = arith.constant 0 : i32
    %dma_wait3A_359 = arith.constant 0 : i32
    %dma_wait3A_360 = tpu.memref_slice %arg9[%dma_wait3A_356, %dma_wait3A_358, %dma_wait3A_359] : memref<4x80x128xf32, #tpu.memory_space<vmem>> -> memref<1x80x128xf32, #tpu.memory_space<vmem>>
    %dma_wait3A_361 = tpu.memref_squeeze %dma_wait3A_360 : memref<1x80x128xf32, #tpu.memory_space<vmem>> -> memref<80x128xf32, #tpu.memory_space<vmem>>
    %dma_wait3A_362 = arith.constant 0 : i32
    %dma_wait3A_363 = tpu.memref_slice %arg7[%dma_wait3A_355, %dma_wait3A_362] : memref<4x80xi32, #tpu.memory_space<vmem>> -> memref<1x80xi32, #tpu.memory_space<vmem>>
    %dma_wait3A_364 = tpu.memref_squeeze %dma_wait3A_363 : memref<1x80xi32, #tpu.memory_space<vmem>> -> memref<80xi32, #tpu.memory_space<vmem>>
    %dma_wait3A_365 = arith.constant 0 : i32
    %dma_wait3A_366 = arith.constant 0 : i32
    %dma_wait3A_367 = tpu.memref_slice %arg4[%dma_wait3A_365, %dma_wait3A_366] : memref<10000x128xf32, #tpu.memory_space<hbm>> -> memref<10000x128xf32, #tpu.memory_space<hbm>>
    %dma_wait3A_368 = tpu.memref_slice %arg12[%dma_wait3A_357] : memref<4x!tpu.dma_semaphore, #tpu.memory_space<semaphore_mem>> -> memref<1x!tpu.dma_semaphore, #tpu.memory_space<semaphore_mem>>
    %dma_wait3A_369 = tpu.memref_squeeze %dma_wait3A_368 : memref<1x!tpu.dma_semaphore, #tpu.memory_space<semaphore_mem>> -> memref<!tpu.dma_semaphore, #tpu.memory_space<semaphore_mem>>
    tpu.wait_indirect_dma semaphore(%dma_wait3A_369 : memref<!tpu.dma_semaphore, #tpu.memory_space<semaphore_mem>>) src(%dma_wait3A_367 : memref<10000x128xf32, #tpu.memory_space<hbm>>) dst(%dma_wait3A_361 : memref<80x128xf32, #tpu.memory_space<vmem>>)
    %dma_start3A_370 = arith.constant 0 : i32
    %dma_start3A_371 = arith.constant 0 : i32
    %dma_start3A_372 = arith.constant 0 : i32
    %dma_start3A_373 = arith.constant 0 : i32
    %dma_start3A_374 = arith.constant 0 : i32
    %dma_start3A_375 = tpu.memref_slice %arg9[%dma_start3A_370, %dma_start3A_373, %dma_start3A_374] : memref<4x80x128xf32, #tpu.memory_space<vmem>> -> memref<1x80x128xf32, #tpu.memory_space<vmem>>
    %dma_start3A_376 = tpu.memref_squeeze %dma_start3A_375 : memref<1x80x128xf32, #tpu.memory_space<vmem>> -> memref<80x128xf32, #tpu.memory_space<vmem>>
    %dma_start3A_377 = arith.constant 0 : i32
    %dma_start3A_378 = tpu.memref_slice %arg8[%dma_start3A_371, %dma_start3A_377] : memref<4x80xi32, #tpu.memory_space<vmem>> -> memref<1x80xi32, #tpu.memory_space<vmem>>
    %dma_start3A_379 = tpu.memref_squeeze %dma_start3A_378 : memref<1x80xi32, #tpu.memory_space<vmem>> -> memref<80xi32, #tpu.memory_space<vmem>>
    %dma_start3A_380 = arith.constant 0 : i32
    %dma_start3A_381 = arith.constant 0 : i32
    %dma_start3A_382 = tpu.memref_slice %arg10[%dma_start3A_380, %dma_start3A_381] : memref<10240x128xf32, #tpu.memory_space<vmem_shared>> -> memref<10240x128xf32, #tpu.memory_space<vmem_shared>>
    %dma_start3A_383 = tpu.memref_slice %arg13[%dma_start3A_372] : memref<4x!tpu.dma_semaphore, #tpu.memory_space<semaphore_mem>> -> memref<1x!tpu.dma_semaphore, #tpu.memory_space<semaphore_mem>>
    %dma_start3A_384 = tpu.memref_squeeze %dma_start3A_383 : memref<1x!tpu.dma_semaphore, #tpu.memory_space<semaphore_mem>> -> memref<!tpu.dma_semaphore, #tpu.memory_space<semaphore_mem>>
    tpu.enqueue_indirect_dma source(%dma_start3A_376 : memref<80x128xf32, #tpu.memory_space<vmem>>) target(%dma_start3A_382 : memref<10240x128xf32, #tpu.memory_space<vmem_shared>>) offsets(%dma_start3A_379 : memref<80xi32, #tpu.memory_space<vmem>>) semaphore(%dma_start3A_384 : memref<!tpu.dma_semaphore, #tpu.memory_space<semaphore_mem>>) {add = true}
    %dma_wait3A_385 = arith.constant 2 : i32
    %dma_wait3A_386 = arith.constant 2 : i32
    %dma_wait3A_387 = arith.constant 2 : i32
    %dma_wait3A_388 = arith.constant 0 : i32
    %dma_wait3A_389 = arith.constant 0 : i32
    %dma_wait3A_390 = tpu.memref_slice %arg9[%dma_wait3A_385, %dma_wait3A_388, %dma_wait3A_389] : memref<4x80x128xf32, #tpu.memory_space<vmem>> -> memref<1x80x128xf32, #tpu.memory_space<vmem>>
    %dma_wait3A_391 = tpu.memref_squeeze %dma_wait3A_390 : memref<1x80x128xf32, #tpu.memory_space<vmem>> -> memref<80x128xf32, #tpu.memory_space<vmem>>
    %dma_wait3A_392 = arith.constant 0 : i32
    %dma_wait3A_393 = tpu.memref_slice %arg8[%dma_wait3A_386, %dma_wait3A_392] : memref<4x80xi32, #tpu.memory_space<vmem>> -> memref<1x80xi32, #tpu.memory_space<vmem>>
    %dma_wait3A_394 = tpu.memref_squeeze %dma_wait3A_393 : memref<1x80xi32, #tpu.memory_space<vmem>> -> memref<80xi32, #tpu.memory_space<vmem>>
    %dma_wait3A_395 = arith.constant 0 : i32
    %dma_wait3A_396 = arith.constant 0 : i32
    %dma_wait3A_397 = tpu.memref_slice %arg10[%dma_wait3A_395, %dma_wait3A_396] : memref<10240x128xf32, #tpu.memory_space<vmem_shared>> -> memref<10240x128xf32, #tpu.memory_space<vmem_shared>>
    %dma_wait3A_398 = tpu.memref_slice %arg13[%dma_wait3A_387] : memref<4x!tpu.dma_semaphore, #tpu.memory_space<semaphore_mem>> -> memref<1x!tpu.dma_semaphore, #tpu.memory_space<semaphore_mem>>
    %dma_wait3A_399 = tpu.memref_squeeze %dma_wait3A_398 : memref<1x!tpu.dma_semaphore, #tpu.memory_space<semaphore_mem>> -> memref<!tpu.dma_semaphore, #tpu.memory_space<semaphore_mem>>
    tpu.wait_indirect_dma semaphore(%dma_wait3A_399 : memref<!tpu.dma_semaphore, #tpu.memory_space<semaphore_mem>>) src(%dma_wait3A_391 : memref<80x128xf32, #tpu.memory_space<vmem>>) dst(%dma_wait3A_397 : memref<10240x128xf32, #tpu.memory_space<vmem_shared>>)
    %dma_wait3A_400 = arith.constant 3 : i32
    %dma_wait3A_401 = arith.constant 3 : i32
    %dma_wait3A_402 = arith.constant 3 : i32
    %dma_wait3A_403 = arith.constant 0 : i32
    %dma_wait3A_404 = arith.constant 0 : i32
    %dma_wait3A_405 = tpu.memref_slice %arg9[%dma_wait3A_400, %dma_wait3A_403, %dma_wait3A_404] : memref<4x80x128xf32, #tpu.memory_space<vmem>> -> memref<1x80x128xf32, #tpu.memory_space<vmem>>
    %dma_wait3A_406 = tpu.memref_squeeze %dma_wait3A_405 : memref<1x80x128xf32, #tpu.memory_space<vmem>> -> memref<80x128xf32, #tpu.memory_space<vmem>>
    %dma_wait3A_407 = arith.constant 0 : i32
    %dma_wait3A_408 = tpu.memref_slice %arg8[%dma_wait3A_401, %dma_wait3A_407] : memref<4x80xi32, #tpu.memory_space<vmem>> -> memref<1x80xi32, #tpu.memory_space<vmem>>
    %dma_wait3A_409 = tpu.memref_squeeze %dma_wait3A_408 : memref<1x80xi32, #tpu.memory_space<vmem>> -> memref<80xi32, #tpu.memory_space<vmem>>
    %dma_wait3A_410 = arith.constant 0 : i32
    %dma_wait3A_411 = arith.constant 0 : i32
    %dma_wait3A_412 = tpu.memref_slice %arg10[%dma_wait3A_410, %dma_wait3A_411] : memref<10240x128xf32, #tpu.memory_space<vmem_shared>> -> memref<10240x128xf32, #tpu.memory_space<vmem_shared>>
    %dma_wait3A_413 = tpu.memref_slice %arg13[%dma_wait3A_402] : memref<4x!tpu.dma_semaphore, #tpu.memory_space<semaphore_mem>> -> memref<1x!tpu.dma_semaphore, #tpu.memory_space<semaphore_mem>>
    %dma_wait3A_414 = tpu.memref_squeeze %dma_wait3A_413 : memref<1x!tpu.dma_semaphore, #tpu.memory_space<semaphore_mem>> -> memref<!tpu.dma_semaphore, #tpu.memory_space<semaphore_mem>>
    tpu.wait_indirect_dma semaphore(%dma_wait3A_414 : memref<!tpu.dma_semaphore, #tpu.memory_space<semaphore_mem>>) src(%dma_wait3A_406 : memref<80x128xf32, #tpu.memory_space<vmem>>) dst(%dma_wait3A_412 : memref<10240x128xf32, #tpu.memory_space<vmem_shared>>)
    %dma_wait3A_415 = arith.constant 0 : i32
    %dma_wait3A_416 = arith.constant 0 : i32
    %dma_wait3A_417 = arith.constant 0 : i32
    %dma_wait3A_418 = arith.constant 0 : i32
    %dma_wait3A_419 = arith.constant 0 : i32
    %dma_wait3A_420 = tpu.memref_slice %arg9[%dma_wait3A_415, %dma_wait3A_418, %dma_wait3A_419] : memref<4x80x128xf32, #tpu.memory_space<vmem>> -> memref<1x80x128xf32, #tpu.memory_space<vmem>>
    %dma_wait3A_421 = tpu.memref_squeeze %dma_wait3A_420 : memref<1x80x128xf32, #tpu.memory_space<vmem>> -> memref<80x128xf32, #tpu.memory_space<vmem>>
    %dma_wait3A_422 = arith.constant 0 : i32
    %dma_wait3A_423 = tpu.memref_slice %arg8[%dma_wait3A_416, %dma_wait3A_422] : memref<4x80xi32, #tpu.memory_space<vmem>> -> memref<1x80xi32, #tpu.memory_space<vmem>>
    %dma_wait3A_424 = tpu.memref_squeeze %dma_wait3A_423 : memref<1x80xi32, #tpu.memory_space<vmem>> -> memref<80xi32, #tpu.memory_space<vmem>>
    %dma_wait3A_425 = arith.constant 0 : i32
    %dma_wait3A_426 = arith.constant 0 : i32
    %dma_wait3A_427 = tpu.memref_slice %arg10[%dma_wait3A_425, %dma_wait3A_426] : memref<10240x128xf32, #tpu.memory_space<vmem_shared>> -> memref<10240x128xf32, #tpu.memory_space<vmem_shared>>
    %dma_wait3A_428 = tpu.memref_slice %arg13[%dma_wait3A_417] : memref<4x!tpu.dma_semaphore, #tpu.memory_space<semaphore_mem>> -> memref<1x!tpu.dma_semaphore, #tpu.memory_space<semaphore_mem>>
    %dma_wait3A_429 = tpu.memref_squeeze %dma_wait3A_428 : memref<1x!tpu.dma_semaphore, #tpu.memory_space<semaphore_mem>> -> memref<!tpu.dma_semaphore, #tpu.memory_space<semaphore_mem>>
    tpu.wait_indirect_dma semaphore(%dma_wait3A_429 : memref<!tpu.dma_semaphore, #tpu.memory_space<semaphore_mem>>) src(%dma_wait3A_421 : memref<80x128xf32, #tpu.memory_space<vmem>>) dst(%dma_wait3A_427 : memref<10240x128xf32, #tpu.memory_space<vmem_shared>>)
    %barrier3A_430 = arith.constant 0 : index
    tpu.barrier barrier_id(%barrier3A_430)
    %mul3A_431 = arith.constant 640 : i32
    %mul3A_432 = arith.muli %arg1, %mul3A_431 : i32
    %mul3A_433 = arith.constant 640 : i32
    %mul3A_434 = arith.muli %arg1, %mul3A_433 : i32
    "tpu.region"() ({
      %run_scoped3A = tpu.sem_alloc : memref<!tpu.dma_semaphore, #tpu.memory_space<semaphore_mem>>
      %dma_start3A_435 = arith.constant 0 : i32
      %dma_start3A_436 = tpu.memref_slice %arg5[%arg0, %mul3A_434, %dma_start3A_435] : memref<2x10240x128xf32, #tpu.memory_space<hbm>> -> memref<1x640x128xf32, #tpu.memory_space<hbm>>
      %dma_start3A_437 = tpu.memref_squeeze %dma_start3A_436 : memref<1x640x128xf32, #tpu.memory_space<hbm>> -> memref<640x128xf32, #tpu.memory_space<hbm>>
      %dma_start3A_438 = arith.constant 0 : i32
      %dma_start3A_439 = tpu.memref_slice %arg10[%mul3A_432, %dma_start3A_438] : memref<10240x128xf32, #tpu.memory_space<vmem_shared>> -> memref<640x128xf32, #tpu.memory_space<vmem_shared>>
      tpu.enqueue_dma source(%dma_start3A_439 : memref<640x128xf32, #tpu.memory_space<vmem_shared>>) target(%dma_start3A_437 : memref<640x128xf32, #tpu.memory_space<hbm>>) target_semaphore(%run_scoped3A : memref<!tpu.dma_semaphore, #tpu.memory_space<semaphore_mem>>)
      %dma_wait3A_440 = arith.constant 0 : i32
      %dma_wait3A_441 = tpu.memref_slice %arg5[%arg0, %mul3A_434, %dma_wait3A_440] : memref<2x10240x128xf32, #tpu.memory_space<hbm>> -> memref<1x640x128xf32, #tpu.memory_space<hbm>>
      %dma_wait3A_442 = tpu.memref_squeeze %dma_wait3A_441 : memref<1x640x128xf32, #tpu.memory_space<hbm>> -> memref<640x128xf32, #tpu.memory_space<hbm>>
      %dma_wait3A_443 = arith.constant 0 : i32
      %dma_wait3A_444 = tpu.memref_slice %arg10[%mul3A_432, %dma_wait3A_443] : memref<10240x128xf32, #tpu.memory_space<vmem_shared>> -> memref<640x128xf32, #tpu.memory_space<vmem_shared>>
      tpu.wait_dma2 semaphore(%run_scoped3A : memref<!tpu.dma_semaphore, #tpu.memory_space<semaphore_mem>>) src(%dma_wait3A_444 : memref<640x128xf32, #tpu.memory_space<vmem_shared>>) dst(%dma_wait3A_442 : memref<640x128xf32, #tpu.memory_space<hbm>>)
      tpu.yield
    }) : () -> ()
    return
  }
}

#map = affine_map<(d0, d1) -> (0)>
#map1 = affine_map<(d0, d1) -> (0, 0)>
module attributes {stable_mosaic.version = 14 : i64} {
  func.func @_sc_deg(%arg0: i32, %arg1: i32, %arg2: memref<320000xi32, #tpu.memory_space<hbm>>, %arg3: memref<2x10240xf32, #tpu.memory_space<hbm>>, %arg4: memref<640xf32, #tpu.memory_space<vmem>>, %arg5: memref<80xf32, #tpu.memory_space<vmem>>, %arg6: memref<2x5x80xi32, #tpu.memory_space<vmem>>, %arg7: memref<10240xf32, #tpu.memory_space<vmem_shared>>, %arg8: memref<!tpu.dma_semaphore, #tpu.memory_space<semaphore_mem>>, %arg9: memref<!tpu.dma_semaphore, #tpu.memory_space<semaphore_mem>>) attributes {dimension_semantics = [#tpu.dimension_semantics<core_parallel>, #tpu.dimension_semantics<subcore_parallel>], iteration_bounds = array<i64: 2, 16>, scalar_prefetch = 0 : i64, scratch_operands = 6 : i64, tpu.core_type = #tpu.core_type<sc_vector_subcore>, window_params = [{transform_indices = #map}, {transform_indices = #map1}]} {
    %mul3A = arith.constant 160000 : i32
    %mul3A_0 = arith.muli %arg0, %mul3A : i32
    %mul3A_1 = arith.constant 10000 : i32
    %mul3A_2 = arith.muli %arg1, %mul3A_1 : i32
    %add3A = arith.addi %mul3A_0, %mul3A_2 : i32
    %broadcast_in_dim3A = arith.constant 0.000000e+00 : f32
    %broadcast_in_dim3A_3 = vector.broadcast %broadcast_in_dim3A : f32 to vector<16xf32>
    %broadcast_in_dim3A_4 = arith.constant 1.000000e+00 : f32
    %broadcast_in_dim3A_5 = vector.broadcast %broadcast_in_dim3A_4 : f32 to vector<16xf32>
    %scan3A = arith.constant 0 : i32
    %scan3A_6 = arith.constant 0 : i32
    %scan3A_7 = arith.constant 40 : i32
    %scan3A_8 = arith.addi %scan3A_6, %scan3A_7 : i32
    %scan3A_9 = arith.constant 1 : i32
    %scan3A_10 = scf.for %scan3A_128 = %scan3A_6 to %scan3A_8 step %scan3A_9 iter_args(%scan3A_129 = %scan3A) -> (i32)  : i32 {
      %mul3A_130 = arith.constant 16 : i32
      %mul3A_131 = arith.muli %scan3A_128, %mul3A_130 : i32
      %swap3A_132 = arith.index_cast %mul3A_131 : i32 to index
      %swap3A_133 = tpu.vector_load %arg4[%swap3A_132] {strides = array<i32>} : memref<640xf32, #tpu.memory_space<vmem>>, vector<16xf32>,
      tpu.vector_store %arg4[%swap3A_132], %broadcast_in_dim3A_3 {strides = array<i32>} : memref<640xf32, #tpu.memory_space<vmem>>, vector<16xf32>,
      %scan3A_134 = arith.constant 0 : i32
      scf.yield %scan3A_134 : i32
    }
    %scan3A_11 = arith.constant 40 : i32
    %swap3A = arith.constant 0 : index
    %swap3A_12 = tpu.vector_load %arg5[%swap3A] {strides = array<i32>} : memref<80xf32, #tpu.memory_space<vmem>>, vector<16xf32>,
    tpu.vector_store %arg5[%swap3A], %broadcast_in_dim3A_5 {strides = array<i32>} : memref<80xf32, #tpu.memory_space<vmem>>, vector<16xf32>,
    %swap3A_13 = arith.constant 16 : index
    %swap3A_14 = tpu.vector_load %arg5[%swap3A_13] {strides = array<i32>} : memref<80xf32, #tpu.memory_space<vmem>>, vector<16xf32>,
    tpu.vector_store %arg5[%swap3A_13], %broadcast_in_dim3A_5 {strides = array<i32>} : memref<80xf32, #tpu.memory_space<vmem>>, vector<16xf32>,
    %swap3A_15 = arith.constant 32 : index
    %swap3A_16 = tpu.vector_load %arg5[%swap3A_15] {strides = array<i32>} : memref<80xf32, #tpu.memory_space<vmem>>, vector<16xf32>,
    tpu.vector_store %arg5[%swap3A_15], %broadcast_in_dim3A_5 {strides = array<i32>} : memref<80xf32, #tpu.memory_space<vmem>>, vector<16xf32>,
    %swap3A_17 = arith.constant 48 : index
    %swap3A_18 = tpu.vector_load %arg5[%swap3A_17] {strides = array<i32>} : memref<80xf32, #tpu.memory_space<vmem>>, vector<16xf32>,
    tpu.vector_store %arg5[%swap3A_17], %broadcast_in_dim3A_5 {strides = array<i32>} : memref<80xf32, #tpu.memory_space<vmem>>, vector<16xf32>,
    %swap3A_19 = arith.constant 64 : index
    %swap3A_20 = tpu.vector_load %arg5[%swap3A_19] {strides = array<i32>} : memref<80xf32, #tpu.memory_space<vmem>>, vector<16xf32>,
    tpu.vector_store %arg5[%swap3A_19], %broadcast_in_dim3A_5 {strides = array<i32>} : memref<80xf32, #tpu.memory_space<vmem>>, vector<16xf32>,
    %mul3A_21 = arith.constant 640 : i32
    %mul3A_22 = arith.muli %arg1, %mul3A_21 : i32
    "tpu.region"() ({
      %run_scoped3A = tpu.sem_alloc : memref<!tpu.dma_semaphore, #tpu.memory_space<semaphore_mem>>
      %dma_start3A_128 = tpu.memref_slice %arg7[%mul3A_22] : memref<10240xf32, #tpu.memory_space<vmem_shared>> -> memref<640xf32, #tpu.memory_space<vmem_shared>>
      %dma_start3A_129 = tpu.memref_slice %arg7[%mul3A_22] : memref<10240xf32, #tpu.memory_space<vmem_shared>> -> memref<640xf32, #tpu.memory_space<vmem_shared>>
      tpu.enqueue_dma source(%arg4 : memref<640xf32, #tpu.memory_space<vmem>>) target(%dma_start3A_129 : memref<640xf32, #tpu.memory_space<vmem_shared>>) target_semaphore(%run_scoped3A : memref<!tpu.dma_semaphore, #tpu.memory_space<semaphore_mem>>)
      %dma_wait3A_130 = tpu.memref_slice %arg7[%mul3A_22] : memref<10240xf32, #tpu.memory_space<vmem_shared>> -> memref<640xf32, #tpu.memory_space<vmem_shared>>
      %dma_wait3A_131 = tpu.memref_slice %arg7[%mul3A_22] : memref<10240xf32, #tpu.memory_space<vmem_shared>> -> memref<640xf32, #tpu.memory_space<vmem_shared>>
      tpu.wait_dma2 semaphore(%run_scoped3A : memref<!tpu.dma_semaphore, #tpu.memory_space<semaphore_mem>>) src(%arg4 : memref<640xf32, #tpu.memory_space<vmem>>) dst(%dma_wait3A_131 : memref<640xf32, #tpu.memory_space<vmem_shared>>)
      tpu.yield
    }) : () -> ()
    %add3A_23 = arith.constant 0 : i32
    %add3A_24 = arith.addi %add3A, %add3A_23 : i32
    %dma_start3A = arith.constant 0 : i32
    %dma_start3A_25 = arith.constant 0 : i32
    %dma_start3A_26 = arith.constant 0 : i32
    %dma_start3A_27 = tpu.memref_slice %arg6[%dma_start3A, %dma_start3A_25, %dma_start3A_26] : memref<2x5x80xi32, #tpu.memory_space<vmem>> -> memref<1x1x80xi32, #tpu.memory_space<vmem>>
    %dma_start3A_28 = tpu.memref_squeeze %dma_start3A_27 : memref<1x1x80xi32, #tpu.memory_space<vmem>> -> memref<80xi32, #tpu.memory_space<vmem>>
    %dma_start3A_29 = tpu.memref_slice %arg2[%add3A_24] : memref<320000xi32, #tpu.memory_space<hbm>> -> memref<80xi32, #tpu.memory_space<hbm>>
    %dma_start3A_30 = arith.constant 0 : i32
    %dma_start3A_31 = tpu.memref_slice %arg6[%dma_start3A, %dma_start3A_25, %dma_start3A_30] : memref<2x5x80xi32, #tpu.memory_space<vmem>> -> memref<1x1x80xi32, #tpu.memory_space<vmem>>
    %dma_start3A_32 = tpu.memref_squeeze %dma_start3A_31 : memref<1x1x80xi32, #tpu.memory_space<vmem>> -> memref<80xi32, #tpu.memory_space<vmem>>
    %dma_start3A_33 = tpu.memref_slice %arg2[%add3A_24] : memref<320000xi32, #tpu.memory_space<hbm>> -> memref<80xi32, #tpu.memory_space<hbm>>
    tpu.enqueue_dma source(%dma_start3A_33 : memref<80xi32, #tpu.memory_space<hbm>>) target(%dma_start3A_32 : memref<80xi32, #tpu.memory_space<vmem>>) target_semaphore(%arg8 : memref<!tpu.dma_semaphore, #tpu.memory_space<semaphore_mem>>)
    %add3A_34 = arith.constant 80 : i32
    %add3A_35 = arith.addi %add3A, %add3A_34 : i32
    %dma_start3A_36 = arith.constant 0 : i32
    %dma_start3A_37 = arith.constant 1 : i32
    %dma_start3A_38 = arith.constant 0 : i32
    %dma_start3A_39 = tpu.memref_slice %arg6[%dma_start3A_36, %dma_start3A_37, %dma_start3A_38] : memref<2x5x80xi32, #tpu.memory_space<vmem>> -> memref<1x1x80xi32, #tpu.memory_space<vmem>>
    %dma_start3A_40 = tpu.memref_squeeze %dma_start3A_39 : memref<1x1x80xi32, #tpu.memory_space<vmem>> -> memref<80xi32, #tpu.memory_space<vmem>>
    %dma_start3A_41 = tpu.memref_slice %arg2[%add3A_35] : memref<320000xi32, #tpu.memory_space<hbm>> -> memref<80xi32, #tpu.memory_space<hbm>>
    %dma_start3A_42 = arith.constant 0 : i32
    %dma_start3A_43 = tpu.memref_slice %arg6[%dma_start3A_36, %dma_start3A_37, %dma_start3A_42] : memref<2x5x80xi32, #tpu.memory_space<vmem>> -> memref<1x1x80xi32, #tpu.memory_space<vmem>>
    %dma_start3A_44 = tpu.memref_squeeze %dma_start3A_43 : memref<1x1x80xi32, #tpu.memory_space<vmem>> -> memref<80xi32, #tpu.memory_space<vmem>>
    %dma_start3A_45 = tpu.memref_slice %arg2[%add3A_35] : memref<320000xi32, #tpu.memory_space<hbm>> -> memref<80xi32, #tpu.memory_space<hbm>>
    tpu.enqueue_dma source(%dma_start3A_45 : memref<80xi32, #tpu.memory_space<hbm>>) target(%dma_start3A_44 : memref<80xi32, #tpu.memory_space<vmem>>) target_semaphore(%arg8 : memref<!tpu.dma_semaphore, #tpu.memory_space<semaphore_mem>>)
    %add3A_46 = arith.constant 160 : i32
    %add3A_47 = arith.addi %add3A, %add3A_46 : i32
    %dma_start3A_48 = arith.constant 0 : i32
    %dma_start3A_49 = arith.constant 2 : i32
    %dma_start3A_50 = arith.constant 0 : i32
    %dma_start3A_51 = tpu.memref_slice %arg6[%dma_start3A_48, %dma_start3A_49, %dma_start3A_50] : memref<2x5x80xi32, #tpu.memory_space<vmem>> -> memref<1x1x80xi32, #tpu.memory_space<vmem>>
    %dma_start3A_52 = tpu.memref_squeeze %dma_start3A_51 : memref<1x1x80xi32, #tpu.memory_space<vmem>> -> memref<80xi32, #tpu.memory_space<vmem>>
    %dma_start3A_53 = tpu.memref_slice %arg2[%add3A_47] : memref<320000xi32, #tpu.memory_space<hbm>> -> memref<80xi32, #tpu.memory_space<hbm>>
    %dma_start3A_54 = arith.constant 0 : i32
    %dma_start3A_55 = tpu.memref_slice %arg6[%dma_start3A_48, %dma_start3A_49, %dma_start3A_54] : memref<2x5x80xi32, #tpu.memory_space<vmem>> -> memref<1x1x80xi32, #tpu.memory_space<vmem>>
    %dma_start3A_56 = tpu.memref_squeeze %dma_start3A_55 : memref<1x1x80xi32, #tpu.memory_space<vmem>> -> memref<80xi32, #tpu.memory_space<vmem>>
    %dma_start3A_57 = tpu.memref_slice %arg2[%add3A_47] : memref<320000xi32, #tpu.memory_space<hbm>> -> memref<80xi32, #tpu.memory_space<hbm>>
    tpu.enqueue_dma source(%dma_start3A_57 : memref<80xi32, #tpu.memory_space<hbm>>) target(%dma_start3A_56 : memref<80xi32, #tpu.memory_space<vmem>>) target_semaphore(%arg8 : memref<!tpu.dma_semaphore, #tpu.memory_space<semaphore_mem>>)
    %add3A_58 = arith.constant 240 : i32
    %add3A_59 = arith.addi %add3A, %add3A_58 : i32
    %dma_start3A_60 = arith.constant 0 : i32
    %dma_start3A_61 = arith.constant 3 : i32
    %dma_start3A_62 = arith.constant 0 : i32
    %dma_start3A_63 = tpu.memref_slice %arg6[%dma_start3A_60, %dma_start3A_61, %dma_start3A_62] : memref<2x5x80xi32, #tpu.memory_space<vmem>> -> memref<1x1x80xi32, #tpu.memory_space<vmem>>
    %dma_start3A_64 = tpu.memref_squeeze %dma_start3A_63 : memref<1x1x80xi32, #tpu.memory_space<vmem>> -> memref<80xi32, #tpu.memory_space<vmem>>
    %dma_start3A_65 = tpu.memref_slice %arg2[%add3A_59] : memref<320000xi32, #tpu.memory_space<hbm>> -> memref<80xi32, #tpu.memory_space<hbm>>
    %dma_start3A_66 = arith.constant 0 : i32
    %dma_start3A_67 = tpu.memref_slice %arg6[%dma_start3A_60, %dma_start3A_61, %dma_start3A_66] : memref<2x5x80xi32, #tpu.memory_space<vmem>> -> memref<1x1x80xi32, #tpu.memory_space<vmem>>
    %dma_start3A_68 = tpu.memref_squeeze %dma_start3A_67 : memref<1x1x80xi32, #tpu.memory_space<vmem>> -> memref<80xi32, #tpu.memory_space<vmem>>
    %dma_start3A_69 = tpu.memref_slice %arg2[%add3A_59] : memref<320000xi32, #tpu.memory_space<hbm>> -> memref<80xi32, #tpu.memory_space<hbm>>
    tpu.enqueue_dma source(%dma_start3A_69 : memref<80xi32, #tpu.memory_space<hbm>>) target(%dma_start3A_68 : memref<80xi32, #tpu.memory_space<vmem>>) target_semaphore(%arg8 : memref<!tpu.dma_semaphore, #tpu.memory_space<semaphore_mem>>)
    %add3A_70 = arith.constant 320 : i32
    %add3A_71 = arith.addi %add3A, %add3A_70 : i32
    %dma_start3A_72 = arith.constant 0 : i32
    %dma_start3A_73 = arith.constant 4 : i32
    %dma_start3A_74 = arith.constant 0 : i32
    %dma_start3A_75 = tpu.memref_slice %arg6[%dma_start3A_72, %dma_start3A_73, %dma_start3A_74] : memref<2x5x80xi32, #tpu.memory_space<vmem>> -> memref<1x1x80xi32, #tpu.memory_space<vmem>>
    %dma_start3A_76 = tpu.memref_squeeze %dma_start3A_75 : memref<1x1x80xi32, #tpu.memory_space<vmem>> -> memref<80xi32, #tpu.memory_space<vmem>>
    %dma_start3A_77 = tpu.memref_slice %arg2[%add3A_71] : memref<320000xi32, #tpu.memory_space<hbm>> -> memref<80xi32, #tpu.memory_space<hbm>>
    %dma_start3A_78 = arith.constant 0 : i32
    %dma_start3A_79 = tpu.memref_slice %arg6[%dma_start3A_72, %dma_start3A_73, %dma_start3A_78] : memref<2x5x80xi32, #tpu.memory_space<vmem>> -> memref<1x1x80xi32, #tpu.memory_space<vmem>>
    %dma_start3A_80 = tpu.memref_squeeze %dma_start3A_79 : memref<1x1x80xi32, #tpu.memory_space<vmem>> -> memref<80xi32, #tpu.memory_space<vmem>>
    %dma_start3A_81 = tpu.memref_slice %arg2[%add3A_71] : memref<320000xi32, #tpu.memory_space<hbm>> -> memref<80xi32, #tpu.memory_space<hbm>>
    tpu.enqueue_dma source(%dma_start3A_81 : memref<80xi32, #tpu.memory_space<hbm>>) target(%dma_start3A_80 : memref<80xi32, #tpu.memory_space<vmem>>) target_semaphore(%arg8 : memref<!tpu.dma_semaphore, #tpu.memory_space<semaphore_mem>>)
    %barrier3A = arith.constant 0 : index
    tpu.barrier barrier_id(%barrier3A)
    %scan3A_82 = arith.constant 0 : i32
    %scan3A_83 = arith.constant 0 : i32
    %scan3A_84 = arith.constant 25 : i32
    %scan3A_85 = arith.addi %scan3A_83, %scan3A_84 : i32
    %scan3A_86 = arith.constant 1 : i32
    %scan3A_87 = scf.for %scan3A_128 = %scan3A_83 to %scan3A_85 step %scan3A_86 iter_args(%scan3A_129 = %scan3A_82) -> (i32)  : i32 {
      %rem3A = arith.constant 2 : i32
      %rem3A_130 = arith.remsi %scan3A_128, %rem3A : i32
      %add3A_131 = arith.constant 1 : i32
      %add3A_132 = arith.addi %scan3A_128, %add3A_131 : i32
      %rem3A_133 = arith.constant 2 : i32
      %rem3A_134 = arith.remsi %add3A_132, %rem3A_133 : i32
      %mul3A_135 = arith.constant 5 : i32
      %mul3A_136 = arith.muli %scan3A_128, %mul3A_135 : i32
      %add3A_137 = arith.constant 0 : i32
      %add3A_138 = arith.addi %mul3A_136, %add3A_137 : i32
      %mul3A_139 = arith.constant 80 : i32
      %mul3A_140 = arith.muli %add3A_138, %mul3A_139 : i32
      %add3A_141 = arith.addi %add3A, %mul3A_140 : i32
      %dma_wait3A_142 = arith.constant 0 : i32
      %dma_wait3A_143 = arith.constant 0 : i32
      %dma_wait3A_144 = tpu.memref_slice %arg6[%rem3A_130, %dma_wait3A_142, %dma_wait3A_143] : memref<2x5x80xi32, #tpu.memory_space<vmem>> -> memref<1x1x80xi32, #tpu.memory_space<vmem>>
      %dma_wait3A_145 = tpu.memref_squeeze %dma_wait3A_144 : memref<1x1x80xi32, #tpu.memory_space<vmem>> -> memref<80xi32, #tpu.memory_space<vmem>>
      %dma_wait3A_146 = tpu.memref_slice %arg2[%add3A_141] : memref<320000xi32, #tpu.memory_space<hbm>> -> memref<80xi32, #tpu.memory_space<hbm>>
      %dma_wait3A_147 = arith.constant 0 : i32
      %dma_wait3A_148 = tpu.memref_slice %arg6[%rem3A_130, %dma_wait3A_142, %dma_wait3A_147] : memref<2x5x80xi32, #tpu.memory_space<vmem>> -> memref<1x1x80xi32, #tpu.memory_space<vmem>>
      %dma_wait3A_149 = tpu.memref_squeeze %dma_wait3A_148 : memref<1x1x80xi32, #tpu.memory_space<vmem>> -> memref<80xi32, #tpu.memory_space<vmem>>
      %dma_wait3A_150 = tpu.memref_slice %arg2[%add3A_141] : memref<320000xi32, #tpu.memory_space<hbm>> -> memref<80xi32, #tpu.memory_space<hbm>>
      tpu.wait_dma2 semaphore(%arg8 : memref<!tpu.dma_semaphore, #tpu.memory_space<semaphore_mem>>) src(%dma_wait3A_150 : memref<80xi32, #tpu.memory_space<hbm>>) dst(%dma_wait3A_149 : memref<80xi32, #tpu.memory_space<vmem>>)
      %mul3A_151 = arith.constant 5 : i32
      %mul3A_152 = arith.muli %scan3A_128, %mul3A_151 : i32
      %add3A_153 = arith.constant 1 : i32
      %add3A_154 = arith.addi %mul3A_152, %add3A_153 : i32
      %mul3A_155 = arith.constant 80 : i32
      %mul3A_156 = arith.muli %add3A_154, %mul3A_155 : i32
      %add3A_157 = arith.addi %add3A, %mul3A_156 : i32
      %dma_wait3A_158 = arith.constant 1 : i32
      %dma_wait3A_159 = arith.constant 0 : i32
      %dma_wait3A_160 = tpu.memref_slice %arg6[%rem3A_130, %dma_wait3A_158, %dma_wait3A_159] : memref<2x5x80xi32, #tpu.memory_space<vmem>> -> memref<1x1x80xi32, #tpu.memory_space<vmem>>
      %dma_wait3A_161 = tpu.memref_squeeze %dma_wait3A_160 : memref<1x1x80xi32, #tpu.memory_space<vmem>> -> memref<80xi32, #tpu.memory_space<vmem>>
      %dma_wait3A_162 = tpu.memref_slice %arg2[%add3A_157] : memref<320000xi32, #tpu.memory_space<hbm>> -> memref<80xi32, #tpu.memory_space<hbm>>
      %dma_wait3A_163 = arith.constant 0 : i32
      %dma_wait3A_164 = tpu.memref_slice %arg6[%rem3A_130, %dma_wait3A_158, %dma_wait3A_163] : memref<2x5x80xi32, #tpu.memory_space<vmem>> -> memref<1x1x80xi32, #tpu.memory_space<vmem>>
      %dma_wait3A_165 = tpu.memref_squeeze %dma_wait3A_164 : memref<1x1x80xi32, #tpu.memory_space<vmem>> -> memref<80xi32, #tpu.memory_space<vmem>>
      %dma_wait3A_166 = tpu.memref_slice %arg2[%add3A_157] : memref<320000xi32, #tpu.memory_space<hbm>> -> memref<80xi32, #tpu.memory_space<hbm>>
      tpu.wait_dma2 semaphore(%arg8 : memref<!tpu.dma_semaphore, #tpu.memory_space<semaphore_mem>>) src(%dma_wait3A_166 : memref<80xi32, #tpu.memory_space<hbm>>) dst(%dma_wait3A_165 : memref<80xi32, #tpu.memory_space<vmem>>)
      %mul3A_167 = arith.constant 5 : i32
      %mul3A_168 = arith.muli %scan3A_128, %mul3A_167 : i32
      %add3A_169 = arith.constant 2 : i32
      %add3A_170 = arith.addi %mul3A_168, %add3A_169 : i32
      %mul3A_171 = arith.constant 80 : i32
      %mul3A_172 = arith.muli %add3A_170, %mul3A_171 : i32
      %add3A_173 = arith.addi %add3A, %mul3A_172 : i32
      %dma_wait3A_174 = arith.constant 2 : i32
      %dma_wait3A_175 = arith.constant 0 : i32
      %dma_wait3A_176 = tpu.memref_slice %arg6[%rem3A_130, %dma_wait3A_174, %dma_wait3A_175] : memref<2x5x80xi32, #tpu.memory_space<vmem>> -> memref<1x1x80xi32, #tpu.memory_space<vmem>>
      %dma_wait3A_177 = tpu.memref_squeeze %dma_wait3A_176 : memref<1x1x80xi32, #tpu.memory_space<vmem>> -> memref<80xi32, #tpu.memory_space<vmem>>
      %dma_wait3A_178 = tpu.memref_slice %arg2[%add3A_173] : memref<320000xi32, #tpu.memory_space<hbm>> -> memref<80xi32, #tpu.memory_space<hbm>>
      %dma_wait3A_179 = arith.constant 0 : i32
      %dma_wait3A_180 = tpu.memref_slice %arg6[%rem3A_130, %dma_wait3A_174, %dma_wait3A_179] : memref<2x5x80xi32, #tpu.memory_space<vmem>> -> memref<1x1x80xi32, #tpu.memory_space<vmem>>
      %dma_wait3A_181 = tpu.memref_squeeze %dma_wait3A_180 : memref<1x1x80xi32, #tpu.memory_space<vmem>> -> memref<80xi32, #tpu.memory_space<vmem>>
      %dma_wait3A_182 = tpu.memref_slice %arg2[%add3A_173] : memref<320000xi32, #tpu.memory_space<hbm>> -> memref<80xi32, #tpu.memory_space<hbm>>
      tpu.wait_dma2 semaphore(%arg8 : memref<!tpu.dma_semaphore, #tpu.memory_space<semaphore_mem>>) src(%dma_wait3A_182 : memref<80xi32, #tpu.memory_space<hbm>>) dst(%dma_wait3A_181 : memref<80xi32, #tpu.memory_space<vmem>>)
      %mul3A_183 = arith.constant 5 : i32
      %mul3A_184 = arith.muli %scan3A_128, %mul3A_183 : i32
      %add3A_185 = arith.constant 3 : i32
      %add3A_186 = arith.addi %mul3A_184, %add3A_185 : i32
      %mul3A_187 = arith.constant 80 : i32
      %mul3A_188 = arith.muli %add3A_186, %mul3A_187 : i32
      %add3A_189 = arith.addi %add3A, %mul3A_188 : i32
      %dma_wait3A_190 = arith.constant 3 : i32
      %dma_wait3A_191 = arith.constant 0 : i32
      %dma_wait3A_192 = tpu.memref_slice %arg6[%rem3A_130, %dma_wait3A_190, %dma_wait3A_191] : memref<2x5x80xi32, #tpu.memory_space<vmem>> -> memref<1x1x80xi32, #tpu.memory_space<vmem>>
      %dma_wait3A_193 = tpu.memref_squeeze %dma_wait3A_192 : memref<1x1x80xi32, #tpu.memory_space<vmem>> -> memref<80xi32, #tpu.memory_space<vmem>>
      %dma_wait3A_194 = tpu.memref_slice %arg2[%add3A_189] : memref<320000xi32, #tpu.memory_space<hbm>> -> memref<80xi32, #tpu.memory_space<hbm>>
      %dma_wait3A_195 = arith.constant 0 : i32
      %dma_wait3A_196 = tpu.memref_slice %arg6[%rem3A_130, %dma_wait3A_190, %dma_wait3A_195] : memref<2x5x80xi32, #tpu.memory_space<vmem>> -> memref<1x1x80xi32, #tpu.memory_space<vmem>>
      %dma_wait3A_197 = tpu.memref_squeeze %dma_wait3A_196 : memref<1x1x80xi32, #tpu.memory_space<vmem>> -> memref<80xi32, #tpu.memory_space<vmem>>
      %dma_wait3A_198 = tpu.memref_slice %arg2[%add3A_189] : memref<320000xi32, #tpu.memory_space<hbm>> -> memref<80xi32, #tpu.memory_space<hbm>>
      tpu.wait_dma2 semaphore(%arg8 : memref<!tpu.dma_semaphore, #tpu.memory_space<semaphore_mem>>) src(%dma_wait3A_198 : memref<80xi32, #tpu.memory_space<hbm>>) dst(%dma_wait3A_197 : memref<80xi32, #tpu.memory_space<vmem>>)
      %mul3A_199 = arith.constant 5 : i32
      %mul3A_200 = arith.muli %scan3A_128, %mul3A_199 : i32
      %add3A_201 = arith.constant 4 : i32
      %add3A_202 = arith.addi %mul3A_200, %add3A_201 : i32
      %mul3A_203 = arith.constant 80 : i32
      %mul3A_204 = arith.muli %add3A_202, %mul3A_203 : i32
      %add3A_205 = arith.addi %add3A, %mul3A_204 : i32
      %dma_wait3A_206 = arith.constant 4 : i32
      %dma_wait3A_207 = arith.constant 0 : i32
      %dma_wait3A_208 = tpu.memref_slice %arg6[%rem3A_130, %dma_wait3A_206, %dma_wait3A_207] : memref<2x5x80xi32, #tpu.memory_space<vmem>> -> memref<1x1x80xi32, #tpu.memory_space<vmem>>
      %dma_wait3A_209 = tpu.memref_squeeze %dma_wait3A_208 : memref<1x1x80xi32, #tpu.memory_space<vmem>> -> memref<80xi32, #tpu.memory_space<vmem>>
      %dma_wait3A_210 = tpu.memref_slice %arg2[%add3A_205] : memref<320000xi32, #tpu.memory_space<hbm>> -> memref<80xi32, #tpu.memory_space<hbm>>
      %dma_wait3A_211 = arith.constant 0 : i32
      %dma_wait3A_212 = tpu.memref_slice %arg6[%rem3A_130, %dma_wait3A_206, %dma_wait3A_211] : memref<2x5x80xi32, #tpu.memory_space<vmem>> -> memref<1x1x80xi32, #tpu.memory_space<vmem>>
      %dma_wait3A_213 = tpu.memref_squeeze %dma_wait3A_212 : memref<1x1x80xi32, #tpu.memory_space<vmem>> -> memref<80xi32, #tpu.memory_space<vmem>>
      %dma_wait3A_214 = tpu.memref_slice %arg2[%add3A_205] : memref<320000xi32, #tpu.memory_space<hbm>> -> memref<80xi32, #tpu.memory_space<hbm>>
      tpu.wait_dma2 semaphore(%arg8 : memref<!tpu.dma_semaphore, #tpu.memory_space<semaphore_mem>>) src(%dma_wait3A_214 : memref<80xi32, #tpu.memory_space<hbm>>) dst(%dma_wait3A_213 : memref<80xi32, #tpu.memory_space<vmem>>)
      %gt3A = arith.constant 0 : i32
      %gt3A_215 = arith.cmpi sgt, %scan3A_128, %gt3A : i32
      %convert_element_type3A = arith.extui %gt3A_215 : i1 to i32
      %cond3A = arith.constant 0 : i32
      %cond3A_216 = arith.cmpi ne, %convert_element_type3A, %cond3A : i32
      scf.if %cond3A_216 {
        %dma_wait3A_252 = arith.constant 0 : i32
        %dma_wait3A_253 = arith.constant 0 : i32
        %dma_wait3A_254 = tpu.memref_slice %arg6[%rem3A_134, %dma_wait3A_252, %dma_wait3A_253] : memref<2x5x80xi32, #tpu.memory_space<vmem>> -> memref<1x1x80xi32, #tpu.memory_space<vmem>>
        %dma_wait3A_255 = tpu.memref_squeeze %dma_wait3A_254 : memref<1x1x80xi32, #tpu.memory_space<vmem>> -> memref<80xi32, #tpu.memory_space<vmem>>
        %dma_wait3A_256 = arith.constant 0 : i32
        %dma_wait3A_257 = tpu.memref_slice %arg7[%dma_wait3A_256] : memref<10240xf32, #tpu.memory_space<vmem_shared>> -> memref<10240xf32, #tpu.memory_space<vmem_shared>>
        tpu.wait_indirect_dma semaphore(%arg9 : memref<!tpu.dma_semaphore, #tpu.memory_space<semaphore_mem>>) src(%arg5 : memref<80xf32, #tpu.memory_space<vmem>>) dst(%dma_wait3A_257 : memref<10240xf32, #tpu.memory_space<vmem_shared>>)
        %dma_wait3A_258 = arith.constant 1 : i32
        %dma_wait3A_259 = arith.constant 0 : i32
        %dma_wait3A_260 = tpu.memref_slice %arg6[%rem3A_134, %dma_wait3A_258, %dma_wait3A_259] : memref<2x5x80xi32, #tpu.memory_space<vmem>> -> memref<1x1x80xi32, #tpu.memory_space<vmem>>
        %dma_wait3A_261 = tpu.memref_squeeze %dma_wait3A_260 : memref<1x1x80xi32, #tpu.memory_space<vmem>> -> memref<80xi32, #tpu.memory_space<vmem>>
        %dma_wait3A_262 = arith.constant 0 : i32
        %dma_wait3A_263 = tpu.memref_slice %arg7[%dma_wait3A_262] : memref<10240xf32, #tpu.memory_space<vmem_shared>> -> memref<10240xf32, #tpu.memory_space<vmem_shared>>
        tpu.wait_indirect_dma semaphore(%arg9 : memref<!tpu.dma_semaphore, #tpu.memory_space<semaphore_mem>>) src(%arg5 : memref<80xf32, #tpu.memory_space<vmem>>) dst(%dma_wait3A_263 : memref<10240xf32, #tpu.memory_space<vmem_shared>>)
        %dma_wait3A_264 = arith.constant 2 : i32
        %dma_wait3A_265 = arith.constant 0 : i32
        %dma_wait3A_266 = tpu.memref_slice %arg6[%rem3A_134, %dma_wait3A_264, %dma_wait3A_265] : memref<2x5x80xi32, #tpu.memory_space<vmem>> -> memref<1x1x80xi32, #tpu.memory_space<vmem>>
        %dma_wait3A_267 = tpu.memref_squeeze %dma_wait3A_266 : memref<1x1x80xi32, #tpu.memory_space<vmem>> -> memref<80xi32, #tpu.memory_space<vmem>>
        %dma_wait3A_268 = arith.constant 0 : i32
        %dma_wait3A_269 = tpu.memref_slice %arg7[%dma_wait3A_268] : memref<10240xf32, #tpu.memory_space<vmem_shared>> -> memref<10240xf32, #tpu.memory_space<vmem_shared>>
        tpu.wait_indirect_dma semaphore(%arg9 : memref<!tpu.dma_semaphore, #tpu.memory_space<semaphore_mem>>) src(%arg5 : memref<80xf32, #tpu.memory_space<vmem>>) dst(%dma_wait3A_269 : memref<10240xf32, #tpu.memory_space<vmem_shared>>)
        %dma_wait3A_270 = arith.constant 3 : i32
        %dma_wait3A_271 = arith.constant 0 : i32
        %dma_wait3A_272 = tpu.memref_slice %arg6[%rem3A_134, %dma_wait3A_270, %dma_wait3A_271] : memref<2x5x80xi32, #tpu.memory_space<vmem>> -> memref<1x1x80xi32, #tpu.memory_space<vmem>>
        %dma_wait3A_273 = tpu.memref_squeeze %dma_wait3A_272 : memref<1x1x80xi32, #tpu.memory_space<vmem>> -> memref<80xi32, #tpu.memory_space<vmem>>
        %dma_wait3A_274 = arith.constant 0 : i32
        %dma_wait3A_275 = tpu.memref_slice %arg7[%dma_wait3A_274] : memref<10240xf32, #tpu.memory_space<vmem_shared>> -> memref<10240xf32, #tpu.memory_space<vmem_shared>>
        tpu.wait_indirect_dma semaphore(%arg9 : memref<!tpu.dma_semaphore, #tpu.memory_space<semaphore_mem>>) src(%arg5 : memref<80xf32, #tpu.memory_space<vmem>>) dst(%dma_wait3A_275 : memref<10240xf32, #tpu.memory_space<vmem_shared>>)
        %dma_wait3A_276 = arith.constant 4 : i32
        %dma_wait3A_277 = arith.constant 0 : i32
        %dma_wait3A_278 = tpu.memref_slice %arg6[%rem3A_134, %dma_wait3A_276, %dma_wait3A_277] : memref<2x5x80xi32, #tpu.memory_space<vmem>> -> memref<1x1x80xi32, #tpu.memory_space<vmem>>
        %dma_wait3A_279 = tpu.memref_squeeze %dma_wait3A_278 : memref<1x1x80xi32, #tpu.memory_space<vmem>> -> memref<80xi32, #tpu.memory_space<vmem>>
        %dma_wait3A_280 = arith.constant 0 : i32
        %dma_wait3A_281 = tpu.memref_slice %arg7[%dma_wait3A_280] : memref<10240xf32, #tpu.memory_space<vmem_shared>> -> memref<10240xf32, #tpu.memory_space<vmem_shared>>
        tpu.wait_indirect_dma semaphore(%arg9 : memref<!tpu.dma_semaphore, #tpu.memory_space<semaphore_mem>>) src(%arg5 : memref<80xf32, #tpu.memory_space<vmem>>) dst(%dma_wait3A_281 : memref<10240xf32, #tpu.memory_space<vmem_shared>>)
      } else {
      }
      %lt3A = arith.constant 24 : i32
      %lt3A_217 = arith.cmpi slt, %scan3A_128, %lt3A : i32
      %convert_element_type3A_218 = arith.extui %lt3A_217 : i1 to i32
      %cond3A_219 = arith.constant 0 : i32
      %cond3A_220 = arith.cmpi ne, %convert_element_type3A_218, %cond3A_219 : i32
      scf.if %cond3A_220 {
        %add3A_252 = arith.constant 1 : i32
        %add3A_253 = arith.addi %scan3A_128, %add3A_252 : i32
        %mul3A_254 = arith.constant 5 : i32
        %mul3A_255 = arith.muli %add3A_253, %mul3A_254 : i32
        %add3A_256 = arith.constant 0 : i32
        %add3A_257 = arith.addi %mul3A_255, %add3A_256 : i32
        %mul3A_258 = arith.constant 80 : i32
        %mul3A_259 = arith.muli %add3A_257, %mul3A_258 : i32
        %add3A_260 = arith.addi %add3A, %mul3A_259 : i32
        %dma_start3A_261 = arith.constant 0 : i32
        %dma_start3A_262 = arith.constant 0 : i32
        %dma_start3A_263 = tpu.memref_slice %arg6[%rem3A_134, %dma_start3A_261, %dma_start3A_262] : memref<2x5x80xi32, #tpu.memory_space<vmem>> -> memref<1x1x80xi32, #tpu.memory_space<vmem>>
        %dma_start3A_264 = tpu.memref_squeeze %dma_start3A_263 : memref<1x1x80xi32, #tpu.memory_space<vmem>> -> memref<80xi32, #tpu.memory_space<vmem>>
        %dma_start3A_265 = tpu.memref_slice %arg2[%add3A_260] : memref<320000xi32, #tpu.memory_space<hbm>> -> memref<80xi32, #tpu.memory_space<hbm>>
        %dma_start3A_266 = arith.constant 0 : i32
        %dma_start3A_267 = tpu.memref_slice %arg6[%rem3A_134, %dma_start3A_261, %dma_start3A_266] : memref<2x5x80xi32, #tpu.memory_space<vmem>> -> memref<1x1x80xi32, #tpu.memory_space<vmem>>
        %dma_start3A_268 = tpu.memref_squeeze %dma_start3A_267 : memref<1x1x80xi32, #tpu.memory_space<vmem>> -> memref<80xi32, #tpu.memory_space<vmem>>
        %dma_start3A_269 = tpu.memref_slice %arg2[%add3A_260] : memref<320000xi32, #tpu.memory_space<hbm>> -> memref<80xi32, #tpu.memory_space<hbm>>
        tpu.enqueue_dma source(%dma_start3A_269 : memref<80xi32, #tpu.memory_space<hbm>>) target(%dma_start3A_268 : memref<80xi32, #tpu.memory_space<vmem>>) target_semaphore(%arg8 : memref<!tpu.dma_semaphore, #tpu.memory_space<semaphore_mem>>)
        %mul3A_270 = arith.constant 5 : i32
        %mul3A_271 = arith.muli %add3A_253, %mul3A_270 : i32
        %add3A_272 = arith.constant 1 : i32
        %add3A_273 = arith.addi %mul3A_271, %add3A_272 : i32
        %mul3A_274 = arith.constant 80 : i32
        %mul3A_275 = arith.muli %add3A_273, %mul3A_274 : i32
        %add3A_276 = arith.addi %add3A, %mul3A_275 : i32
        %dma_start3A_277 = arith.constant 1 : i32
        %dma_start3A_278 = arith.constant 0 : i32
        %dma_start3A_279 = tpu.memref_slice %arg6[%rem3A_134, %dma_start3A_277, %dma_start3A_278] : memref<2x5x80xi32, #tpu.memory_space<vmem>> -> memref<1x1x80xi32, #tpu.memory_space<vmem>>
        %dma_start3A_280 = tpu.memref_squeeze %dma_start3A_279 : memref<1x1x80xi32, #tpu.memory_space<vmem>> -> memref<80xi32, #tpu.memory_space<vmem>>
        %dma_start3A_281 = tpu.memref_slice %arg2[%add3A_276] : memref<320000xi32, #tpu.memory_space<hbm>> -> memref<80xi32, #tpu.memory_space<hbm>>
        %dma_start3A_282 = arith.constant 0 : i32
        %dma_start3A_283 = tpu.memref_slice %arg6[%rem3A_134, %dma_start3A_277, %dma_start3A_282] : memref<2x5x80xi32, #tpu.memory_space<vmem>> -> memref<1x1x80xi32, #tpu.memory_space<vmem>>
        %dma_start3A_284 = tpu.memref_squeeze %dma_start3A_283 : memref<1x1x80xi32, #tpu.memory_space<vmem>> -> memref<80xi32, #tpu.memory_space<vmem>>
        %dma_start3A_285 = tpu.memref_slice %arg2[%add3A_276] : memref<320000xi32, #tpu.memory_space<hbm>> -> memref<80xi32, #tpu.memory_space<hbm>>
        tpu.enqueue_dma source(%dma_start3A_285 : memref<80xi32, #tpu.memory_space<hbm>>) target(%dma_start3A_284 : memref<80xi32, #tpu.memory_space<vmem>>) target_semaphore(%arg8 : memref<!tpu.dma_semaphore, #tpu.memory_space<semaphore_mem>>)
        %mul3A_286 = arith.constant 5 : i32
        %mul3A_287 = arith.muli %add3A_253, %mul3A_286 : i32
        %add3A_288 = arith.constant 2 : i32
        %add3A_289 = arith.addi %mul3A_287, %add3A_288 : i32
        %mul3A_290 = arith.constant 80 : i32
        %mul3A_291 = arith.muli %add3A_289, %mul3A_290 : i32
        %add3A_292 = arith.addi %add3A, %mul3A_291 : i32
        %dma_start3A_293 = arith.constant 2 : i32
        %dma_start3A_294 = arith.constant 0 : i32
        %dma_start3A_295 = tpu.memref_slice %arg6[%rem3A_134, %dma_start3A_293, %dma_start3A_294] : memref<2x5x80xi32, #tpu.memory_space<vmem>> -> memref<1x1x80xi32, #tpu.memory_space<vmem>>
        %dma_start3A_296 = tpu.memref_squeeze %dma_start3A_295 : memref<1x1x80xi32, #tpu.memory_space<vmem>> -> memref<80xi32, #tpu.memory_space<vmem>>
        %dma_start3A_297 = tpu.memref_slice %arg2[%add3A_292] : memref<320000xi32, #tpu.memory_space<hbm>> -> memref<80xi32, #tpu.memory_space<hbm>>
        %dma_start3A_298 = arith.constant 0 : i32
        %dma_start3A_299 = tpu.memref_slice %arg6[%rem3A_134, %dma_start3A_293, %dma_start3A_298] : memref<2x5x80xi32, #tpu.memory_space<vmem>> -> memref<1x1x80xi32, #tpu.memory_space<vmem>>
        %dma_start3A_300 = tpu.memref_squeeze %dma_start3A_299 : memref<1x1x80xi32, #tpu.memory_space<vmem>> -> memref<80xi32, #tpu.memory_space<vmem>>
        %dma_start3A_301 = tpu.memref_slice %arg2[%add3A_292] : memref<320000xi32, #tpu.memory_space<hbm>> -> memref<80xi32, #tpu.memory_space<hbm>>
        tpu.enqueue_dma source(%dma_start3A_301 : memref<80xi32, #tpu.memory_space<hbm>>) target(%dma_start3A_300 : memref<80xi32, #tpu.memory_space<vmem>>) target_semaphore(%arg8 : memref<!tpu.dma_semaphore, #tpu.memory_space<semaphore_mem>>)
        %mul3A_302 = arith.constant 5 : i32
        %mul3A_303 = arith.muli %add3A_253, %mul3A_302 : i32
        %add3A_304 = arith.constant 3 : i32
        %add3A_305 = arith.addi %mul3A_303, %add3A_304 : i32
        %mul3A_306 = arith.constant 80 : i32
        %mul3A_307 = arith.muli %add3A_305, %mul3A_306 : i32
        %add3A_308 = arith.addi %add3A, %mul3A_307 : i32
        %dma_start3A_309 = arith.constant 3 : i32
        %dma_start3A_310 = arith.constant 0 : i32
        %dma_start3A_311 = tpu.memref_slice %arg6[%rem3A_134, %dma_start3A_309, %dma_start3A_310] : memref<2x5x80xi32, #tpu.memory_space<vmem>> -> memref<1x1x80xi32, #tpu.memory_space<vmem>>
        %dma_start3A_312 = tpu.memref_squeeze %dma_start3A_311 : memref<1x1x80xi32, #tpu.memory_space<vmem>> -> memref<80xi32, #tpu.memory_space<vmem>>
        %dma_start3A_313 = tpu.memref_slice %arg2[%add3A_308] : memref<320000xi32, #tpu.memory_space<hbm>> -> memref<80xi32, #tpu.memory_space<hbm>>
        %dma_start3A_314 = arith.constant 0 : i32
        %dma_start3A_315 = tpu.memref_slice %arg6[%rem3A_134, %dma_start3A_309, %dma_start3A_314] : memref<2x5x80xi32, #tpu.memory_space<vmem>> -> memref<1x1x80xi32, #tpu.memory_space<vmem>>
        %dma_start3A_316 = tpu.memref_squeeze %dma_start3A_315 : memref<1x1x80xi32, #tpu.memory_space<vmem>> -> memref<80xi32, #tpu.memory_space<vmem>>
        %dma_start3A_317 = tpu.memref_slice %arg2[%add3A_308] : memref<320000xi32, #tpu.memory_space<hbm>> -> memref<80xi32, #tpu.memory_space<hbm>>
        tpu.enqueue_dma source(%dma_start3A_317 : memref<80xi32, #tpu.memory_space<hbm>>) target(%dma_start3A_316 : memref<80xi32, #tpu.memory_space<vmem>>) target_semaphore(%arg8 : memref<!tpu.dma_semaphore, #tpu.memory_space<semaphore_mem>>)
        %mul3A_318 = arith.constant 5 : i32
        %mul3A_319 = arith.muli %add3A_253, %mul3A_318 : i32
        %add3A_320 = arith.constant 4 : i32
        %add3A_321 = arith.addi %mul3A_319, %add3A_320 : i32
        %mul3A_322 = arith.constant 80 : i32
        %mul3A_323 = arith.muli %add3A_321, %mul3A_322 : i32
        %add3A_324 = arith.addi %add3A, %mul3A_323 : i32
        %dma_start3A_325 = arith.constant 4 : i32
        %dma_start3A_326 = arith.constant 0 : i32
        %dma_start3A_327 = tpu.memref_slice %arg6[%rem3A_134, %dma_start3A_325, %dma_start3A_326] : memref<2x5x80xi32, #tpu.memory_space<vmem>> -> memref<1x1x80xi32, #tpu.memory_space<vmem>>
        %dma_start3A_328 = tpu.memref_squeeze %dma_start3A_327 : memref<1x1x80xi32, #tpu.memory_space<vmem>> -> memref<80xi32, #tpu.memory_space<vmem>>
        %dma_start3A_329 = tpu.memref_slice %arg2[%add3A_324] : memref<320000xi32, #tpu.memory_space<hbm>> -> memref<80xi32, #tpu.memory_space<hbm>>
        %dma_start3A_330 = arith.constant 0 : i32
        %dma_start3A_331 = tpu.memref_slice %arg6[%rem3A_134, %dma_start3A_325, %dma_start3A_330] : memref<2x5x80xi32, #tpu.memory_space<vmem>> -> memref<1x1x80xi32, #tpu.memory_space<vmem>>
        %dma_start3A_332 = tpu.memref_squeeze %dma_start3A_331 : memref<1x1x80xi32, #tpu.memory_space<vmem>> -> memref<80xi32, #tpu.memory_space<vmem>>
        %dma_start3A_333 = tpu.memref_slice %arg2[%add3A_324] : memref<320000xi32, #tpu.memory_space<hbm>> -> memref<80xi32, #tpu.memory_space<hbm>>
        tpu.enqueue_dma source(%dma_start3A_333 : memref<80xi32, #tpu.memory_space<hbm>>) target(%dma_start3A_332 : memref<80xi32, #tpu.memory_space<vmem>>) target_semaphore(%arg8 : memref<!tpu.dma_semaphore, #tpu.memory_space<semaphore_mem>>)
      } else {
      }
      %dma_start3A_221 = arith.constant 0 : i32
      %dma_start3A_222 = arith.constant 0 : i32
      %dma_start3A_223 = tpu.memref_slice %arg6[%rem3A_130, %dma_start3A_221, %dma_start3A_222] : memref<2x5x80xi32, #tpu.memory_space<vmem>> -> memref<1x1x80xi32, #tpu.memory_space<vmem>>
      %dma_start3A_224 = tpu.memref_squeeze %dma_start3A_223 : memref<1x1x80xi32, #tpu.memory_space<vmem>> -> memref<80xi32, #tpu.memory_space<vmem>>
      %dma_start3A_225 = arith.constant 0 : i32
      %dma_start3A_226 = tpu.memref_slice %arg7[%dma_start3A_225] : memref<10240xf32, #tpu.memory_space<vmem_shared>> -> memref<10240xf32, #tpu.memory_space<vmem_shared>>
      tpu.enqueue_indirect_dma source(%arg5 : memref<80xf32, #tpu.memory_space<vmem>>) target(%dma_start3A_226 : memref<10240xf32, #tpu.memory_space<vmem_shared>>) offsets(%dma_start3A_224 : memref<80xi32, #tpu.memory_space<vmem>>) semaphore(%arg9 : memref<!tpu.dma_semaphore, #tpu.memory_space<semaphore_mem>>) {add = true}
      %dma_start3A_227 = arith.constant 1 : i32
      %dma_start3A_228 = arith.constant 0 : i32
      %dma_start3A_229 = tpu.memref_slice %arg6[%rem3A_130, %dma_start3A_227, %dma_start3A_228] : memref<2x5x80xi32, #tpu.memory_space<vmem>> -> memref<1x1x80xi32, #tpu.memory_space<vmem>>
      %dma_start3A_230 = tpu.memref_squeeze %dma_start3A_229 : memref<1x1x80xi32, #tpu.memory_space<vmem>> -> memref<80xi32, #tpu.memory_space<vmem>>
      %dma_start3A_231 = arith.constant 0 : i32
      %dma_start3A_232 = tpu.memref_slice %arg7[%dma_start3A_231] : memref<10240xf32, #tpu.memory_space<vmem_shared>> -> memref<10240xf32, #tpu.memory_space<vmem_shared>>
      tpu.enqueue_indirect_dma source(%arg5 : memref<80xf32, #tpu.memory_space<vmem>>) target(%dma_start3A_232 : memref<10240xf32, #tpu.memory_space<vmem_shared>>) offsets(%dma_start3A_230 : memref<80xi32, #tpu.memory_space<vmem>>) semaphore(%arg9 : memref<!tpu.dma_semaphore, #tpu.memory_space<semaphore_mem>>) {add = true}
      %dma_start3A_233 = arith.constant 2 : i32
      %dma_start3A_234 = arith.constant 0 : i32
      %dma_start3A_235 = tpu.memref_slice %arg6[%rem3A_130, %dma_start3A_233, %dma_start3A_234] : memref<2x5x80xi32, #tpu.memory_space<vmem>> -> memref<1x1x80xi32, #tpu.memory_space<vmem>>
      %dma_start3A_236 = tpu.memref_squeeze %dma_start3A_235 : memref<1x1x80xi32, #tpu.memory_space<vmem>> -> memref<80xi32, #tpu.memory_space<vmem>>
      %dma_start3A_237 = arith.constant 0 : i32
      %dma_start3A_238 = tpu.memref_slice %arg7[%dma_start3A_237] : memref<10240xf32, #tpu.memory_space<vmem_shared>> -> memref<10240xf32, #tpu.memory_space<vmem_shared>>
      tpu.enqueue_indirect_dma source(%arg5 : memref<80xf32, #tpu.memory_space<vmem>>) target(%dma_start3A_238 : memref<10240xf32, #tpu.memory_space<vmem_shared>>) offsets(%dma_start3A_236 : memref<80xi32, #tpu.memory_space<vmem>>) semaphore(%arg9 : memref<!tpu.dma_semaphore, #tpu.memory_space<semaphore_mem>>) {add = true}
      %dma_start3A_239 = arith.constant 3 : i32
      %dma_start3A_240 = arith.constant 0 : i32
      %dma_start3A_241 = tpu.memref_slice %arg6[%rem3A_130, %dma_start3A_239, %dma_start3A_240] : memref<2x5x80xi32, #tpu.memory_space<vmem>> -> memref<1x1x80xi32, #tpu.memory_space<vmem>>
      %dma_start3A_242 = tpu.memref_squeeze %dma_start3A_241 : memref<1x1x80xi32, #tpu.memory_space<vmem>> -> memref<80xi32, #tpu.memory_space<vmem>>
      %dma_start3A_243 = arith.constant 0 : i32
      %dma_start3A_244 = tpu.memref_slice %arg7[%dma_start3A_243] : memref<10240xf32, #tpu.memory_space<vmem_shared>> -> memref<10240xf32, #tpu.memory_space<vmem_shared>>
      tpu.enqueue_indirect_dma source(%arg5 : memref<80xf32, #tpu.memory_space<vmem>>) target(%dma_start3A_244 : memref<10240xf32, #tpu.memory_space<vmem_shared>>) offsets(%dma_start3A_242 : memref<80xi32, #tpu.memory_space<vmem>>) semaphore(%arg9 : memref<!tpu.dma_semaphore, #tpu.memory_space<semaphore_mem>>) {add = true}
      %dma_start3A_245 = arith.constant 4 : i32
      %dma_start3A_246 = arith.constant 0 : i32
      %dma_start3A_247 = tpu.memref_slice %arg6[%rem3A_130, %dma_start3A_245, %dma_start3A_246] : memref<2x5x80xi32, #tpu.memory_space<vmem>> -> memref<1x1x80xi32, #tpu.memory_space<vmem>>
      %dma_start3A_248 = tpu.memref_squeeze %dma_start3A_247 : memref<1x1x80xi32, #tpu.memory_space<vmem>> -> memref<80xi32, #tpu.memory_space<vmem>>
      %dma_start3A_249 = arith.constant 0 : i32
      %dma_start3A_250 = tpu.memref_slice %arg7[%dma_start3A_249] : memref<10240xf32, #tpu.memory_space<vmem_shared>> -> memref<10240xf32, #tpu.memory_space<vmem_shared>>
      tpu.enqueue_indirect_dma source(%arg5 : memref<80xf32, #tpu.memory_space<vmem>>) target(%dma_start3A_250 : memref<10240xf32, #tpu.memory_space<vmem_shared>>) offsets(%dma_start3A_248 : memref<80xi32, #tpu.memory_space<vmem>>) semaphore(%arg9 : memref<!tpu.dma_semaphore, #tpu.memory_space<semaphore_mem>>) {add = true}
      %scan3A_251 = arith.constant 0 : i32
      scf.yield %scan3A_251 : i32
    }
    %scan3A_88 = arith.constant 25 : i32
    %dma_wait3A = arith.constant 0 : i32
    %dma_wait3A_89 = arith.constant 0 : i32
    %dma_wait3A_90 = arith.constant 0 : i32
    %dma_wait3A_91 = tpu.memref_slice %arg6[%dma_wait3A, %dma_wait3A_89, %dma_wait3A_90] : memref<2x5x80xi32, #tpu.memory_space<vmem>> -> memref<1x1x80xi32, #tpu.memory_space<vmem>>
    %dma_wait3A_92 = tpu.memref_squeeze %dma_wait3A_91 : memref<1x1x80xi32, #tpu.memory_space<vmem>> -> memref<80xi32, #tpu.memory_space<vmem>>
    %dma_wait3A_93 = arith.constant 0 : i32
    %dma_wait3A_94 = tpu.memref_slice %arg7[%dma_wait3A_93] : memref<10240xf32, #tpu.memory_space<vmem_shared>> -> memref<10240xf32, #tpu.memory_space<vmem_shared>>
    tpu.wait_indirect_dma semaphore(%arg9 : memref<!tpu.dma_semaphore, #tpu.memory_space<semaphore_mem>>) src(%arg5 : memref<80xf32, #tpu.memory_space<vmem>>) dst(%dma_wait3A_94 : memref<10240xf32, #tpu.memory_space<vmem_shared>>)
    %dma_wait3A_95 = arith.constant 0 : i32
    %dma_wait3A_96 = arith.constant 1 : i32
    %dma_wait3A_97 = arith.constant 0 : i32
    %dma_wait3A_98 = tpu.memref_slice %arg6[%dma_wait3A_95, %dma_wait3A_96, %dma_wait3A_97] : memref<2x5x80xi32, #tpu.memory_space<vmem>> -> memref<1x1x80xi32, #tpu.memory_space<vmem>>
    %dma_wait3A_99 = tpu.memref_squeeze %dma_wait3A_98 : memref<1x1x80xi32, #tpu.memory_space<vmem>> -> memref<80xi32, #tpu.memory_space<vmem>>
    %dma_wait3A_100 = arith.constant 0 : i32
    %dma_wait3A_101 = tpu.memref_slice %arg7[%dma_wait3A_100] : memref<10240xf32, #tpu.memory_space<vmem_shared>> -> memref<10240xf32, #tpu.memory_space<vmem_shared>>
    tpu.wait_indirect_dma semaphore(%arg9 : memref<!tpu.dma_semaphore, #tpu.memory_space<semaphore_mem>>) src(%arg5 : memref<80xf32, #tpu.memory_space<vmem>>) dst(%dma_wait3A_101 : memref<10240xf32, #tpu.memory_space<vmem_shared>>)
    %dma_wait3A_102 = arith.constant 0 : i32
    %dma_wait3A_103 = arith.constant 2 : i32
    %dma_wait3A_104 = arith.constant 0 : i32
    %dma_wait3A_105 = tpu.memref_slice %arg6[%dma_wait3A_102, %dma_wait3A_103, %dma_wait3A_104] : memref<2x5x80xi32, #tpu.memory_space<vmem>> -> memref<1x1x80xi32, #tpu.memory_space<vmem>>
    %dma_wait3A_106 = tpu.memref_squeeze %dma_wait3A_105 : memref<1x1x80xi32, #tpu.memory_space<vmem>> -> memref<80xi32, #tpu.memory_space<vmem>>
    %dma_wait3A_107 = arith.constant 0 : i32
    %dma_wait3A_108 = tpu.memref_slice %arg7[%dma_wait3A_107] : memref<10240xf32, #tpu.memory_space<vmem_shared>> -> memref<10240xf32, #tpu.memory_space<vmem_shared>>
    tpu.wait_indirect_dma semaphore(%arg9 : memref<!tpu.dma_semaphore, #tpu.memory_space<semaphore_mem>>) src(%arg5 : memref<80xf32, #tpu.memory_space<vmem>>) dst(%dma_wait3A_108 : memref<10240xf32, #tpu.memory_space<vmem_shared>>)
    %dma_wait3A_109 = arith.constant 0 : i32
    %dma_wait3A_110 = arith.constant 3 : i32
    %dma_wait3A_111 = arith.constant 0 : i32
    %dma_wait3A_112 = tpu.memref_slice %arg6[%dma_wait3A_109, %dma_wait3A_110, %dma_wait3A_111] : memref<2x5x80xi32, #tpu.memory_space<vmem>> -> memref<1x1x80xi32, #tpu.memory_space<vmem>>
    %dma_wait3A_113 = tpu.memref_squeeze %dma_wait3A_112 : memref<1x1x80xi32, #tpu.memory_space<vmem>> -> memref<80xi32, #tpu.memory_space<vmem>>
    %dma_wait3A_114 = arith.constant 0 : i32
    %dma_wait3A_115 = tpu.memref_slice %arg7[%dma_wait3A_114] : memref<10240xf32, #tpu.memory_space<vmem_shared>> -> memref<10240xf32, #tpu.memory_space<vmem_shared>>
    tpu.wait_indirect_dma semaphore(%arg9 : memref<!tpu.dma_semaphore, #tpu.memory_space<semaphore_mem>>) src(%arg5 : memref<80xf32, #tpu.memory_space<vmem>>) dst(%dma_wait3A_115 : memref<10240xf32, #tpu.memory_space<vmem_shared>>)
    %dma_wait3A_116 = arith.constant 0 : i32
    %dma_wait3A_117 = arith.constant 4 : i32
    %dma_wait3A_118 = arith.constant 0 : i32
    %dma_wait3A_119 = tpu.memref_slice %arg6[%dma_wait3A_116, %dma_wait3A_117, %dma_wait3A_118] : memref<2x5x80xi32, #tpu.memory_space<vmem>> -> memref<1x1x80xi32, #tpu.memory_space<vmem>>
    %dma_wait3A_120 = tpu.memref_squeeze %dma_wait3A_119 : memref<1x1x80xi32, #tpu.memory_space<vmem>> -> memref<80xi32, #tpu.memory_space<vmem>>
    %dma_wait3A_121 = arith.constant 0 : i32
    %dma_wait3A_122 = tpu.memref_slice %arg7[%dma_wait3A_121] : memref<10240xf32, #tpu.memory_space<vmem_shared>> -> memref<10240xf32, #tpu.memory_space<vmem_shared>>
    tpu.wait_indirect_dma semaphore(%arg9 : memref<!tpu.dma_semaphore, #tpu.memory_space<semaphore_mem>>) src(%arg5 : memref<80xf32, #tpu.memory_space<vmem>>) dst(%dma_wait3A_122 : memref<10240xf32, #tpu.memory_space<vmem_shared>>)
    %barrier3A_123 = arith.constant 0 : index
    tpu.barrier barrier_id(%barrier3A_123)
    %mul3A_124 = arith.constant 640 : i32
    %mul3A_125 = arith.muli %arg1, %mul3A_124 : i32
    %mul3A_126 = arith.constant 640 : i32
    %mul3A_127 = arith.muli %arg1, %mul3A_126 : i32
    "tpu.region"() ({
      %run_scoped3A = tpu.sem_alloc : memref<!tpu.dma_semaphore, #tpu.memory_space<semaphore_mem>>
      %dma_start3A_128 = tpu.memref_slice %arg3[%arg0, %mul3A_127] : memref<2x10240xf32, #tpu.memory_space<hbm>> -> memref<1x640xf32, #tpu.memory_space<hbm>>
      %dma_start3A_129 = tpu.memref_squeeze %dma_start3A_128 : memref<1x640xf32, #tpu.memory_space<hbm>> -> memref<640xf32, #tpu.memory_space<hbm>>
      %dma_start3A_130 = tpu.memref_slice %arg7[%mul3A_125] : memref<10240xf32, #tpu.memory_space<vmem_shared>> -> memref<640xf32, #tpu.memory_space<vmem_shared>>
      tpu.enqueue_dma source(%dma_start3A_130 : memref<640xf32, #tpu.memory_space<vmem_shared>>) target(%dma_start3A_129 : memref<640xf32, #tpu.memory_space<hbm>>) target_semaphore(%run_scoped3A : memref<!tpu.dma_semaphore, #tpu.memory_space<semaphore_mem>>)
      %dma_wait3A_131 = tpu.memref_slice %arg3[%arg0, %mul3A_127] : memref<2x10240xf32, #tpu.memory_space<hbm>> -> memref<1x640xf32, #tpu.memory_space<hbm>>
      %dma_wait3A_132 = tpu.memref_squeeze %dma_wait3A_131 : memref<1x640xf32, #tpu.memory_space<hbm>> -> memref<640xf32, #tpu.memory_space<hbm>>
      %dma_wait3A_133 = tpu.memref_slice %arg7[%mul3A_125] : memref<10240xf32, #tpu.memory_space<vmem_shared>> -> memref<640xf32, #tpu.memory_space<vmem_shared>>
      tpu.wait_dma2 semaphore(%run_scoped3A : memref<!tpu.dma_semaphore, #tpu.memory_space<semaphore_mem>>) src(%dma_wait3A_133 : memref<640xf32, #tpu.memory_space<vmem_shared>>) dst(%dma_wait3A_132 : memref<640xf32, #tpu.memory_space<hbm>>)
      tpu.yield
    }) : () -> ()
    return
  }
}

#map = affine_map<(d0, d1) -> (0)>
#map1 = affine_map<(d0, d1) -> (0, 0)>
#map2 = affine_map<(d0, d1) -> (0, 0, 0)>
module attributes {stable_mosaic.version = 14 : i64} {
  func.func @_sc_prop(%arg0: i32, %arg1: i32, %arg2: memref<320000xi32, #tpu.memory_space<hbm>>, %arg3: memref<320000xi32, #tpu.memory_space<hbm>>, %arg4: memref<10000x128xf32, #tpu.memory_space<hbm>>, %arg5: memref<2x10240x128xf32, #tpu.memory_space<hbm>>, %arg6: memref<32x128xf32, #tpu.memory_space<vmem>>, %arg7: memref<4x80xi32, #tpu.memory_space<vmem>>, %arg8: memref<4x80xi32, #tpu.memory_space<vmem>>, %arg9: memref<4x80x128xf32, #tpu.memory_space<vmem>>, %arg10: memref<10240x128xf32, #tpu.memory_space<vmem_shared>>, %arg11: memref<!tpu.dma_semaphore, #tpu.memory_space<semaphore_mem>>, %arg12: memref<4x!tpu.dma_semaphore, #tpu.memory_space<semaphore_mem>>, %arg13: memref<4x!tpu.dma_semaphore, #tpu.memory_space<semaphore_mem>>) attributes {dimension_semantics = [#tpu.dimension_semantics<core_parallel>, #tpu.dimension_semantics<subcore_parallel>], iteration_bounds = array<i64: 2, 16>, scalar_prefetch = 0 : i64, scratch_operands = 8 : i64, tpu.core_type = #tpu.core_type<sc_vector_subcore>, window_params = [{transform_indices = #map}, {transform_indices = #map}, {transform_indices = #map1}, {transform_indices = #map2}]} {
    %mul3A = arith.constant 16 : i32
    %mul3A_0 = arith.muli %arg0, %mul3A : i32
    %add3A = arith.addi %mul3A_0, %arg1 : i32
    %mul3A_1 = arith.constant 10000 : i32
    %mul3A_2 = arith.muli %add3A, %mul3A_1 : i32
    %broadcast_in_dim3A = arith.constant 0.000000e+00 : f32
    %broadcast_in_dim3A_3 = vector.broadcast %broadcast_in_dim3A : f32 to vector<16xf32>
    %scan3A = arith.constant 0 : i32
    %scan3A_4 = arith.constant 0 : i32
    %scan3A_5 = arith.constant 32 : i32
    %scan3A_6 = arith.addi %scan3A_4, %scan3A_5 : i32
    %scan3A_7 = arith.constant 1 : i32
    %scan3A_8 = scf.for %scan3A_435 = %scan3A_4 to %scan3A_6 step %scan3A_7 iter_args(%scan3A_436 = %scan3A) -> (i32)  : i32 {
      %swap3A = arith.index_cast %scan3A_435 : i32 to index
      %swap3A_437 = arith.constant 0 : index
      %swap3A_438 = tpu.vector_load %arg6[%swap3A, %swap3A_437] {strides = array<i32>} : memref<32x128xf32, #tpu.memory_space<vmem>>, vector<16xf32>,
      tpu.vector_store %arg6[%swap3A, %swap3A_437], %broadcast_in_dim3A_3 {strides = array<i32>} : memref<32x128xf32, #tpu.memory_space<vmem>>, vector<16xf32>,
      %swap3A_439 = arith.index_cast %scan3A_435 : i32 to index
      %swap3A_440 = arith.constant 16 : index
      %swap3A_441 = tpu.vector_load %arg6[%swap3A_439, %swap3A_440] {strides = array<i32>} : memref<32x128xf32, #tpu.memory_space<vmem>>, vector<16xf32>,
      tpu.vector_store %arg6[%swap3A_439, %swap3A_440], %broadcast_in_dim3A_3 {strides = array<i32>} : memref<32x128xf32, #tpu.memory_space<vmem>>, vector<16xf32>,
      %swap3A_442 = arith.index_cast %scan3A_435 : i32 to index
      %swap3A_443 = arith.constant 32 : index
      %swap3A_444 = tpu.vector_load %arg6[%swap3A_442, %swap3A_443] {strides = array<i32>} : memref<32x128xf32, #tpu.memory_space<vmem>>, vector<16xf32>,
      tpu.vector_store %arg6[%swap3A_442, %swap3A_443], %broadcast_in_dim3A_3 {strides = array<i32>} : memref<32x128xf32, #tpu.memory_space<vmem>>, vector<16xf32>,
      %swap3A_445 = arith.index_cast %scan3A_435 : i32 to index
      %swap3A_446 = arith.constant 48 : index
      %swap3A_447 = tpu.vector_load %arg6[%swap3A_445, %swap3A_446] {strides = array<i32>} : memref<32x128xf32, #tpu.memory_space<vmem>>, vector<16xf32>,
      tpu.vector_store %arg6[%swap3A_445, %swap3A_446], %broadcast_in_dim3A_3 {strides = array<i32>} : memref<32x128xf32, #tpu.memory_space<vmem>>, vector<16xf32>,
      %swap3A_448 = arith.index_cast %scan3A_435 : i32 to index
      %swap3A_449 = arith.constant 64 : index
      %swap3A_450 = tpu.vector_load %arg6[%swap3A_448, %swap3A_449] {strides = array<i32>} : memref<32x128xf32, #tpu.memory_space<vmem>>, vector<16xf32>,
      tpu.vector_store %arg6[%swap3A_448, %swap3A_449], %broadcast_in_dim3A_3 {strides = array<i32>} : memref<32x128xf32, #tpu.memory_space<vmem>>, vector<16xf32>,
      %swap3A_451 = arith.index_cast %scan3A_435 : i32 to index
      %swap3A_452 = arith.constant 80 : index
      %swap3A_453 = tpu.vector_load %arg6[%swap3A_451, %swap3A_452] {strides = array<i32>} : memref<32x128xf32, #tpu.memory_space<vmem>>, vector<16xf32>,
      tpu.vector_store %arg6[%swap3A_451, %swap3A_452], %broadcast_in_dim3A_3 {strides = array<i32>} : memref<32x128xf32, #tpu.memory_space<vmem>>, vector<16xf32>,
      %swap3A_454 = arith.index_cast %scan3A_435 : i32 to index
      %swap3A_455 = arith.constant 96 : index
      %swap3A_456 = tpu.vector_load %arg6[%swap3A_454, %swap3A_455] {strides = array<i32>} : memref<32x128xf32, #tpu.memory_space<vmem>>, vector<16xf32>,
      tpu.vector_store %arg6[%swap3A_454, %swap3A_455], %broadcast_in_dim3A_3 {strides = array<i32>} : memref<32x128xf32, #tpu.memory_space<vmem>>, vector<16xf32>,
      %swap3A_457 = arith.index_cast %scan3A_435 : i32 to index
      %swap3A_458 = arith.constant 112 : index
      %swap3A_459 = tpu.vector_load %arg6[%swap3A_457, %swap3A_458] {strides = array<i32>} : memref<32x128xf32, #tpu.memory_space<vmem>>, vector<16xf32>,
      tpu.vector_store %arg6[%swap3A_457, %swap3A_458], %broadcast_in_dim3A_3 {strides = array<i32>} : memref<32x128xf32, #tpu.memory_space<vmem>>, vector<16xf32>,
      %scan3A_460 = arith.constant 0 : i32
      scf.yield %scan3A_460 : i32
    }
    %scan3A_9 = arith.constant 32 : i32
    %mul3A_10 = arith.constant 640 : i32
    %mul3A_11 = arith.muli %arg1, %mul3A_10 : i32
    %add3A_12 = arith.constant 0 : i32
    %add3A_13 = arith.addi %mul3A_11, %add3A_12 : i32
    %dma_start3A = arith.constant 0 : i32
    %dma_start3A_14 = tpu.memref_slice %arg10[%add3A_13, %dma_start3A] : memref<10240x128xf32, #tpu.memory_space<vmem_shared>> -> memref<32x128xf32, #tpu.memory_space<vmem_shared>>
    %dma_start3A_15 = arith.constant 0 : i32
    %dma_start3A_16 = tpu.memref_slice %arg10[%add3A_13, %dma_start3A_15] : memref<10240x128xf32, #tpu.memory_space<vmem_shared>> -> memref<32x128xf32, #tpu.memory_space<vmem_shared>>
    tpu.enqueue_dma source(%arg6 : memref<32x128xf32, #tpu.memory_space<vmem>>) target(%dma_start3A_16 : memref<32x128xf32, #tpu.memory_space<vmem_shared>>) target_semaphore(%arg11 : memref<!tpu.dma_semaphore, #tpu.memory_space<semaphore_mem>>)
    %mul3A_17 = arith.constant 640 : i32
    %mul3A_18 = arith.muli %arg1, %mul3A_17 : i32
    %add3A_19 = arith.constant 32 : i32
    %add3A_20 = arith.addi %mul3A_18, %add3A_19 : i32
    %dma_start3A_21 = arith.constant 0 : i32
    %dma_start3A_22 = tpu.memref_slice %arg10[%add3A_20, %dma_start3A_21] : memref<10240x128xf32, #tpu.memory_space<vmem_shared>> -> memref<32x128xf32, #tpu.memory_space<vmem_shared>>
    %dma_start3A_23 = arith.constant 0 : i32
    %dma_start3A_24 = tpu.memref_slice %arg10[%add3A_20, %dma_start3A_23] : memref<10240x128xf32, #tpu.memory_space<vmem_shared>> -> memref<32x128xf32, #tpu.memory_space<vmem_shared>>
    tpu.enqueue_dma source(%arg6 : memref<32x128xf32, #tpu.memory_space<vmem>>) target(%dma_start3A_24 : memref<32x128xf32, #tpu.memory_space<vmem_shared>>) target_semaphore(%arg11 : memref<!tpu.dma_semaphore, #tpu.memory_space<semaphore_mem>>)
    %mul3A_25 = arith.constant 640 : i32
    %mul3A_26 = arith.muli %arg1, %mul3A_25 : i32
    %add3A_27 = arith.constant 64 : i32
    %add3A_28 = arith.addi %mul3A_26, %add3A_27 : i32
    %dma_start3A_29 = arith.constant 0 : i32
    %dma_start3A_30 = tpu.memref_slice %arg10[%add3A_28, %dma_start3A_29] : memref<10240x128xf32, #tpu.memory_space<vmem_shared>> -> memref<32x128xf32, #tpu.memory_space<vmem_shared>>
    %dma_start3A_31 = arith.constant 0 : i32
    %dma_start3A_32 = tpu.memref_slice %arg10[%add3A_28, %dma_start3A_31] : memref<10240x128xf32, #tpu.memory_space<vmem_shared>> -> memref<32x128xf32, #tpu.memory_space<vmem_shared>>
    tpu.enqueue_dma source(%arg6 : memref<32x128xf32, #tpu.memory_space<vmem>>) target(%dma_start3A_32 : memref<32x128xf32, #tpu.memory_space<vmem_shared>>) target_semaphore(%arg11 : memref<!tpu.dma_semaphore, #tpu.memory_space<semaphore_mem>>)
    %mul3A_33 = arith.constant 640 : i32
    %mul3A_34 = arith.muli %arg1, %mul3A_33 : i32
    %add3A_35 = arith.constant 96 : i32
    %add3A_36 = arith.addi %mul3A_34, %add3A_35 : i32
    %dma_start3A_37 = arith.constant 0 : i32
    %dma_start3A_38 = tpu.memref_slice %arg10[%add3A_36, %dma_start3A_37] : memref<10240x128xf32, #tpu.memory_space<vmem_shared>> -> memref<32x128xf32, #tpu.memory_space<vmem_shared>>
    %dma_start3A_39 = arith.constant 0 : i32
    %dma_start3A_40 = tpu.memref_slice %arg10[%add3A_36, %dma_start3A_39] : memref<10240x128xf32, #tpu.memory_space<vmem_shared>> -> memref<32x128xf32, #tpu.memory_space<vmem_shared>>
    tpu.enqueue_dma source(%arg6 : memref<32x128xf32, #tpu.memory_space<vmem>>) target(%dma_start3A_40 : memref<32x128xf32, #tpu.memory_space<vmem_shared>>) target_semaphore(%arg11 : memref<!tpu.dma_semaphore, #tpu.memory_space<semaphore_mem>>)
    %mul3A_41 = arith.constant 640 : i32
    %mul3A_42 = arith.muli %arg1, %mul3A_41 : i32
    %add3A_43 = arith.constant 128 : i32
    %add3A_44 = arith.addi %mul3A_42, %add3A_43 : i32
    %dma_start3A_45 = arith.constant 0 : i32
    %dma_start3A_46 = tpu.memref_slice %arg10[%add3A_44, %dma_start3A_45] : memref<10240x128xf32, #tpu.memory_space<vmem_shared>> -> memref<32x128xf32, #tpu.memory_space<vmem_shared>>
    %dma_start3A_47 = arith.constant 0 : i32
    %dma_start3A_48 = tpu.memref_slice %arg10[%add3A_44, %dma_start3A_47] : memref<10240x128xf32, #tpu.memory_space<vmem_shared>> -> memref<32x128xf32, #tpu.memory_space<vmem_shared>>
    tpu.enqueue_dma source(%arg6 : memref<32x128xf32, #tpu.memory_space<vmem>>) target(%dma_start3A_48 : memref<32x128xf32, #tpu.memory_space<vmem_shared>>) target_semaphore(%arg11 : memref<!tpu.dma_semaphore, #tpu.memory_space<semaphore_mem>>)
    %mul3A_49 = arith.constant 640 : i32
    %mul3A_50 = arith.muli %arg1, %mul3A_49 : i32
    %add3A_51 = arith.constant 160 : i32
    %add3A_52 = arith.addi %mul3A_50, %add3A_51 : i32
    %dma_start3A_53 = arith.constant 0 : i32
    %dma_start3A_54 = tpu.memref_slice %arg10[%add3A_52, %dma_start3A_53] : memref<10240x128xf32, #tpu.memory_space<vmem_shared>> -> memref<32x128xf32, #tpu.memory_space<vmem_shared>>
    %dma_start3A_55 = arith.constant 0 : i32
    %dma_start3A_56 = tpu.memref_slice %arg10[%add3A_52, %dma_start3A_55] : memref<10240x128xf32, #tpu.memory_space<vmem_shared>> -> memref<32x128xf32, #tpu.memory_space<vmem_shared>>
    tpu.enqueue_dma source(%arg6 : memref<32x128xf32, #tpu.memory_space<vmem>>) target(%dma_start3A_56 : memref<32x128xf32, #tpu.memory_space<vmem_shared>>) target_semaphore(%arg11 : memref<!tpu.dma_semaphore, #tpu.memory_space<semaphore_mem>>)
    %mul3A_57 = arith.constant 640 : i32
    %mul3A_58 = arith.muli %arg1, %mul3A_57 : i32
    %add3A_59 = arith.constant 192 : i32
    %add3A_60 = arith.addi %mul3A_58, %add3A_59 : i32
    %dma_start3A_61 = arith.constant 0 : i32
    %dma_start3A_62 = tpu.memref_slice %arg10[%add3A_60, %dma_start3A_61] : memref<10240x128xf32, #tpu.memory_space<vmem_shared>> -> memref<32x128xf32, #tpu.memory_space<vmem_shared>>
    %dma_start3A_63 = arith.constant 0 : i32
    %dma_start3A_64 = tpu.memref_slice %arg10[%add3A_60, %dma_start3A_63] : memref<10240x128xf32, #tpu.memory_space<vmem_shared>> -> memref<32x128xf32, #tpu.memory_space<vmem_shared>>
    tpu.enqueue_dma source(%arg6 : memref<32x128xf32, #tpu.memory_space<vmem>>) target(%dma_start3A_64 : memref<32x128xf32, #tpu.memory_space<vmem_shared>>) target_semaphore(%arg11 : memref<!tpu.dma_semaphore, #tpu.memory_space<semaphore_mem>>)
    %mul3A_65 = arith.constant 640 : i32
    %mul3A_66 = arith.muli %arg1, %mul3A_65 : i32
    %add3A_67 = arith.constant 224 : i32
    %add3A_68 = arith.addi %mul3A_66, %add3A_67 : i32
    %dma_start3A_69 = arith.constant 0 : i32
    %dma_start3A_70 = tpu.memref_slice %arg10[%add3A_68, %dma_start3A_69] : memref<10240x128xf32, #tpu.memory_space<vmem_shared>> -> memref<32x128xf32, #tpu.memory_space<vmem_shared>>
    %dma_start3A_71 = arith.constant 0 : i32
    %dma_start3A_72 = tpu.memref_slice %arg10[%add3A_68, %dma_start3A_71] : memref<10240x128xf32, #tpu.memory_space<vmem_shared>> -> memref<32x128xf32, #tpu.memory_space<vmem_shared>>
    tpu.enqueue_dma source(%arg6 : memref<32x128xf32, #tpu.memory_space<vmem>>) target(%dma_start3A_72 : memref<32x128xf32, #tpu.memory_space<vmem_shared>>) target_semaphore(%arg11 : memref<!tpu.dma_semaphore, #tpu.memory_space<semaphore_mem>>)
    %mul3A_73 = arith.constant 640 : i32
    %mul3A_74 = arith.muli %arg1, %mul3A_73 : i32
    %add3A_75 = arith.constant 256 : i32
    %add3A_76 = arith.addi %mul3A_74, %add3A_75 : i32
    %dma_start3A_77 = arith.constant 0 : i32
    %dma_start3A_78 = tpu.memref_slice %arg10[%add3A_76, %dma_start3A_77] : memref<10240x128xf32, #tpu.memory_space<vmem_shared>> -> memref<32x128xf32, #tpu.memory_space<vmem_shared>>
    %dma_start3A_79 = arith.constant 0 : i32
    %dma_start3A_80 = tpu.memref_slice %arg10[%add3A_76, %dma_start3A_79] : memref<10240x128xf32, #tpu.memory_space<vmem_shared>> -> memref<32x128xf32, #tpu.memory_space<vmem_shared>>
    tpu.enqueue_dma source(%arg6 : memref<32x128xf32, #tpu.memory_space<vmem>>) target(%dma_start3A_80 : memref<32x128xf32, #tpu.memory_space<vmem_shared>>) target_semaphore(%arg11 : memref<!tpu.dma_semaphore, #tpu.memory_space<semaphore_mem>>)
    %mul3A_81 = arith.constant 640 : i32
    %mul3A_82 = arith.muli %arg1, %mul3A_81 : i32
    %add3A_83 = arith.constant 288 : i32
    %add3A_84 = arith.addi %mul3A_82, %add3A_83 : i32
    %dma_start3A_85 = arith.constant 0 : i32
    %dma_start3A_86 = tpu.memref_slice %arg10[%add3A_84, %dma_start3A_85] : memref<10240x128xf32, #tpu.memory_space<vmem_shared>> -> memref<32x128xf32, #tpu.memory_space<vmem_shared>>
    %dma_start3A_87 = arith.constant 0 : i32
    %dma_start3A_88 = tpu.memref_slice %arg10[%add3A_84, %dma_start3A_87] : memref<10240x128xf32, #tpu.memory_space<vmem_shared>> -> memref<32x128xf32, #tpu.memory_space<vmem_shared>>
    tpu.enqueue_dma source(%arg6 : memref<32x128xf32, #tpu.memory_space<vmem>>) target(%dma_start3A_88 : memref<32x128xf32, #tpu.memory_space<vmem_shared>>) target_semaphore(%arg11 : memref<!tpu.dma_semaphore, #tpu.memory_space<semaphore_mem>>)
    %mul3A_89 = arith.constant 640 : i32
    %mul3A_90 = arith.muli %arg1, %mul3A_89 : i32
    %add3A_91 = arith.constant 320 : i32
    %add3A_92 = arith.addi %mul3A_90, %add3A_91 : i32
    %dma_start3A_93 = arith.constant 0 : i32
    %dma_start3A_94 = tpu.memref_slice %arg10[%add3A_92, %dma_start3A_93] : memref<10240x128xf32, #tpu.memory_space<vmem_shared>> -> memref<32x128xf32, #tpu.memory_space<vmem_shared>>
    %dma_start3A_95 = arith.constant 0 : i32
    %dma_start3A_96 = tpu.memref_slice %arg10[%add3A_92, %dma_start3A_95] : memref<10240x128xf32, #tpu.memory_space<vmem_shared>> -> memref<32x128xf32, #tpu.memory_space<vmem_shared>>
    tpu.enqueue_dma source(%arg6 : memref<32x128xf32, #tpu.memory_space<vmem>>) target(%dma_start3A_96 : memref<32x128xf32, #tpu.memory_space<vmem_shared>>) target_semaphore(%arg11 : memref<!tpu.dma_semaphore, #tpu.memory_space<semaphore_mem>>)
    %mul3A_97 = arith.constant 640 : i32
    %mul3A_98 = arith.muli %arg1, %mul3A_97 : i32
    %add3A_99 = arith.constant 352 : i32
    %add3A_100 = arith.addi %mul3A_98, %add3A_99 : i32
    %dma_start3A_101 = arith.constant 0 : i32
    %dma_start3A_102 = tpu.memref_slice %arg10[%add3A_100, %dma_start3A_101] : memref<10240x128xf32, #tpu.memory_space<vmem_shared>> -> memref<32x128xf32, #tpu.memory_space<vmem_shared>>
    %dma_start3A_103 = arith.constant 0 : i32
    %dma_start3A_104 = tpu.memref_slice %arg10[%add3A_100, %dma_start3A_103] : memref<10240x128xf32, #tpu.memory_space<vmem_shared>> -> memref<32x128xf32, #tpu.memory_space<vmem_shared>>
    tpu.enqueue_dma source(%arg6 : memref<32x128xf32, #tpu.memory_space<vmem>>) target(%dma_start3A_104 : memref<32x128xf32, #tpu.memory_space<vmem_shared>>) target_semaphore(%arg11 : memref<!tpu.dma_semaphore, #tpu.memory_space<semaphore_mem>>)
    %mul3A_105 = arith.constant 640 : i32
    %mul3A_106 = arith.muli %arg1, %mul3A_105 : i32
    %add3A_107 = arith.constant 384 : i32
    %add3A_108 = arith.addi %mul3A_106, %add3A_107 : i32
    %dma_start3A_109 = arith.constant 0 : i32
    %dma_start3A_110 = tpu.memref_slice %arg10[%add3A_108, %dma_start3A_109] : memref<10240x128xf32, #tpu.memory_space<vmem_shared>> -> memref<32x128xf32, #tpu.memory_space<vmem_shared>>
    %dma_start3A_111 = arith.constant 0 : i32
    %dma_start3A_112 = tpu.memref_slice %arg10[%add3A_108, %dma_start3A_111] : memref<10240x128xf32, #tpu.memory_space<vmem_shared>> -> memref<32x128xf32, #tpu.memory_space<vmem_shared>>
    tpu.enqueue_dma source(%arg6 : memref<32x128xf32, #tpu.memory_space<vmem>>) target(%dma_start3A_112 : memref<32x128xf32, #tpu.memory_space<vmem_shared>>) target_semaphore(%arg11 : memref<!tpu.dma_semaphore, #tpu.memory_space<semaphore_mem>>)
    %mul3A_113 = arith.constant 640 : i32
    %mul3A_114 = arith.muli %arg1, %mul3A_113 : i32
    %add3A_115 = arith.constant 416 : i32
    %add3A_116 = arith.addi %mul3A_114, %add3A_115 : i32
    %dma_start3A_117 = arith.constant 0 : i32
    %dma_start3A_118 = tpu.memref_slice %arg10[%add3A_116, %dma_start3A_117] : memref<10240x128xf32, #tpu.memory_space<vmem_shared>> -> memref<32x128xf32, #tpu.memory_space<vmem_shared>>
    %dma_start3A_119 = arith.constant 0 : i32
    %dma_start3A_120 = tpu.memref_slice %arg10[%add3A_116, %dma_start3A_119] : memref<10240x128xf32, #tpu.memory_space<vmem_shared>> -> memref<32x128xf32, #tpu.memory_space<vmem_shared>>
    tpu.enqueue_dma source(%arg6 : memref<32x128xf32, #tpu.memory_space<vmem>>) target(%dma_start3A_120 : memref<32x128xf32, #tpu.memory_space<vmem_shared>>) target_semaphore(%arg11 : memref<!tpu.dma_semaphore, #tpu.memory_space<semaphore_mem>>)
    %mul3A_121 = arith.constant 640 : i32
    %mul3A_122 = arith.muli %arg1, %mul3A_121 : i32
    %add3A_123 = arith.constant 448 : i32
    %add3A_124 = arith.addi %mul3A_122, %add3A_123 : i32
    %dma_start3A_125 = arith.constant 0 : i32
    %dma_start3A_126 = tpu.memref_slice %arg10[%add3A_124, %dma_start3A_125] : memref<10240x128xf32, #tpu.memory_space<vmem_shared>> -> memref<32x128xf32, #tpu.memory_space<vmem_shared>>
    %dma_start3A_127 = arith.constant 0 : i32
    %dma_start3A_128 = tpu.memref_slice %arg10[%add3A_124, %dma_start3A_127] : memref<10240x128xf32, #tpu.memory_space<vmem_shared>> -> memref<32x128xf32, #tpu.memory_space<vmem_shared>>
    tpu.enqueue_dma source(%arg6 : memref<32x128xf32, #tpu.memory_space<vmem>>) target(%dma_start3A_128 : memref<32x128xf32, #tpu.memory_space<vmem_shared>>) target_semaphore(%arg11 : memref<!tpu.dma_semaphore, #tpu.memory_space<semaphore_mem>>)
    %mul3A_129 = arith.constant 640 : i32
    %mul3A_130 = arith.muli %arg1, %mul3A_129 : i32
    %add3A_131 = arith.constant 480 : i32
    %add3A_132 = arith.addi %mul3A_130, %add3A_131 : i32
    %dma_start3A_133 = arith.constant 0 : i32
    %dma_start3A_134 = tpu.memref_slice %arg10[%add3A_132, %dma_start3A_133] : memref<10240x128xf32, #tpu.memory_space<vmem_shared>> -> memref<32x128xf32, #tpu.memory_space<vmem_shared>>
    %dma_start3A_135 = arith.constant 0 : i32
    %dma_start3A_136 = tpu.memref_slice %arg10[%add3A_132, %dma_start3A_135] : memref<10240x128xf32, #tpu.memory_space<vmem_shared>> -> memref<32x128xf32, #tpu.memory_space<vmem_shared>>
    tpu.enqueue_dma source(%arg6 : memref<32x128xf32, #tpu.memory_space<vmem>>) target(%dma_start3A_136 : memref<32x128xf32, #tpu.memory_space<vmem_shared>>) target_semaphore(%arg11 : memref<!tpu.dma_semaphore, #tpu.memory_space<semaphore_mem>>)
    %mul3A_137 = arith.constant 640 : i32
    %mul3A_138 = arith.muli %arg1, %mul3A_137 : i32
    %add3A_139 = arith.constant 512 : i32
    %add3A_140 = arith.addi %mul3A_138, %add3A_139 : i32
    %dma_start3A_141 = arith.constant 0 : i32
    %dma_start3A_142 = tpu.memref_slice %arg10[%add3A_140, %dma_start3A_141] : memref<10240x128xf32, #tpu.memory_space<vmem_shared>> -> memref<32x128xf32, #tpu.memory_space<vmem_shared>>
    %dma_start3A_143 = arith.constant 0 : i32
    %dma_start3A_144 = tpu.memref_slice %arg10[%add3A_140, %dma_start3A_143] : memref<10240x128xf32, #tpu.memory_space<vmem_shared>> -> memref<32x128xf32, #tpu.memory_space<vmem_shared>>
    tpu.enqueue_dma source(%arg6 : memref<32x128xf32, #tpu.memory_space<vmem>>) target(%dma_start3A_144 : memref<32x128xf32, #tpu.memory_space<vmem_shared>>) target_semaphore(%arg11 : memref<!tpu.dma_semaphore, #tpu.memory_space<semaphore_mem>>)
    %mul3A_145 = arith.constant 640 : i32
    %mul3A_146 = arith.muli %arg1, %mul3A_145 : i32
    %add3A_147 = arith.constant 544 : i32
    %add3A_148 = arith.addi %mul3A_146, %add3A_147 : i32
    %dma_start3A_149 = arith.constant 0 : i32
    %dma_start3A_150 = tpu.memref_slice %arg10[%add3A_148, %dma_start3A_149] : memref<10240x128xf32, #tpu.memory_space<vmem_shared>> -> memref<32x128xf32, #tpu.memory_space<vmem_shared>>
    %dma_start3A_151 = arith.constant 0 : i32
    %dma_start3A_152 = tpu.memref_slice %arg10[%add3A_148, %dma_start3A_151] : memref<10240x128xf32, #tpu.memory_space<vmem_shared>> -> memref<32x128xf32, #tpu.memory_space<vmem_shared>>
    tpu.enqueue_dma source(%arg6 : memref<32x128xf32, #tpu.memory_space<vmem>>) target(%dma_start3A_152 : memref<32x128xf32, #tpu.memory_space<vmem_shared>>) target_semaphore(%arg11 : memref<!tpu.dma_semaphore, #tpu.memory_space<semaphore_mem>>)
    %mul3A_153 = arith.constant 640 : i32
    %mul3A_154 = arith.muli %arg1, %mul3A_153 : i32
    %add3A_155 = arith.constant 576 : i32
    %add3A_156 = arith.addi %mul3A_154, %add3A_155 : i32
    %dma_start3A_157 = arith.constant 0 : i32
    %dma_start3A_158 = tpu.memref_slice %arg10[%add3A_156, %dma_start3A_157] : memref<10240x128xf32, #tpu.memory_space<vmem_shared>> -> memref<32x128xf32, #tpu.memory_space<vmem_shared>>
    %dma_start3A_159 = arith.constant 0 : i32
    %dma_start3A_160 = tpu.memref_slice %arg10[%add3A_156, %dma_start3A_159] : memref<10240x128xf32, #tpu.memory_space<vmem_shared>> -> memref<32x128xf32, #tpu.memory_space<vmem_shared>>
    tpu.enqueue_dma source(%arg6 : memref<32x128xf32, #tpu.memory_space<vmem>>) target(%dma_start3A_160 : memref<32x128xf32, #tpu.memory_space<vmem_shared>>) target_semaphore(%arg11 : memref<!tpu.dma_semaphore, #tpu.memory_space<semaphore_mem>>)
    %mul3A_161 = arith.constant 640 : i32
    %mul3A_162 = arith.muli %arg1, %mul3A_161 : i32
    %add3A_163 = arith.constant 608 : i32
    %add3A_164 = arith.addi %mul3A_162, %add3A_163 : i32
    %dma_start3A_165 = arith.constant 0 : i32
    %dma_start3A_166 = tpu.memref_slice %arg10[%add3A_164, %dma_start3A_165] : memref<10240x128xf32, #tpu.memory_space<vmem_shared>> -> memref<32x128xf32, #tpu.memory_space<vmem_shared>>
    %dma_start3A_167 = arith.constant 0 : i32
    %dma_start3A_168 = tpu.memref_slice %arg10[%add3A_164, %dma_start3A_167] : memref<10240x128xf32, #tpu.memory_space<vmem_shared>> -> memref<32x128xf32, #tpu.memory_space<vmem_shared>>
    tpu.enqueue_dma source(%arg6 : memref<32x128xf32, #tpu.memory_space<vmem>>) target(%dma_start3A_168 : memref<32x128xf32, #tpu.memory_space<vmem_shared>>) target_semaphore(%arg11 : memref<!tpu.dma_semaphore, #tpu.memory_space<semaphore_mem>>)
    %mul3A_169 = arith.constant 640 : i32
    %mul3A_170 = arith.muli %arg1, %mul3A_169 : i32
    %add3A_171 = arith.constant 0 : i32
    %add3A_172 = arith.addi %mul3A_170, %add3A_171 : i32
    %dma_wait3A = arith.constant 0 : i32
    %dma_wait3A_173 = tpu.memref_slice %arg10[%add3A_172, %dma_wait3A] : memref<10240x128xf32, #tpu.memory_space<vmem_shared>> -> memref<32x128xf32, #tpu.memory_space<vmem_shared>>
    %dma_wait3A_174 = arith.constant 0 : i32
    %dma_wait3A_175 = tpu.memref_slice %arg10[%add3A_172, %dma_wait3A_174] : memref<10240x128xf32, #tpu.memory_space<vmem_shared>> -> memref<32x128xf32, #tpu.memory_space<vmem_shared>>
    tpu.wait_dma2 semaphore(%arg11 : memref<!tpu.dma_semaphore, #tpu.memory_space<semaphore_mem>>) src(%arg6 : memref<32x128xf32, #tpu.memory_space<vmem>>) dst(%dma_wait3A_175 : memref<32x128xf32, #tpu.memory_space<vmem_shared>>)
    %mul3A_176 = arith.constant 640 : i32
    %mul3A_177 = arith.muli %arg1, %mul3A_176 : i32
    %add3A_178 = arith.constant 32 : i32
    %add3A_179 = arith.addi %mul3A_177, %add3A_178 : i32
    %dma_wait3A_180 = arith.constant 0 : i32
    %dma_wait3A_181 = tpu.memref_slice %arg10[%add3A_179, %dma_wait3A_180] : memref<10240x128xf32, #tpu.memory_space<vmem_shared>> -> memref<32x128xf32, #tpu.memory_space<vmem_shared>>
    %dma_wait3A_182 = arith.constant 0 : i32
    %dma_wait3A_183 = tpu.memref_slice %arg10[%add3A_179, %dma_wait3A_182] : memref<10240x128xf32, #tpu.memory_space<vmem_shared>> -> memref<32x128xf32, #tpu.memory_space<vmem_shared>>
    tpu.wait_dma2 semaphore(%arg11 : memref<!tpu.dma_semaphore, #tpu.memory_space<semaphore_mem>>) src(%arg6 : memref<32x128xf32, #tpu.memory_space<vmem>>) dst(%dma_wait3A_183 : memref<32x128xf32, #tpu.memory_space<vmem_shared>>)
    %mul3A_184 = arith.constant 640 : i32
    %mul3A_185 = arith.muli %arg1, %mul3A_184 : i32
    %add3A_186 = arith.constant 64 : i32
    %add3A_187 = arith.addi %mul3A_185, %add3A_186 : i32
    %dma_wait3A_188 = arith.constant 0 : i32
    %dma_wait3A_189 = tpu.memref_slice %arg10[%add3A_187, %dma_wait3A_188] : memref<10240x128xf32, #tpu.memory_space<vmem_shared>> -> memref<32x128xf32, #tpu.memory_space<vmem_shared>>
    %dma_wait3A_190 = arith.constant 0 : i32
    %dma_wait3A_191 = tpu.memref_slice %arg10[%add3A_187, %dma_wait3A_190] : memref<10240x128xf32, #tpu.memory_space<vmem_shared>> -> memref<32x128xf32, #tpu.memory_space<vmem_shared>>
    tpu.wait_dma2 semaphore(%arg11 : memref<!tpu.dma_semaphore, #tpu.memory_space<semaphore_mem>>) src(%arg6 : memref<32x128xf32, #tpu.memory_space<vmem>>) dst(%dma_wait3A_191 : memref<32x128xf32, #tpu.memory_space<vmem_shared>>)
    %mul3A_192 = arith.constant 640 : i32
    %mul3A_193 = arith.muli %arg1, %mul3A_192 : i32
    %add3A_194 = arith.constant 96 : i32
    %add3A_195 = arith.addi %mul3A_193, %add3A_194 : i32
    %dma_wait3A_196 = arith.constant 0 : i32
    %dma_wait3A_197 = tpu.memref_slice %arg10[%add3A_195, %dma_wait3A_196] : memref<10240x128xf32, #tpu.memory_space<vmem_shared>> -> memref<32x128xf32, #tpu.memory_space<vmem_shared>>
    %dma_wait3A_198 = arith.constant 0 : i32
    %dma_wait3A_199 = tpu.memref_slice %arg10[%add3A_195, %dma_wait3A_198] : memref<10240x128xf32, #tpu.memory_space<vmem_shared>> -> memref<32x128xf32, #tpu.memory_space<vmem_shared>>
    tpu.wait_dma2 semaphore(%arg11 : memref<!tpu.dma_semaphore, #tpu.memory_space<semaphore_mem>>) src(%arg6 : memref<32x128xf32, #tpu.memory_space<vmem>>) dst(%dma_wait3A_199 : memref<32x128xf32, #tpu.memory_space<vmem_shared>>)
    %mul3A_200 = arith.constant 640 : i32
    %mul3A_201 = arith.muli %arg1, %mul3A_200 : i32
    %add3A_202 = arith.constant 128 : i32
    %add3A_203 = arith.addi %mul3A_201, %add3A_202 : i32
    %dma_wait3A_204 = arith.constant 0 : i32
    %dma_wait3A_205 = tpu.memref_slice %arg10[%add3A_203, %dma_wait3A_204] : memref<10240x128xf32, #tpu.memory_space<vmem_shared>> -> memref<32x128xf32, #tpu.memory_space<vmem_shared>>
    %dma_wait3A_206 = arith.constant 0 : i32
    %dma_wait3A_207 = tpu.memref_slice %arg10[%add3A_203, %dma_wait3A_206] : memref<10240x128xf32, #tpu.memory_space<vmem_shared>> -> memref<32x128xf32, #tpu.memory_space<vmem_shared>>
    tpu.wait_dma2 semaphore(%arg11 : memref<!tpu.dma_semaphore, #tpu.memory_space<semaphore_mem>>) src(%arg6 : memref<32x128xf32, #tpu.memory_space<vmem>>) dst(%dma_wait3A_207 : memref<32x128xf32, #tpu.memory_space<vmem_shared>>)
    %mul3A_208 = arith.constant 640 : i32
    %mul3A_209 = arith.muli %arg1, %mul3A_208 : i32
    %add3A_210 = arith.constant 160 : i32
    %add3A_211 = arith.addi %mul3A_209, %add3A_210 : i32
    %dma_wait3A_212 = arith.constant 0 : i32
    %dma_wait3A_213 = tpu.memref_slice %arg10[%add3A_211, %dma_wait3A_212] : memref<10240x128xf32, #tpu.memory_space<vmem_shared>> -> memref<32x128xf32, #tpu.memory_space<vmem_shared>>
    %dma_wait3A_214 = arith.constant 0 : i32
    %dma_wait3A_215 = tpu.memref_slice %arg10[%add3A_211, %dma_wait3A_214] : memref<10240x128xf32, #tpu.memory_space<vmem_shared>> -> memref<32x128xf32, #tpu.memory_space<vmem_shared>>
    tpu.wait_dma2 semaphore(%arg11 : memref<!tpu.dma_semaphore, #tpu.memory_space<semaphore_mem>>) src(%arg6 : memref<32x128xf32, #tpu.memory_space<vmem>>) dst(%dma_wait3A_215 : memref<32x128xf32, #tpu.memory_space<vmem_shared>>)
    %mul3A_216 = arith.constant 640 : i32
    %mul3A_217 = arith.muli %arg1, %mul3A_216 : i32
    %add3A_218 = arith.constant 192 : i32
    %add3A_219 = arith.addi %mul3A_217, %add3A_218 : i32
    %dma_wait3A_220 = arith.constant 0 : i32
    %dma_wait3A_221 = tpu.memref_slice %arg10[%add3A_219, %dma_wait3A_220] : memref<10240x128xf32, #tpu.memory_space<vmem_shared>> -> memref<32x128xf32, #tpu.memory_space<vmem_shared>>
    %dma_wait3A_222 = arith.constant 0 : i32
    %dma_wait3A_223 = tpu.memref_slice %arg10[%add3A_219, %dma_wait3A_222] : memref<10240x128xf32, #tpu.memory_space<vmem_shared>> -> memref<32x128xf32, #tpu.memory_space<vmem_shared>>
    tpu.wait_dma2 semaphore(%arg11 : memref<!tpu.dma_semaphore, #tpu.memory_space<semaphore_mem>>) src(%arg6 : memref<32x128xf32, #tpu.memory_space<vmem>>) dst(%dma_wait3A_223 : memref<32x128xf32, #tpu.memory_space<vmem_shared>>)
    %mul3A_224 = arith.constant 640 : i32
    %mul3A_225 = arith.muli %arg1, %mul3A_224 : i32
    %add3A_226 = arith.constant 224 : i32
    %add3A_227 = arith.addi %mul3A_225, %add3A_226 : i32
    %dma_wait3A_228 = arith.constant 0 : i32
    %dma_wait3A_229 = tpu.memref_slice %arg10[%add3A_227, %dma_wait3A_228] : memref<10240x128xf32, #tpu.memory_space<vmem_shared>> -> memref<32x128xf32, #tpu.memory_space<vmem_shared>>
    %dma_wait3A_230 = arith.constant 0 : i32
    %dma_wait3A_231 = tpu.memref_slice %arg10[%add3A_227, %dma_wait3A_230] : memref<10240x128xf32, #tpu.memory_space<vmem_shared>> -> memref<32x128xf32, #tpu.memory_space<vmem_shared>>
    tpu.wait_dma2 semaphore(%arg11 : memref<!tpu.dma_semaphore, #tpu.memory_space<semaphore_mem>>) src(%arg6 : memref<32x128xf32, #tpu.memory_space<vmem>>) dst(%dma_wait3A_231 : memref<32x128xf32, #tpu.memory_space<vmem_shared>>)
    %mul3A_232 = arith.constant 640 : i32
    %mul3A_233 = arith.muli %arg1, %mul3A_232 : i32
    %add3A_234 = arith.constant 256 : i32
    %add3A_235 = arith.addi %mul3A_233, %add3A_234 : i32
    %dma_wait3A_236 = arith.constant 0 : i32
    %dma_wait3A_237 = tpu.memref_slice %arg10[%add3A_235, %dma_wait3A_236] : memref<10240x128xf32, #tpu.memory_space<vmem_shared>> -> memref<32x128xf32, #tpu.memory_space<vmem_shared>>
    %dma_wait3A_238 = arith.constant 0 : i32
    %dma_wait3A_239 = tpu.memref_slice %arg10[%add3A_235, %dma_wait3A_238] : memref<10240x128xf32, #tpu.memory_space<vmem_shared>> -> memref<32x128xf32, #tpu.memory_space<vmem_shared>>
    tpu.wait_dma2 semaphore(%arg11 : memref<!tpu.dma_semaphore, #tpu.memory_space<semaphore_mem>>) src(%arg6 : memref<32x128xf32, #tpu.memory_space<vmem>>) dst(%dma_wait3A_239 : memref<32x128xf32, #tpu.memory_space<vmem_shared>>)
    %mul3A_240 = arith.constant 640 : i32
    %mul3A_241 = arith.muli %arg1, %mul3A_240 : i32
    %add3A_242 = arith.constant 288 : i32
    %add3A_243 = arith.addi %mul3A_241, %add3A_242 : i32
    %dma_wait3A_244 = arith.constant 0 : i32
    %dma_wait3A_245 = tpu.memref_slice %arg10[%add3A_243, %dma_wait3A_244] : memref<10240x128xf32, #tpu.memory_space<vmem_shared>> -> memref<32x128xf32, #tpu.memory_space<vmem_shared>>
    %dma_wait3A_246 = arith.constant 0 : i32
    %dma_wait3A_247 = tpu.memref_slice %arg10[%add3A_243, %dma_wait3A_246] : memref<10240x128xf32, #tpu.memory_space<vmem_shared>> -> memref<32x128xf32, #tpu.memory_space<vmem_shared>>
    tpu.wait_dma2 semaphore(%arg11 : memref<!tpu.dma_semaphore, #tpu.memory_space<semaphore_mem>>) src(%arg6 : memref<32x128xf32, #tpu.memory_space<vmem>>) dst(%dma_wait3A_247 : memref<32x128xf32, #tpu.memory_space<vmem_shared>>)
    %mul3A_248 = arith.constant 640 : i32
    %mul3A_249 = arith.muli %arg1, %mul3A_248 : i32
    %add3A_250 = arith.constant 320 : i32
    %add3A_251 = arith.addi %mul3A_249, %add3A_250 : i32
    %dma_wait3A_252 = arith.constant 0 : i32
    %dma_wait3A_253 = tpu.memref_slice %arg10[%add3A_251, %dma_wait3A_252] : memref<10240x128xf32, #tpu.memory_space<vmem_shared>> -> memref<32x128xf32, #tpu.memory_space<vmem_shared>>
    %dma_wait3A_254 = arith.constant 0 : i32
    %dma_wait3A_255 = tpu.memref_slice %arg10[%add3A_251, %dma_wait3A_254] : memref<10240x128xf32, #tpu.memory_space<vmem_shared>> -> memref<32x128xf32, #tpu.memory_space<vmem_shared>>
    tpu.wait_dma2 semaphore(%arg11 : memref<!tpu.dma_semaphore, #tpu.memory_space<semaphore_mem>>) src(%arg6 : memref<32x128xf32, #tpu.memory_space<vmem>>) dst(%dma_wait3A_255 : memref<32x128xf32, #tpu.memory_space<vmem_shared>>)
    %mul3A_256 = arith.constant 640 : i32
    %mul3A_257 = arith.muli %arg1, %mul3A_256 : i32
    %add3A_258 = arith.constant 352 : i32
    %add3A_259 = arith.addi %mul3A_257, %add3A_258 : i32
    %dma_wait3A_260 = arith.constant 0 : i32
    %dma_wait3A_261 = tpu.memref_slice %arg10[%add3A_259, %dma_wait3A_260] : memref<10240x128xf32, #tpu.memory_space<vmem_shared>> -> memref<32x128xf32, #tpu.memory_space<vmem_shared>>
    %dma_wait3A_262 = arith.constant 0 : i32
    %dma_wait3A_263 = tpu.memref_slice %arg10[%add3A_259, %dma_wait3A_262] : memref<10240x128xf32, #tpu.memory_space<vmem_shared>> -> memref<32x128xf32, #tpu.memory_space<vmem_shared>>
    tpu.wait_dma2 semaphore(%arg11 : memref<!tpu.dma_semaphore, #tpu.memory_space<semaphore_mem>>) src(%arg6 : memref<32x128xf32, #tpu.memory_space<vmem>>) dst(%dma_wait3A_263 : memref<32x128xf32, #tpu.memory_space<vmem_shared>>)
    %mul3A_264 = arith.constant 640 : i32
    %mul3A_265 = arith.muli %arg1, %mul3A_264 : i32
    %add3A_266 = arith.constant 384 : i32
    %add3A_267 = arith.addi %mul3A_265, %add3A_266 : i32
    %dma_wait3A_268 = arith.constant 0 : i32
    %dma_wait3A_269 = tpu.memref_slice %arg10[%add3A_267, %dma_wait3A_268] : memref<10240x128xf32, #tpu.memory_space<vmem_shared>> -> memref<32x128xf32, #tpu.memory_space<vmem_shared>>
    %dma_wait3A_270 = arith.constant 0 : i32
    %dma_wait3A_271 = tpu.memref_slice %arg10[%add3A_267, %dma_wait3A_270] : memref<10240x128xf32, #tpu.memory_space<vmem_shared>> -> memref<32x128xf32, #tpu.memory_space<vmem_shared>>
    tpu.wait_dma2 semaphore(%arg11 : memref<!tpu.dma_semaphore, #tpu.memory_space<semaphore_mem>>) src(%arg6 : memref<32x128xf32, #tpu.memory_space<vmem>>) dst(%dma_wait3A_271 : memref<32x128xf32, #tpu.memory_space<vmem_shared>>)
    %mul3A_272 = arith.constant 640 : i32
    %mul3A_273 = arith.muli %arg1, %mul3A_272 : i32
    %add3A_274 = arith.constant 416 : i32
    %add3A_275 = arith.addi %mul3A_273, %add3A_274 : i32
    %dma_wait3A_276 = arith.constant 0 : i32
    %dma_wait3A_277 = tpu.memref_slice %arg10[%add3A_275, %dma_wait3A_276] : memref<10240x128xf32, #tpu.memory_space<vmem_shared>> -> memref<32x128xf32, #tpu.memory_space<vmem_shared>>
    %dma_wait3A_278 = arith.constant 0 : i32
    %dma_wait3A_279 = tpu.memref_slice %arg10[%add3A_275, %dma_wait3A_278] : memref<10240x128xf32, #tpu.memory_space<vmem_shared>> -> memref<32x128xf32, #tpu.memory_space<vmem_shared>>
    tpu.wait_dma2 semaphore(%arg11 : memref<!tpu.dma_semaphore, #tpu.memory_space<semaphore_mem>>) src(%arg6 : memref<32x128xf32, #tpu.memory_space<vmem>>) dst(%dma_wait3A_279 : memref<32x128xf32, #tpu.memory_space<vmem_shared>>)
    %mul3A_280 = arith.constant 640 : i32
    %mul3A_281 = arith.muli %arg1, %mul3A_280 : i32
    %add3A_282 = arith.constant 448 : i32
    %add3A_283 = arith.addi %mul3A_281, %add3A_282 : i32
    %dma_wait3A_284 = arith.constant 0 : i32
    %dma_wait3A_285 = tpu.memref_slice %arg10[%add3A_283, %dma_wait3A_284] : memref<10240x128xf32, #tpu.memory_space<vmem_shared>> -> memref<32x128xf32, #tpu.memory_space<vmem_shared>>
    %dma_wait3A_286 = arith.constant 0 : i32
    %dma_wait3A_287 = tpu.memref_slice %arg10[%add3A_283, %dma_wait3A_286] : memref<10240x128xf32, #tpu.memory_space<vmem_shared>> -> memref<32x128xf32, #tpu.memory_space<vmem_shared>>
    tpu.wait_dma2 semaphore(%arg11 : memref<!tpu.dma_semaphore, #tpu.memory_space<semaphore_mem>>) src(%arg6 : memref<32x128xf32, #tpu.memory_space<vmem>>) dst(%dma_wait3A_287 : memref<32x128xf32, #tpu.memory_space<vmem_shared>>)
    %mul3A_288 = arith.constant 640 : i32
    %mul3A_289 = arith.muli %arg1, %mul3A_288 : i32
    %add3A_290 = arith.constant 480 : i32
    %add3A_291 = arith.addi %mul3A_289, %add3A_290 : i32
    %dma_wait3A_292 = arith.constant 0 : i32
    %dma_wait3A_293 = tpu.memref_slice %arg10[%add3A_291, %dma_wait3A_292] : memref<10240x128xf32, #tpu.memory_space<vmem_shared>> -> memref<32x128xf32, #tpu.memory_space<vmem_shared>>
    %dma_wait3A_294 = arith.constant 0 : i32
    %dma_wait3A_295 = tpu.memref_slice %arg10[%add3A_291, %dma_wait3A_294] : memref<10240x128xf32, #tpu.memory_space<vmem_shared>> -> memref<32x128xf32, #tpu.memory_space<vmem_shared>>
    tpu.wait_dma2 semaphore(%arg11 : memref<!tpu.dma_semaphore, #tpu.memory_space<semaphore_mem>>) src(%arg6 : memref<32x128xf32, #tpu.memory_space<vmem>>) dst(%dma_wait3A_295 : memref<32x128xf32, #tpu.memory_space<vmem_shared>>)
    %mul3A_296 = arith.constant 640 : i32
    %mul3A_297 = arith.muli %arg1, %mul3A_296 : i32
    %add3A_298 = arith.constant 512 : i32
    %add3A_299 = arith.addi %mul3A_297, %add3A_298 : i32
    %dma_wait3A_300 = arith.constant 0 : i32
    %dma_wait3A_301 = tpu.memref_slice %arg10[%add3A_299, %dma_wait3A_300] : memref<10240x128xf32, #tpu.memory_space<vmem_shared>> -> memref<32x128xf32, #tpu.memory_space<vmem_shared>>
    %dma_wait3A_302 = arith.constant 0 : i32
    %dma_wait3A_303 = tpu.memref_slice %arg10[%add3A_299, %dma_wait3A_302] : memref<10240x128xf32, #tpu.memory_space<vmem_shared>> -> memref<32x128xf32, #tpu.memory_space<vmem_shared>>
    tpu.wait_dma2 semaphore(%arg11 : memref<!tpu.dma_semaphore, #tpu.memory_space<semaphore_mem>>) src(%arg6 : memref<32x128xf32, #tpu.memory_space<vmem>>) dst(%dma_wait3A_303 : memref<32x128xf32, #tpu.memory_space<vmem_shared>>)
    %mul3A_304 = arith.constant 640 : i32
    %mul3A_305 = arith.muli %arg1, %mul3A_304 : i32
    %add3A_306 = arith.constant 544 : i32
    %add3A_307 = arith.addi %mul3A_305, %add3A_306 : i32
    %dma_wait3A_308 = arith.constant 0 : i32
    %dma_wait3A_309 = tpu.memref_slice %arg10[%add3A_307, %dma_wait3A_308] : memref<10240x128xf32, #tpu.memory_space<vmem_shared>> -> memref<32x128xf32, #tpu.memory_space<vmem_shared>>
    %dma_wait3A_310 = arith.constant 0 : i32
    %dma_wait3A_311 = tpu.memref_slice %arg10[%add3A_307, %dma_wait3A_310] : memref<10240x128xf32, #tpu.memory_space<vmem_shared>> -> memref<32x128xf32, #tpu.memory_space<vmem_shared>>
    tpu.wait_dma2 semaphore(%arg11 : memref<!tpu.dma_semaphore, #tpu.memory_space<semaphore_mem>>) src(%arg6 : memref<32x128xf32, #tpu.memory_space<vmem>>) dst(%dma_wait3A_311 : memref<32x128xf32, #tpu.memory_space<vmem_shared>>)
    %mul3A_312 = arith.constant 640 : i32
    %mul3A_313 = arith.muli %arg1, %mul3A_312 : i32
    %add3A_314 = arith.constant 576 : i32
    %add3A_315 = arith.addi %mul3A_313, %add3A_314 : i32
    %dma_wait3A_316 = arith.constant 0 : i32
    %dma_wait3A_317 = tpu.memref_slice %arg10[%add3A_315, %dma_wait3A_316] : memref<10240x128xf32, #tpu.memory_space<vmem_shared>> -> memref<32x128xf32, #tpu.memory_space<vmem_shared>>
    %dma_wait3A_318 = arith.constant 0 : i32
    %dma_wait3A_319 = tpu.memref_slice %arg10[%add3A_315, %dma_wait3A_318] : memref<10240x128xf32, #tpu.memory_space<vmem_shared>> -> memref<32x128xf32, #tpu.memory_space<vmem_shared>>
    tpu.wait_dma2 semaphore(%arg11 : memref<!tpu.dma_semaphore, #tpu.memory_space<semaphore_mem>>) src(%arg6 : memref<32x128xf32, #tpu.memory_space<vmem>>) dst(%dma_wait3A_319 : memref<32x128xf32, #tpu.memory_space<vmem_shared>>)
    %mul3A_320 = arith.constant 640 : i32
    %mul3A_321 = arith.muli %arg1, %mul3A_320 : i32
    %add3A_322 = arith.constant 608 : i32
    %add3A_323 = arith.addi %mul3A_321, %add3A_322 : i32
    %dma_wait3A_324 = arith.constant 0 : i32
    %dma_wait3A_325 = tpu.memref_slice %arg10[%add3A_323, %dma_wait3A_324] : memref<10240x128xf32, #tpu.memory_space<vmem_shared>> -> memref<32x128xf32, #tpu.memory_space<vmem_shared>>
    %dma_wait3A_326 = arith.constant 0 : i32
    %dma_wait3A_327 = tpu.memref_slice %arg10[%add3A_323, %dma_wait3A_326] : memref<10240x128xf32, #tpu.memory_space<vmem_shared>> -> memref<32x128xf32, #tpu.memory_space<vmem_shared>>
    tpu.wait_dma2 semaphore(%arg11 : memref<!tpu.dma_semaphore, #tpu.memory_space<semaphore_mem>>) src(%arg6 : memref<32x128xf32, #tpu.memory_space<vmem>>) dst(%dma_wait3A_327 : memref<32x128xf32, #tpu.memory_space<vmem_shared>>)
    %add3A_328 = arith.constant 0 : i32
    %add3A_329 = arith.addi %mul3A_2, %add3A_328 : i32
    %dma_start3A_330 = arith.constant 0 : i32
    %dma_start3A_331 = arith.constant 0 : i32
    %dma_start3A_332 = tpu.memref_slice %arg7[%dma_start3A_330, %dma_start3A_331] : memref<4x80xi32, #tpu.memory_space<vmem>> -> memref<1x80xi32, #tpu.memory_space<vmem>>
    %dma_start3A_333 = tpu.memref_squeeze %dma_start3A_332 : memref<1x80xi32, #tpu.memory_space<vmem>> -> memref<80xi32, #tpu.memory_space<vmem>>
    %dma_start3A_334 = tpu.memref_slice %arg2[%add3A_329] : memref<320000xi32, #tpu.memory_space<hbm>> -> memref<80xi32, #tpu.memory_space<hbm>>
    %dma_start3A_335 = arith.constant 0 : i32
    %dma_start3A_336 = tpu.memref_slice %arg7[%dma_start3A_330, %dma_start3A_335] : memref<4x80xi32, #tpu.memory_space<vmem>> -> memref<1x80xi32, #tpu.memory_space<vmem>>
    %dma_start3A_337 = tpu.memref_squeeze %dma_start3A_336 : memref<1x80xi32, #tpu.memory_space<vmem>> -> memref<80xi32, #tpu.memory_space<vmem>>
    %dma_start3A_338 = tpu.memref_slice %arg2[%add3A_329] : memref<320000xi32, #tpu.memory_space<hbm>> -> memref<80xi32, #tpu.memory_space<hbm>>
    tpu.enqueue_dma source(%dma_start3A_338 : memref<80xi32, #tpu.memory_space<hbm>>) target(%dma_start3A_337 : memref<80xi32, #tpu.memory_space<vmem>>) target_semaphore(%arg11 : memref<!tpu.dma_semaphore, #tpu.memory_space<semaphore_mem>>)
    %dma_start3A_339 = arith.constant 0 : i32
    %dma_start3A_340 = arith.constant 0 : i32
    %dma_start3A_341 = tpu.memref_slice %arg8[%dma_start3A_339, %dma_start3A_340] : memref<4x80xi32, #tpu.memory_space<vmem>> -> memref<1x80xi32, #tpu.memory_space<vmem>>
    %dma_start3A_342 = tpu.memref_squeeze %dma_start3A_341 : memref<1x80xi32, #tpu.memory_space<vmem>> -> memref<80xi32, #tpu.memory_space<vmem>>
    %dma_start3A_343 = tpu.memref_slice %arg3[%add3A_329] : memref<320000xi32, #tpu.memory_space<hbm>> -> memref<80xi32, #tpu.memory_space<hbm>>
    %dma_start3A_344 = arith.constant 0 : i32
    %dma_start3A_345 = tpu.memref_slice %arg8[%dma_start3A_339, %dma_start3A_344] : memref<4x80xi32, #tpu.memory_space<vmem>> -> memref<1x80xi32, #tpu.memory_space<vmem>>
    %dma_start3A_346 = tpu.memref_squeeze %dma_start3A_345 : memref<1x80xi32, #tpu.memory_space<vmem>> -> memref<80xi32, #tpu.memory_space<vmem>>
    %dma_start3A_347 = tpu.memref_slice %arg3[%add3A_329] : memref<320000xi32, #tpu.memory_space<hbm>> -> memref<80xi32, #tpu.memory_space<hbm>>
    tpu.enqueue_dma source(%dma_start3A_347 : memref<80xi32, #tpu.memory_space<hbm>>) target(%dma_start3A_346 : memref<80xi32, #tpu.memory_space<vmem>>) target_semaphore(%arg11 : memref<!tpu.dma_semaphore, #tpu.memory_space<semaphore_mem>>)
    %barrier3A = arith.constant 0 : index
    tpu.barrier barrier_id(%barrier3A)
    %scan3A_348 = arith.constant 0 : i32
    %scan3A_349 = arith.constant 0 : i32
    %scan3A_350 = arith.constant 125 : i32
    %scan3A_351 = arith.addi %scan3A_349, %scan3A_350 : i32
    %scan3A_352 = arith.constant 1 : i32
    %scan3A_353 = scf.for %scan3A_435 = %scan3A_349 to %scan3A_351 step %scan3A_352 iter_args(%scan3A_436 = %scan3A_348) -> (i32)  : i32 {
      %rem3A = arith.constant 4 : i32
      %rem3A_437 = arith.remsi %scan3A_435, %rem3A : i32
      %add3A_438 = arith.constant 1 : i32
      %add3A_439 = arith.addi %scan3A_435, %add3A_438 : i32
      %rem3A_440 = arith.constant 4 : i32
      %rem3A_441 = arith.remsi %add3A_439, %rem3A_440 : i32
      %add3A_442 = arith.constant 4 : i32
      %add3A_443 = arith.addi %scan3A_435, %add3A_442 : i32
      %sub3A = arith.constant 1 : i32
      %sub3A_444 = arith.subi %add3A_443, %sub3A : i32
      %rem3A_445 = arith.constant 4 : i32
      %rem3A_446 = arith.remsi %sub3A_444, %rem3A_445 : i32
      %add3A_447 = arith.constant 4 : i32
      %add3A_448 = arith.addi %scan3A_435, %add3A_447 : i32
      %sub3A_449 = arith.constant 3 : i32
      %sub3A_450 = arith.subi %add3A_448, %sub3A_449 : i32
      %rem3A_451 = arith.constant 4 : i32
      %rem3A_452 = arith.remsi %sub3A_450, %rem3A_451 : i32
      %mul3A_453 = arith.constant 80 : i32
      %mul3A_454 = arith.muli %scan3A_435, %mul3A_453 : i32
      %add3A_455 = arith.addi %mul3A_2, %mul3A_454 : i32
      %dma_wait3A_456 = arith.constant 0 : i32
      %dma_wait3A_457 = tpu.memref_slice %arg7[%rem3A_437, %dma_wait3A_456] : memref<4x80xi32, #tpu.memory_space<vmem>> -> memref<1x80xi32, #tpu.memory_space<vmem>>
      %dma_wait3A_458 = tpu.memref_squeeze %dma_wait3A_457 : memref<1x80xi32, #tpu.memory_space<vmem>> -> memref<80xi32, #tpu.memory_space<vmem>>
      %dma_wait3A_459 = tpu.memref_slice %arg2[%add3A_455] : memref<320000xi32, #tpu.memory_space<hbm>> -> memref<80xi32, #tpu.memory_space<hbm>>
      %dma_wait3A_460 = arith.constant 0 : i32
      %dma_wait3A_461 = tpu.memref_slice %arg7[%rem3A_437, %dma_wait3A_460] : memref<4x80xi32, #tpu.memory_space<vmem>> -> memref<1x80xi32, #tpu.memory_space<vmem>>
      %dma_wait3A_462 = tpu.memref_squeeze %dma_wait3A_461 : memref<1x80xi32, #tpu.memory_space<vmem>> -> memref<80xi32, #tpu.memory_space<vmem>>
      %dma_wait3A_463 = tpu.memref_slice %arg2[%add3A_455] : memref<320000xi32, #tpu.memory_space<hbm>> -> memref<80xi32, #tpu.memory_space<hbm>>
      tpu.wait_dma2 semaphore(%arg11 : memref<!tpu.dma_semaphore, #tpu.memory_space<semaphore_mem>>) src(%dma_wait3A_463 : memref<80xi32, #tpu.memory_space<hbm>>) dst(%dma_wait3A_462 : memref<80xi32, #tpu.memory_space<vmem>>)
      %dma_wait3A_464 = arith.constant 0 : i32
      %dma_wait3A_465 = tpu.memref_slice %arg8[%rem3A_437, %dma_wait3A_464] : memref<4x80xi32, #tpu.memory_space<vmem>> -> memref<1x80xi32, #tpu.memory_space<vmem>>
      %dma_wait3A_466 = tpu.memref_squeeze %dma_wait3A_465 : memref<1x80xi32, #tpu.memory_space<vmem>> -> memref<80xi32, #tpu.memory_space<vmem>>
      %dma_wait3A_467 = tpu.memref_slice %arg3[%add3A_455] : memref<320000xi32, #tpu.memory_space<hbm>> -> memref<80xi32, #tpu.memory_space<hbm>>
      %dma_wait3A_468 = arith.constant 0 : i32
      %dma_wait3A_469 = tpu.memref_slice %arg8[%rem3A_437, %dma_wait3A_468] : memref<4x80xi32, #tpu.memory_space<vmem>> -> memref<1x80xi32, #tpu.memory_space<vmem>>
      %dma_wait3A_470 = tpu.memref_squeeze %dma_wait3A_469 : memref<1x80xi32, #tpu.memory_space<vmem>> -> memref<80xi32, #tpu.memory_space<vmem>>
      %dma_wait3A_471 = tpu.memref_slice %arg3[%add3A_455] : memref<320000xi32, #tpu.memory_space<hbm>> -> memref<80xi32, #tpu.memory_space<hbm>>
      tpu.wait_dma2 semaphore(%arg11 : memref<!tpu.dma_semaphore, #tpu.memory_space<semaphore_mem>>) src(%dma_wait3A_471 : memref<80xi32, #tpu.memory_space<hbm>>) dst(%dma_wait3A_470 : memref<80xi32, #tpu.memory_space<vmem>>)
      %dma_start3A_472 = arith.constant 0 : i32
      %dma_start3A_473 = arith.constant 0 : i32
      %dma_start3A_474 = tpu.memref_slice %arg9[%rem3A_437, %dma_start3A_472, %dma_start3A_473] : memref<4x80x128xf32, #tpu.memory_space<vmem>> -> memref<1x80x128xf32, #tpu.memory_space<vmem>>
      %dma_start3A_475 = tpu.memref_squeeze %dma_start3A_474 : memref<1x80x128xf32, #tpu.memory_space<vmem>> -> memref<80x128xf32, #tpu.memory_space<vmem>>
      %dma_start3A_476 = arith.constant 0 : i32
      %dma_start3A_477 = tpu.memref_slice %arg7[%rem3A_437, %dma_start3A_476] : memref<4x80xi32, #tpu.memory_space<vmem>> -> memref<1x80xi32, #tpu.memory_space<vmem>>
      %dma_start3A_478 = tpu.memref_squeeze %dma_start3A_477 : memref<1x80xi32, #tpu.memory_space<vmem>> -> memref<80xi32, #tpu.memory_space<vmem>>
      %dma_start3A_479 = arith.constant 0 : i32
      %dma_start3A_480 = arith.constant 0 : i32
      %dma_start3A_481 = tpu.memref_slice %arg4[%dma_start3A_479, %dma_start3A_480] : memref<10000x128xf32, #tpu.memory_space<hbm>> -> memref<10000x128xf32, #tpu.memory_space<hbm>>
      %dma_start3A_482 = tpu.memref_slice %arg12[%rem3A_437] : memref<4x!tpu.dma_semaphore, #tpu.memory_space<semaphore_mem>> -> memref<1x!tpu.dma_semaphore, #tpu.memory_space<semaphore_mem>>
      %dma_start3A_483 = tpu.memref_squeeze %dma_start3A_482 : memref<1x!tpu.dma_semaphore, #tpu.memory_space<semaphore_mem>> -> memref<!tpu.dma_semaphore, #tpu.memory_space<semaphore_mem>>
      tpu.enqueue_indirect_dma source(%dma_start3A_481 : memref<10000x128xf32, #tpu.memory_space<hbm>>) target(%dma_start3A_475 : memref<80x128xf32, #tpu.memory_space<vmem>>) offsets(%dma_start3A_478 : memref<80xi32, #tpu.memory_space<vmem>>) semaphore(%dma_start3A_483 : memref<!tpu.dma_semaphore, #tpu.memory_space<semaphore_mem>>)
      %gt3A = arith.constant 0 : i32
      %gt3A_484 = arith.cmpi sgt, %scan3A_435, %gt3A : i32
      %convert_element_type3A = arith.extui %gt3A_484 : i1 to i32
      %cond3A = arith.constant 0 : i32
      %cond3A_485 = arith.cmpi ne, %convert_element_type3A, %cond3A : i32
      scf.if %cond3A_485 {
        %dma_wait3A_496 = arith.constant 0 : i32
        %dma_wait3A_497 = arith.constant 0 : i32
        %dma_wait3A_498 = tpu.memref_slice %arg9[%rem3A_446, %dma_wait3A_496, %dma_wait3A_497] : memref<4x80x128xf32, #tpu.memory_space<vmem>> -> memref<1x80x128xf32, #tpu.memory_space<vmem>>
        %dma_wait3A_499 = tpu.memref_squeeze %dma_wait3A_498 : memref<1x80x128xf32, #tpu.memory_space<vmem>> -> memref<80x128xf32, #tpu.memory_space<vmem>>
        %dma_wait3A_500 = arith.constant 0 : i32
        %dma_wait3A_501 = tpu.memref_slice %arg7[%rem3A_446, %dma_wait3A_500] : memref<4x80xi32, #tpu.memory_space<vmem>> -> memref<1x80xi32, #tpu.memory_space<vmem>>
        %dma_wait3A_502 = tpu.memref_squeeze %dma_wait3A_501 : memref<1x80xi32, #tpu.memory_space<vmem>> -> memref<80xi32, #tpu.memory_space<vmem>>
        %dma_wait3A_503 = arith.constant 0 : i32
        %dma_wait3A_504 = arith.constant 0 : i32
        %dma_wait3A_505 = tpu.memref_slice %arg4[%dma_wait3A_503, %dma_wait3A_504] : memref<10000x128xf32, #tpu.memory_space<hbm>> -> memref<10000x128xf32, #tpu.memory_space<hbm>>
        %dma_wait3A_506 = tpu.memref_slice %arg12[%rem3A_446] : memref<4x!tpu.dma_semaphore, #tpu.memory_space<semaphore_mem>> -> memref<1x!tpu.dma_semaphore, #tpu.memory_space<semaphore_mem>>
        %dma_wait3A_507 = tpu.memref_squeeze %dma_wait3A_506 : memref<1x!tpu.dma_semaphore, #tpu.memory_space<semaphore_mem>> -> memref<!tpu.dma_semaphore, #tpu.memory_space<semaphore_mem>>
        tpu.wait_indirect_dma semaphore(%dma_wait3A_507 : memref<!tpu.dma_semaphore, #tpu.memory_space<semaphore_mem>>) src(%dma_wait3A_505 : memref<10000x128xf32, #tpu.memory_space<hbm>>) dst(%dma_wait3A_499 : memref<80x128xf32, #tpu.memory_space<vmem>>)
        %dma_start3A_508 = arith.constant 0 : i32
        %dma_start3A_509 = arith.constant 0 : i32
        %dma_start3A_510 = tpu.memref_slice %arg9[%rem3A_446, %dma_start3A_508, %dma_start3A_509] : memref<4x80x128xf32, #tpu.memory_space<vmem>> -> memref<1x80x128xf32, #tpu.memory_space<vmem>>
        %dma_start3A_511 = tpu.memref_squeeze %dma_start3A_510 : memref<1x80x128xf32, #tpu.memory_space<vmem>> -> memref<80x128xf32, #tpu.memory_space<vmem>>
        %dma_start3A_512 = arith.constant 0 : i32
        %dma_start3A_513 = tpu.memref_slice %arg8[%rem3A_446, %dma_start3A_512] : memref<4x80xi32, #tpu.memory_space<vmem>> -> memref<1x80xi32, #tpu.memory_space<vmem>>
        %dma_start3A_514 = tpu.memref_squeeze %dma_start3A_513 : memref<1x80xi32, #tpu.memory_space<vmem>> -> memref<80xi32, #tpu.memory_space<vmem>>
        %dma_start3A_515 = arith.constant 0 : i32
        %dma_start3A_516 = arith.constant 0 : i32
        %dma_start3A_517 = tpu.memref_slice %arg10[%dma_start3A_515, %dma_start3A_516] : memref<10240x128xf32, #tpu.memory_space<vmem_shared>> -> memref<10240x128xf32, #tpu.memory_space<vmem_shared>>
        %dma_start3A_518 = tpu.memref_slice %arg13[%rem3A_446] : memref<4x!tpu.dma_semaphore, #tpu.memory_space<semaphore_mem>> -> memref<1x!tpu.dma_semaphore, #tpu.memory_space<semaphore_mem>>
        %dma_start3A_519 = tpu.memref_squeeze %dma_start3A_518 : memref<1x!tpu.dma_semaphore, #tpu.memory_space<semaphore_mem>> -> memref<!tpu.dma_semaphore, #tpu.memory_space<semaphore_mem>>
        tpu.enqueue_indirect_dma source(%dma_start3A_511 : memref<80x128xf32, #tpu.memory_space<vmem>>) target(%dma_start3A_517 : memref<10240x128xf32, #tpu.memory_space<vmem_shared>>) offsets(%dma_start3A_514 : memref<80xi32, #tpu.memory_space<vmem>>) semaphore(%dma_start3A_519 : memref<!tpu.dma_semaphore, #tpu.memory_space<semaphore_mem>>) {add = true}
      } else {
      }
      %gt3A_486 = arith.constant 2 : i32
      %gt3A_487 = arith.cmpi sgt, %scan3A_435, %gt3A_486 : i32
      %convert_element_type3A_488 = arith.extui %gt3A_487 : i1 to i32
      %cond3A_489 = arith.constant 0 : i32
      %cond3A_490 = arith.cmpi ne, %convert_element_type3A_488, %cond3A_489 : i32
      scf.if %cond3A_490 {
        %dma_wait3A_496 = arith.constant 0 : i32
        %dma_wait3A_497 = arith.constant 0 : i32
        %dma_wait3A_498 = tpu.memref_slice %arg9[%rem3A_452, %dma_wait3A_496, %dma_wait3A_497] : memref<4x80x128xf32, #tpu.memory_space<vmem>> -> memref<1x80x128xf32, #tpu.memory_space<vmem>>
        %dma_wait3A_499 = tpu.memref_squeeze %dma_wait3A_498 : memref<1x80x128xf32, #tpu.memory_space<vmem>> -> memref<80x128xf32, #tpu.memory_space<vmem>>
        %dma_wait3A_500 = arith.constant 0 : i32
        %dma_wait3A_501 = tpu.memref_slice %arg8[%rem3A_452, %dma_wait3A_500] : memref<4x80xi32, #tpu.memory_space<vmem>> -> memref<1x80xi32, #tpu.memory_space<vmem>>
        %dma_wait3A_502 = tpu.memref_squeeze %dma_wait3A_501 : memref<1x80xi32, #tpu.memory_space<vmem>> -> memref<80xi32, #tpu.memory_space<vmem>>
        %dma_wait3A_503 = arith.constant 0 : i32
        %dma_wait3A_504 = arith.constant 0 : i32
        %dma_wait3A_505 = tpu.memref_slice %arg10[%dma_wait3A_503, %dma_wait3A_504] : memref<10240x128xf32, #tpu.memory_space<vmem_shared>> -> memref<10240x128xf32, #tpu.memory_space<vmem_shared>>
        %dma_wait3A_506 = tpu.memref_slice %arg13[%rem3A_452] : memref<4x!tpu.dma_semaphore, #tpu.memory_space<semaphore_mem>> -> memref<1x!tpu.dma_semaphore, #tpu.memory_space<semaphore_mem>>
        %dma_wait3A_507 = tpu.memref_squeeze %dma_wait3A_506 : memref<1x!tpu.dma_semaphore, #tpu.memory_space<semaphore_mem>> -> memref<!tpu.dma_semaphore, #tpu.memory_space<semaphore_mem>>
        tpu.wait_indirect_dma semaphore(%dma_wait3A_507 : memref<!tpu.dma_semaphore, #tpu.memory_space<semaphore_mem>>) src(%dma_wait3A_499 : memref<80x128xf32, #tpu.memory_space<vmem>>) dst(%dma_wait3A_505 : memref<10240x128xf32, #tpu.memory_space<vmem_shared>>)
      } else {
      }
      %lt3A = arith.constant 124 : i32
      %lt3A_491 = arith.cmpi slt, %scan3A_435, %lt3A : i32
      %convert_element_type3A_492 = arith.extui %lt3A_491 : i1 to i32
      %cond3A_493 = arith.constant 0 : i32
      %cond3A_494 = arith.cmpi ne, %convert_element_type3A_492, %cond3A_493 : i32
      scf.if %cond3A_494 {
        %add3A_496 = arith.constant 1 : i32
        %add3A_497 = arith.addi %scan3A_435, %add3A_496 : i32
        %mul3A_498 = arith.constant 80 : i32
        %mul3A_499 = arith.muli %add3A_497, %mul3A_498 : i32
        %add3A_500 = arith.addi %mul3A_2, %mul3A_499 : i32
        %dma_start3A_501 = arith.constant 0 : i32
        %dma_start3A_502 = tpu.memref_slice %arg7[%rem3A_441, %dma_start3A_501] : memref<4x80xi32, #tpu.memory_space<vmem>> -> memref<1x80xi32, #tpu.memory_space<vmem>>
        %dma_start3A_503 = tpu.memref_squeeze %dma_start3A_502 : memref<1x80xi32, #tpu.memory_space<vmem>> -> memref<80xi32, #tpu.memory_space<vmem>>
        %dma_start3A_504 = tpu.memref_slice %arg2[%add3A_500] : memref<320000xi32, #tpu.memory_space<hbm>> -> memref<80xi32, #tpu.memory_space<hbm>>
        %dma_start3A_505 = arith.constant 0 : i32
        %dma_start3A_506 = tpu.memref_slice %arg7[%rem3A_441, %dma_start3A_505] : memref<4x80xi32, #tpu.memory_space<vmem>> -> memref<1x80xi32, #tpu.memory_space<vmem>>
        %dma_start3A_507 = tpu.memref_squeeze %dma_start3A_506 : memref<1x80xi32, #tpu.memory_space<vmem>> -> memref<80xi32, #tpu.memory_space<vmem>>
        %dma_start3A_508 = tpu.memref_slice %arg2[%add3A_500] : memref<320000xi32, #tpu.memory_space<hbm>> -> memref<80xi32, #tpu.memory_space<hbm>>
        tpu.enqueue_dma source(%dma_start3A_508 : memref<80xi32, #tpu.memory_space<hbm>>) target(%dma_start3A_507 : memref<80xi32, #tpu.memory_space<vmem>>) target_semaphore(%arg11 : memref<!tpu.dma_semaphore, #tpu.memory_space<semaphore_mem>>)
        %dma_start3A_509 = arith.constant 0 : i32
        %dma_start3A_510 = tpu.memref_slice %arg8[%rem3A_441, %dma_start3A_509] : memref<4x80xi32, #tpu.memory_space<vmem>> -> memref<1x80xi32, #tpu.memory_space<vmem>>
        %dma_start3A_511 = tpu.memref_squeeze %dma_start3A_510 : memref<1x80xi32, #tpu.memory_space<vmem>> -> memref<80xi32, #tpu.memory_space<vmem>>
        %dma_start3A_512 = tpu.memref_slice %arg3[%add3A_500] : memref<320000xi32, #tpu.memory_space<hbm>> -> memref<80xi32, #tpu.memory_space<hbm>>
        %dma_start3A_513 = arith.constant 0 : i32
        %dma_start3A_514 = tpu.memref_slice %arg8[%rem3A_441, %dma_start3A_513] : memref<4x80xi32, #tpu.memory_space<vmem>> -> memref<1x80xi32, #tpu.memory_space<vmem>>
        %dma_start3A_515 = tpu.memref_squeeze %dma_start3A_514 : memref<1x80xi32, #tpu.memory_space<vmem>> -> memref<80xi32, #tpu.memory_space<vmem>>
        %dma_start3A_516 = tpu.memref_slice %arg3[%add3A_500] : memref<320000xi32, #tpu.memory_space<hbm>> -> memref<80xi32, #tpu.memory_space<hbm>>
        tpu.enqueue_dma source(%dma_start3A_516 : memref<80xi32, #tpu.memory_space<hbm>>) target(%dma_start3A_515 : memref<80xi32, #tpu.memory_space<vmem>>) target_semaphore(%arg11 : memref<!tpu.dma_semaphore, #tpu.memory_space<semaphore_mem>>)
      } else {
      }
      %scan3A_495 = arith.constant 0 : i32
      scf.yield %scan3A_495 : i32
    }
    %scan3A_354 = arith.constant 125 : i32
    %dma_wait3A_355 = arith.constant 0 : i32
    %dma_wait3A_356 = arith.constant 0 : i32
    %dma_wait3A_357 = arith.constant 0 : i32
    %dma_wait3A_358 = arith.constant 0 : i32
    %dma_wait3A_359 = arith.constant 0 : i32
    %dma_wait3A_360 = tpu.memref_slice %arg9[%dma_wait3A_356, %dma_wait3A_358, %dma_wait3A_359] : memref<4x80x128xf32, #tpu.memory_space<vmem>> -> memref<1x80x128xf32, #tpu.memory_space<vmem>>
    %dma_wait3A_361 = tpu.memref_squeeze %dma_wait3A_360 : memref<1x80x128xf32, #tpu.memory_space<vmem>> -> memref<80x128xf32, #tpu.memory_space<vmem>>
    %dma_wait3A_362 = arith.constant 0 : i32
    %dma_wait3A_363 = tpu.memref_slice %arg7[%dma_wait3A_355, %dma_wait3A_362] : memref<4x80xi32, #tpu.memory_space<vmem>> -> memref<1x80xi32, #tpu.memory_space<vmem>>
    %dma_wait3A_364 = tpu.memref_squeeze %dma_wait3A_363 : memref<1x80xi32, #tpu.memory_space<vmem>> -> memref<80xi32, #tpu.memory_space<vmem>>
    %dma_wait3A_365 = arith.constant 0 : i32
    %dma_wait3A_366 = arith.constant 0 : i32
    %dma_wait3A_367 = tpu.memref_slice %arg4[%dma_wait3A_365, %dma_wait3A_366] : memref<10000x128xf32, #tpu.memory_space<hbm>> -> memref<10000x128xf32, #tpu.memory_space<hbm>>
    %dma_wait3A_368 = tpu.memref_slice %arg12[%dma_wait3A_357] : memref<4x!tpu.dma_semaphore, #tpu.memory_space<semaphore_mem>> -> memref<1x!tpu.dma_semaphore, #tpu.memory_space<semaphore_mem>>
    %dma_wait3A_369 = tpu.memref_squeeze %dma_wait3A_368 : memref<1x!tpu.dma_semaphore, #tpu.memory_space<semaphore_mem>> -> memref<!tpu.dma_semaphore, #tpu.memory_space<semaphore_mem>>
    tpu.wait_indirect_dma semaphore(%dma_wait3A_369 : memref<!tpu.dma_semaphore, #tpu.memory_space<semaphore_mem>>) src(%dma_wait3A_367 : memref<10000x128xf32, #tpu.memory_space<hbm>>) dst(%dma_wait3A_361 : memref<80x128xf32, #tpu.memory_space<vmem>>)
    %dma_start3A_370 = arith.constant 0 : i32
    %dma_start3A_371 = arith.constant 0 : i32
    %dma_start3A_372 = arith.constant 0 : i32
    %dma_start3A_373 = arith.constant 0 : i32
    %dma_start3A_374 = arith.constant 0 : i32
    %dma_start3A_375 = tpu.memref_slice %arg9[%dma_start3A_370, %dma_start3A_373, %dma_start3A_374] : memref<4x80x128xf32, #tpu.memory_space<vmem>> -> memref<1x80x128xf32, #tpu.memory_space<vmem>>
    %dma_start3A_376 = tpu.memref_squeeze %dma_start3A_375 : memref<1x80x128xf32, #tpu.memory_space<vmem>> -> memref<80x128xf32, #tpu.memory_space<vmem>>
    %dma_start3A_377 = arith.constant 0 : i32
    %dma_start3A_378 = tpu.memref_slice %arg8[%dma_start3A_371, %dma_start3A_377] : memref<4x80xi32, #tpu.memory_space<vmem>> -> memref<1x80xi32, #tpu.memory_space<vmem>>
    %dma_start3A_379 = tpu.memref_squeeze %dma_start3A_378 : memref<1x80xi32, #tpu.memory_space<vmem>> -> memref<80xi32, #tpu.memory_space<vmem>>
    %dma_start3A_380 = arith.constant 0 : i32
    %dma_start3A_381 = arith.constant 0 : i32
    %dma_start3A_382 = tpu.memref_slice %arg10[%dma_start3A_380, %dma_start3A_381] : memref<10240x128xf32, #tpu.memory_space<vmem_shared>> -> memref<10240x128xf32, #tpu.memory_space<vmem_shared>>
    %dma_start3A_383 = tpu.memref_slice %arg13[%dma_start3A_372] : memref<4x!tpu.dma_semaphore, #tpu.memory_space<semaphore_mem>> -> memref<1x!tpu.dma_semaphore, #tpu.memory_space<semaphore_mem>>
    %dma_start3A_384 = tpu.memref_squeeze %dma_start3A_383 : memref<1x!tpu.dma_semaphore, #tpu.memory_space<semaphore_mem>> -> memref<!tpu.dma_semaphore, #tpu.memory_space<semaphore_mem>>
    tpu.enqueue_indirect_dma source(%dma_start3A_376 : memref<80x128xf32, #tpu.memory_space<vmem>>) target(%dma_start3A_382 : memref<10240x128xf32, #tpu.memory_space<vmem_shared>>) offsets(%dma_start3A_379 : memref<80xi32, #tpu.memory_space<vmem>>) semaphore(%dma_start3A_384 : memref<!tpu.dma_semaphore, #tpu.memory_space<semaphore_mem>>) {add = true}
    %dma_wait3A_385 = arith.constant 2 : i32
    %dma_wait3A_386 = arith.constant 2 : i32
    %dma_wait3A_387 = arith.constant 2 : i32
    %dma_wait3A_388 = arith.constant 0 : i32
    %dma_wait3A_389 = arith.constant 0 : i32
    %dma_wait3A_390 = tpu.memref_slice %arg9[%dma_wait3A_385, %dma_wait3A_388, %dma_wait3A_389] : memref<4x80x128xf32, #tpu.memory_space<vmem>> -> memref<1x80x128xf32, #tpu.memory_space<vmem>>
    %dma_wait3A_391 = tpu.memref_squeeze %dma_wait3A_390 : memref<1x80x128xf32, #tpu.memory_space<vmem>> -> memref<80x128xf32, #tpu.memory_space<vmem>>
    %dma_wait3A_392 = arith.constant 0 : i32
    %dma_wait3A_393 = tpu.memref_slice %arg8[%dma_wait3A_386, %dma_wait3A_392] : memref<4x80xi32, #tpu.memory_space<vmem>> -> memref<1x80xi32, #tpu.memory_space<vmem>>
    %dma_wait3A_394 = tpu.memref_squeeze %dma_wait3A_393 : memref<1x80xi32, #tpu.memory_space<vmem>> -> memref<80xi32, #tpu.memory_space<vmem>>
    %dma_wait3A_395 = arith.constant 0 : i32
    %dma_wait3A_396 = arith.constant 0 : i32
    %dma_wait3A_397 = tpu.memref_slice %arg10[%dma_wait3A_395, %dma_wait3A_396] : memref<10240x128xf32, #tpu.memory_space<vmem_shared>> -> memref<10240x128xf32, #tpu.memory_space<vmem_shared>>
    %dma_wait3A_398 = tpu.memref_slice %arg13[%dma_wait3A_387] : memref<4x!tpu.dma_semaphore, #tpu.memory_space<semaphore_mem>> -> memref<1x!tpu.dma_semaphore, #tpu.memory_space<semaphore_mem>>
    %dma_wait3A_399 = tpu.memref_squeeze %dma_wait3A_398 : memref<1x!tpu.dma_semaphore, #tpu.memory_space<semaphore_mem>> -> memref<!tpu.dma_semaphore, #tpu.memory_space<semaphore_mem>>
    tpu.wait_indirect_dma semaphore(%dma_wait3A_399 : memref<!tpu.dma_semaphore, #tpu.memory_space<semaphore_mem>>) src(%dma_wait3A_391 : memref<80x128xf32, #tpu.memory_space<vmem>>) dst(%dma_wait3A_397 : memref<10240x128xf32, #tpu.memory_space<vmem_shared>>)
    %dma_wait3A_400 = arith.constant 3 : i32
    %dma_wait3A_401 = arith.constant 3 : i32
    %dma_wait3A_402 = arith.constant 3 : i32
    %dma_wait3A_403 = arith.constant 0 : i32
    %dma_wait3A_404 = arith.constant 0 : i32
    %dma_wait3A_405 = tpu.memref_slice %arg9[%dma_wait3A_400, %dma_wait3A_403, %dma_wait3A_404] : memref<4x80x128xf32, #tpu.memory_space<vmem>> -> memref<1x80x128xf32, #tpu.memory_space<vmem>>
    %dma_wait3A_406 = tpu.memref_squeeze %dma_wait3A_405 : memref<1x80x128xf32, #tpu.memory_space<vmem>> -> memref<80x128xf32, #tpu.memory_space<vmem>>
    %dma_wait3A_407 = arith.constant 0 : i32
    %dma_wait3A_408 = tpu.memref_slice %arg8[%dma_wait3A_401, %dma_wait3A_407] : memref<4x80xi32, #tpu.memory_space<vmem>> -> memref<1x80xi32, #tpu.memory_space<vmem>>
    %dma_wait3A_409 = tpu.memref_squeeze %dma_wait3A_408 : memref<1x80xi32, #tpu.memory_space<vmem>> -> memref<80xi32, #tpu.memory_space<vmem>>
    %dma_wait3A_410 = arith.constant 0 : i32
    %dma_wait3A_411 = arith.constant 0 : i32
    %dma_wait3A_412 = tpu.memref_slice %arg10[%dma_wait3A_410, %dma_wait3A_411] : memref<10240x128xf32, #tpu.memory_space<vmem_shared>> -> memref<10240x128xf32, #tpu.memory_space<vmem_shared>>
    %dma_wait3A_413 = tpu.memref_slice %arg13[%dma_wait3A_402] : memref<4x!tpu.dma_semaphore, #tpu.memory_space<semaphore_mem>> -> memref<1x!tpu.dma_semaphore, #tpu.memory_space<semaphore_mem>>
    %dma_wait3A_414 = tpu.memref_squeeze %dma_wait3A_413 : memref<1x!tpu.dma_semaphore, #tpu.memory_space<semaphore_mem>> -> memref<!tpu.dma_semaphore, #tpu.memory_space<semaphore_mem>>
    tpu.wait_indirect_dma semaphore(%dma_wait3A_414 : memref<!tpu.dma_semaphore, #tpu.memory_space<semaphore_mem>>) src(%dma_wait3A_406 : memref<80x128xf32, #tpu.memory_space<vmem>>) dst(%dma_wait3A_412 : memref<10240x128xf32, #tpu.memory_space<vmem_shared>>)
    %dma_wait3A_415 = arith.constant 0 : i32
    %dma_wait3A_416 = arith.constant 0 : i32
    %dma_wait3A_417 = arith.constant 0 : i32
    %dma_wait3A_418 = arith.constant 0 : i32
    %dma_wait3A_419 = arith.constant 0 : i32
    %dma_wait3A_420 = tpu.memref_slice %arg9[%dma_wait3A_415, %dma_wait3A_418, %dma_wait3A_419] : memref<4x80x128xf32, #tpu.memory_space<vmem>> -> memref<1x80x128xf32, #tpu.memory_space<vmem>>
    %dma_wait3A_421 = tpu.memref_squeeze %dma_wait3A_420 : memref<1x80x128xf32, #tpu.memory_space<vmem>> -> memref<80x128xf32, #tpu.memory_space<vmem>>
    %dma_wait3A_422 = arith.constant 0 : i32
    %dma_wait3A_423 = tpu.memref_slice %arg8[%dma_wait3A_416, %dma_wait3A_422] : memref<4x80xi32, #tpu.memory_space<vmem>> -> memref<1x80xi32, #tpu.memory_space<vmem>>
    %dma_wait3A_424 = tpu.memref_squeeze %dma_wait3A_423 : memref<1x80xi32, #tpu.memory_space<vmem>> -> memref<80xi32, #tpu.memory_space<vmem>>
    %dma_wait3A_425 = arith.constant 0 : i32
    %dma_wait3A_426 = arith.constant 0 : i32
    %dma_wait3A_427 = tpu.memref_slice %arg10[%dma_wait3A_425, %dma_wait3A_426] : memref<10240x128xf32, #tpu.memory_space<vmem_shared>> -> memref<10240x128xf32, #tpu.memory_space<vmem_shared>>
    %dma_wait3A_428 = tpu.memref_slice %arg13[%dma_wait3A_417] : memref<4x!tpu.dma_semaphore, #tpu.memory_space<semaphore_mem>> -> memref<1x!tpu.dma_semaphore, #tpu.memory_space<semaphore_mem>>
    %dma_wait3A_429 = tpu.memref_squeeze %dma_wait3A_428 : memref<1x!tpu.dma_semaphore, #tpu.memory_space<semaphore_mem>> -> memref<!tpu.dma_semaphore, #tpu.memory_space<semaphore_mem>>
    tpu.wait_indirect_dma semaphore(%dma_wait3A_429 : memref<!tpu.dma_semaphore, #tpu.memory_space<semaphore_mem>>) src(%dma_wait3A_421 : memref<80x128xf32, #tpu.memory_space<vmem>>) dst(%dma_wait3A_427 : memref<10240x128xf32, #tpu.memory_space<vmem_shared>>)
    %barrier3A_430 = arith.constant 0 : index
    tpu.barrier barrier_id(%barrier3A_430)
    %mul3A_431 = arith.constant 640 : i32
    %mul3A_432 = arith.muli %arg1, %mul3A_431 : i32
    %mul3A_433 = arith.constant 640 : i32
    %mul3A_434 = arith.muli %arg1, %mul3A_433 : i32
    "tpu.region"() ({
      %run_scoped3A = tpu.sem_alloc : memref<!tpu.dma_semaphore, #tpu.memory_space<semaphore_mem>>
      %dma_start3A_435 = arith.constant 0 : i32
      %dma_start3A_436 = tpu.memref_slice %arg5[%arg0, %mul3A_434, %dma_start3A_435] : memref<2x10240x128xf32, #tpu.memory_space<hbm>> -> memref<1x640x128xf32, #tpu.memory_space<hbm>>
      %dma_start3A_437 = tpu.memref_squeeze %dma_start3A_436 : memref<1x640x128xf32, #tpu.memory_space<hbm>> -> memref<640x128xf32, #tpu.memory_space<hbm>>
      %dma_start3A_438 = arith.constant 0 : i32
      %dma_start3A_439 = tpu.memref_slice %arg10[%mul3A_432, %dma_start3A_438] : memref<10240x128xf32, #tpu.memory_space<vmem_shared>> -> memref<640x128xf32, #tpu.memory_space<vmem_shared>>
      tpu.enqueue_dma source(%dma_start3A_439 : memref<640x128xf32, #tpu.memory_space<vmem_shared>>) target(%dma_start3A_437 : memref<640x128xf32, #tpu.memory_space<hbm>>) target_semaphore(%run_scoped3A : memref<!tpu.dma_semaphore, #tpu.memory_space<semaphore_mem>>)
      %dma_wait3A_440 = arith.constant 0 : i32
      %dma_wait3A_441 = tpu.memref_slice %arg5[%arg0, %mul3A_434, %dma_wait3A_440] : memref<2x10240x128xf32, #tpu.memory_space<hbm>> -> memref<1x640x128xf32, #tpu.memory_space<hbm>>
      %dma_wait3A_442 = tpu.memref_squeeze %dma_wait3A_441 : memref<1x640x128xf32, #tpu.memory_space<hbm>> -> memref<640x128xf32, #tpu.memory_space<hbm>>
      %dma_wait3A_443 = arith.constant 0 : i32
      %dma_wait3A_444 = tpu.memref_slice %arg10[%mul3A_432, %dma_wait3A_443] : memref<10240x128xf32, #tpu.memory_space<vmem_shared>> -> memref<640x128xf32, #tpu.memory_space<vmem_shared>>
      tpu.wait_dma2 semaphore(%run_scoped3A : memref<!tpu.dma_semaphore, #tpu.memory_space<semaphore_mem>>) src(%dma_wait3A_444 : memref<640x128xf32, #tpu.memory_space<vmem_shared>>) dst(%dma_wait3A_442 : memref<640x128xf32, #tpu.memory_space<hbm>>)
      tpu.yield
    }) : () -> ()
    return
  }
}

module attributes {stable_mosaic.version = 14 : i64} {
  func.func @_tc_fix_body(%arg0: memref<2500x128xi32, #tpu.memory_space<vmem>>, %arg1: memref<2500x128xi32, #tpu.memory_space<vmem>>, %arg2: memref<2500x128xi32, #tpu.memory_space<vmem>>, %arg3: memref<2500x128xi32, #tpu.memory_space<vmem>>) attributes {dimension_semantics = [], scalar_prefetch = 0 : i64, scratch_operands = 0 : i64, tpu.core_type = #tpu.core_type<tc>} {
    %get3A = arith.constant 0 : index
    %get3A_0 = arith.constant 0 : index
    %get3A_1 = vector.load %arg0[%get3A, %get3A_0] : memref<2500x128xi32, #tpu.memory_space<vmem>>, vector<2500x128xi32>
    %get3A_2 = arith.constant 0 : index
    %get3A_3 = arith.constant 0 : index
    %get3A_4 = vector.load %arg1[%get3A_2, %get3A_3] : memref<2500x128xi32, #tpu.memory_space<vmem>>, vector<2500x128xi32>
    %ne3A = arith.cmpi ne, %get3A_1, %get3A_4 : vector<2500x128xi32>
    %jit3A = arith.constant 10016 : i32
    %broadcast_in_dim3A = vector.broadcast %jit3A : i32 to vector<2500x128xi32>
    %select_n3A = arith.select %ne3A, %get3A_1, %broadcast_in_dim3A : vector<2500x128xi1>, vector<2500x128xi32>
    %swap3A = arith.constant 0 : index
    %swap3A_5 = arith.constant 0 : index
    %swap3A_6 = vector.load %arg2[%swap3A, %swap3A_5] : memref<2500x128xi32, #tpu.memory_space<vmem>>, vector<2500x128xi32>
    tpu.vector_store %arg2[%swap3A, %swap3A_5], %select_n3A {strides = array<i32>} : memref<2500x128xi32, #tpu.memory_space<vmem>>, vector<2500x128xi32>,
    %jit3A_7 = arith.constant 10016 : i32
    %broadcast_in_dim3A_8 = vector.broadcast %jit3A_7 : i32 to vector<2500x128xi32>
    %select_n3A_9 = arith.select %ne3A, %get3A_4, %broadcast_in_dim3A_8 : vector<2500x128xi1>, vector<2500x128xi32>
    %swap3A_10 = arith.constant 0 : index
    %swap3A_11 = arith.constant 0 : index
    %swap3A_12 = vector.load %arg3[%swap3A_10, %swap3A_11] : memref<2500x128xi32, #tpu.memory_space<vmem>>, vector<2500x128xi32>
    tpu.vector_store %arg3[%swap3A_10, %swap3A_11], %select_n3A_9 {strides = array<i32>} : memref<2500x128xi32, #tpu.memory_space<vmem>>, vector<2500x128xi32>,
    return
  }
}

module attributes {stable_mosaic.version = 14 : i64} {
  func.func @_tc_dinv_body(%arg0: memref<2x10240xf32, #tpu.memory_space<vmem>>, %arg1: memref<10240x1xf32, #tpu.memory_space<vmem>>) attributes {dimension_semantics = [], scalar_prefetch = 0 : i64, scratch_operands = 0 : i64, tpu.core_type = #tpu.core_type<tc>} {
    %get3A = arith.constant 0 : index
    %get3A_0 = arith.constant 0 : index
    %get3A_1 = vector.load %arg0[%get3A, %get3A_0] : memref<2x10240xf32, #tpu.memory_space<vmem>>, vector<1x10240xf32>
    %get3A_2 = arith.constant 1 : index
    %get3A_3 = arith.constant 0 : index
    %get3A_4 = vector.load %arg0[%get3A_2, %get3A_3] : memref<2x10240xf32, #tpu.memory_space<vmem>>, vector<1x10240xf32>
    %add3A = arith.addf %get3A_1, %get3A_4 : vector<1x10240xf32>
    %gt3A = arith.constant 0.000000e+00 : f32
    %gt3A_5 = vector.broadcast %gt3A : f32 to vector<1x10240xf32>
    %gt3A_6 = arith.cmpf ogt, %add3A, %gt3A_5 : vector<1x10240xf32>
    %rsqrt3A = math.rsqrt %add3A : vector<1x10240xf32>
    %jit3A = arith.constant 0.000000e+00 : f32
    %broadcast_in_dim3A = vector.broadcast %jit3A : f32 to vector<1x10240xf32>
    %select_n3A = arith.select %gt3A_6, %rsqrt3A, %broadcast_in_dim3A : vector<1x10240xi1>, vector<1x10240xf32>
    %reshape3A = vector.shape_cast %select_n3A : vector<1x10240xf32> to vector<10240x1xf32>
    %swap3A = arith.constant 0 : index
    %swap3A_7 = arith.constant 0 : index
    %swap3A_8 = vector.load %arg1[%swap3A, %swap3A_7] : memref<10240x1xf32, #tpu.memory_space<vmem>>, vector<10240x1xf32>
    tpu.vector_store %arg1[%swap3A, %swap3A_7], %reshape3A {strides = array<i32>} : memref<10240x1xf32, #tpu.memory_space<vmem>>, vector<10240x1xf32>,
    return
  }
}

module attributes {stable_mosaic.version = 14 : i64} {
  func.func @_tc_xscale_body(%arg0: i32, %arg1: memref<2000x128xf32, #tpu.memory_space<vmem>>, %arg2: memref<2000x1xf32, #tpu.memory_space<vmem>>, %arg3: memref<2000x128xf32, #tpu.memory_space<vmem>>) attributes {dimension_semantics = [#tpu.dimension_semantics<arbitrary>], iteration_bounds = array<i64: 5>, scalar_prefetch = 0 : i64, scratch_operands = 0 : i64, tpu.core_type = #tpu.core_type<tc>, window_params = [{transform_indices = @transform_0, window_bounds = array<i64: 2000, 128>}, {transform_indices = @transform_1, window_bounds = array<i64: 2000, 1>}, {transform_indices = @transform_2, window_bounds = array<i64: 2000, 128>}]} {
    %get3A = arith.constant 0 : index
    %get3A_0 = arith.constant 0 : index
    %get3A_1 = vector.load %arg1[%get3A, %get3A_0] : memref<2000x128xf32, #tpu.memory_space<vmem>>, vector<2000x128xf32>
    %get3A_2 = arith.constant 0 : index
    %get3A_3 = arith.constant 0 : index
    %get3A_4 = vector.load %arg2[%get3A_2, %get3A_3] : memref<2000x1xf32, #tpu.memory_space<vmem>>, vector<2000x1xf32>
    %mul3A = vector.broadcast %get3A_4 : vector<2000x1xf32> to vector<2000x128xf32>
    %mul3A_5 = arith.mulf %get3A_1, %mul3A : vector<2000x128xf32>
    %swap3A = arith.constant 0 : index
    %swap3A_6 = arith.constant 0 : index
    %swap3A_7 = vector.load %arg3[%swap3A, %swap3A_6] : memref<2000x128xf32, #tpu.memory_space<vmem>>, vector<2000x128xf32>
    tpu.vector_store %arg3[%swap3A, %swap3A_6], %mul3A_5 {strides = array<i32>} : memref<2000x128xf32, #tpu.memory_space<vmem>>, vector<2000x128xf32>,
    return
  }
  func.func @transform_0(%arg0: i32) -> (i32, i32) {
    %c0_i32 = arith.constant 0 : i32
    %c0_i32_0 = arith.constant 0 : i32
    return %arg0, %c0_i32 : i32, i32
  }
  func.func @transform_1(%arg0: i32) -> (i32, i32) {
    %c0_i32 = arith.constant 0 : i32
    %c0_i32_0 = arith.constant 0 : i32
    return %arg0, %c0_i32 : i32, i32
  }
  func.func @transform_2(%arg0: i32) -> (i32, i32) {
    %c0_i32 = arith.constant 0 : i32
    %c0_i32_0 = arith.constant 0 : i32
    return %arg0, %c0_i32 : i32, i32
  }
}

module attributes {stable_mosaic.version = 14 : i64} {
  func.func @_tc_xw_body(%arg0: i32, %arg1: memref<2000x128xf32, #tpu.memory_space<vmem>>, %arg2: memref<128x128xf32, #tpu.memory_space<vmem>>, %arg3: memref<128x128xf32, #tpu.memory_space<vmem>>, %arg4: memref<1x128xf32, #tpu.memory_space<vmem>>, %arg5: memref<2000x128xf32, #tpu.memory_space<vmem>>) attributes {dimension_semantics = [#tpu.dimension_semantics<arbitrary>], iteration_bounds = array<i64: 5>, scalar_prefetch = 0 : i64, scratch_operands = 0 : i64, tpu.core_type = #tpu.core_type<tc>, window_params = [{transform_indices = @transform_0, window_bounds = array<i64: 2000, 128>}, {pipeline_mode = #tpu.pipeline_mode<synchronous>, transform_indices = @transform_1, window_bounds = array<i64: 128, 128>}, {pipeline_mode = #tpu.pipeline_mode<synchronous>, transform_indices = @transform_2, window_bounds = array<i64: 128, 128>}, {pipeline_mode = #tpu.pipeline_mode<synchronous>, transform_indices = @transform_3, window_bounds = array<i64: 1, 128>}, {transform_indices = @transform_4, window_bounds = array<i64: 2000, 128>}]} {
    %get3A = arith.constant 0 : index
    %get3A_0 = arith.constant 0 : index
    %get3A_1 = vector.load %arg2[%get3A, %get3A_0] : memref<128x128xf32, #tpu.memory_space<vmem>>, vector<128x128xf32>
    %get3A_2 = arith.constant 0 : index
    %get3A_3 = arith.constant 0 : index
    %get3A_4 = vector.load %arg3[%get3A_2, %get3A_3] : memref<128x128xf32, #tpu.memory_space<vmem>>, vector<128x128xf32>
    %sub3A = arith.subf %get3A_1, %get3A_4 : vector<128x128xf32>
    %get3A_5 = arith.constant 0 : index
    %get3A_6 = arith.constant 0 : index
    %get3A_7 = vector.load %arg1[%get3A_5, %get3A_6] : memref<2000x128xf32, #tpu.memory_space<vmem>>, vector<2000x128xf32>
    %dot_general3A = arith.constant dense<0.000000e+00> : vector<2000x128xf32>
    %dot_general3A_8 = tpu.matmul %get3A_7, %sub3A, %dot_general3A {dimension_numbers = #tpu.dot_dimension_numbers<[1], [0], [0], [1], [0, 0, 1, 1], [], []>, transpose_lhs_hint = false} : vector<2000x128xf32>, vector<128x128xf32>, vector<2000x128xf32> -> vector<2000x128xf32>
    %get3A_9 = arith.constant 0 : index
    %get3A_10 = arith.constant 0 : index
    %get3A_11 = vector.load %arg4[%get3A_9, %get3A_10] : memref<1x128xf32, #tpu.memory_space<vmem>>, vector<1x128xf32>
    %add3A = vector.broadcast %get3A_11 : vector<1x128xf32> to vector<2000x128xf32>
    %add3A_12 = arith.addf %dot_general3A_8, %add3A : vector<2000x128xf32>
    %swap3A = arith.constant 0 : index
    %swap3A_13 = arith.constant 0 : index
    %swap3A_14 = vector.load %arg5[%swap3A, %swap3A_13] : memref<2000x128xf32, #tpu.memory_space<vmem>>, vector<2000x128xf32>
    tpu.vector_store %arg5[%swap3A, %swap3A_13], %add3A_12 {strides = array<i32>} : memref<2000x128xf32, #tpu.memory_space<vmem>>, vector<2000x128xf32>,
    return
  }
  func.func @transform_0(%arg0: i32) -> (i32, i32) {
    %c0_i32 = arith.constant 0 : i32
    %c0_i32_0 = arith.constant 0 : i32
    return %arg0, %c0_i32 : i32, i32
  }
  func.func @transform_1(%arg0: i32) -> (i32, i32) {
    %c0_i32 = arith.constant 0 : i32
    %c0_i32_0 = arith.constant 0 : i32
    %c0_i32_1 = arith.constant 0 : i32
    return %c0_i32, %c0_i32_0 : i32, i32
  }
  func.func @transform_2(%arg0: i32) -> (i32, i32) {
    %c0_i32 = arith.constant 0 : i32
    %c0_i32_0 = arith.constant 0 : i32
    %c0_i32_1 = arith.constant 0 : i32
    return %c0_i32, %c0_i32_0 : i32, i32
  }
  func.func @transform_3(%arg0: i32) -> (i32, i32) {
    %c0_i32 = arith.constant 0 : i32
    %c0_i32_0 = arith.constant 0 : i32
    %c0_i32_1 = arith.constant 0 : i32
    return %c0_i32, %c0_i32_0 : i32, i32
  }
  func.func @transform_4(%arg0: i32) -> (i32, i32) {
    %c0_i32 = arith.constant 0 : i32
    %c0_i32_0 = arith.constant 0 : i32
    return %arg0, %c0_i32 : i32, i32
  }
}

module attributes {stable_mosaic.version = 14 : i64} {
  func.func @_tc_mid_body(%arg0: i32, %arg1: memref<2000x128xf32, #tpu.memory_space<vmem>>, %arg2: memref<2x2000x128xf32, #tpu.memory_space<vmem>>, %arg3: memref<2000x1xf32, #tpu.memory_space<vmem>>, %arg4: memref<128x128xf32, #tpu.memory_space<vmem>>, %arg5: memref<2000x128xf32, #tpu.memory_space<vmem>>, %arg6: memref<2000x128xf32, #tpu.memory_space<vmem>>) attributes {dimension_semantics = [#tpu.dimension_semantics<arbitrary>], iteration_bounds = array<i64: 5>, scalar_prefetch = 0 : i64, scratch_operands = 0 : i64, tpu.core_type = #tpu.core_type<tc>, window_params = [{transform_indices = @transform_0, window_bounds = array<i64: 2000, 128>}, {transform_indices = @transform_1, window_bounds = array<i64: 2, 2000, 128>}, {transform_indices = @transform_2, window_bounds = array<i64: 2000, 1>}, {pipeline_mode = #tpu.pipeline_mode<synchronous>, transform_indices = @transform_3, window_bounds = array<i64: 128, 128>}, {transform_indices = @transform_4, window_bounds = array<i64: 2000, 128>}, {transform_indices = @transform_5, window_bounds = array<i64: 2000, 128>}]} {
    %get3A = arith.constant 0 : index
    %get3A_0 = arith.constant 0 : index
    %get3A_1 = vector.load %arg3[%get3A, %get3A_0] : memref<2000x1xf32, #tpu.memory_space<vmem>>, vector<2000x1xf32>
    %get3A_2 = arith.constant 0 : index
    %get3A_3 = arith.constant 0 : index
    %get3A_4 = arith.constant 0 : index
    %get3A_5 = vector.load %arg2[%get3A_2, %get3A_3, %get3A_4] : memref<2x2000x128xf32, #tpu.memory_space<vmem>>, vector<1x2000x128xf32>
    %get3A_6 = vector.shape_cast %get3A_5 : vector<1x2000x128xf32> to vector<2000x128xf32>
    %get3A_7 = arith.constant 1 : index
    %get3A_8 = arith.constant 0 : index
    %get3A_9 = arith.constant 0 : index
    %get3A_10 = vector.load %arg2[%get3A_7, %get3A_8, %get3A_9] : memref<2x2000x128xf32, #tpu.memory_space<vmem>>, vector<1x2000x128xf32>
    %get3A_11 = vector.shape_cast %get3A_10 : vector<1x2000x128xf32> to vector<2000x128xf32>
    %add3A = arith.addf %get3A_6, %get3A_11 : vector<2000x128xf32>
    %neg3A = arith.constant 0.000000e+00 : f32
    %neg3A_12 = vector.broadcast %neg3A : f32 to vector<2000x1xf32>
    %neg3A_13 = arith.subf %neg3A_12, %get3A_1 : vector<2000x1xf32>
    %mul3A = vector.broadcast %neg3A_13 : vector<2000x1xf32> to vector<2000x128xf32>
    %mul3A_14 = arith.mulf %mul3A, %add3A : vector<2000x128xf32>
    %mul3A_15 = vector.broadcast %get3A_1 : vector<2000x1xf32> to vector<2000x128xf32>
    %mul3A_16 = arith.mulf %mul3A_15, %mul3A_14 : vector<2000x128xf32>
    %swap3A = arith.constant 0 : index
    %swap3A_17 = arith.constant 0 : index
    %swap3A_18 = vector.load %arg5[%swap3A, %swap3A_17] : memref<2000x128xf32, #tpu.memory_space<vmem>>, vector<2000x128xf32>
    tpu.vector_store %arg5[%swap3A, %swap3A_17], %mul3A_16 {strides = array<i32>} : memref<2000x128xf32, #tpu.memory_space<vmem>>, vector<2000x128xf32>,
    %get3A_19 = arith.constant 0 : index
    %get3A_20 = arith.constant 0 : index
    %get3A_21 = vector.load %arg1[%get3A_19, %get3A_20] : memref<2000x128xf32, #tpu.memory_space<vmem>>, vector<2000x128xf32>
    %get3A_22 = arith.constant 0 : index
    %get3A_23 = arith.constant 0 : index
    %get3A_24 = vector.load %arg4[%get3A_22, %get3A_23] : memref<128x128xf32, #tpu.memory_space<vmem>>, vector<128x128xf32>
    %dot_general3A = arith.constant dense<0.000000e+00> : vector<2000x128xf32>
    %dot_general3A_25 = tpu.matmul %mul3A_14, %get3A_24, %dot_general3A {dimension_numbers = #tpu.dot_dimension_numbers<[1], [0], [0], [1], [0, 0, 1, 1], [], []>, transpose_lhs_hint = false} : vector<2000x128xf32>, vector<128x128xf32>, vector<2000x128xf32> -> vector<2000x128xf32>
    %add3A_26 = arith.addf %get3A_21, %dot_general3A_25 : vector<2000x128xf32>
    %swap3A_27 = arith.constant 0 : index
    %swap3A_28 = arith.constant 0 : index
    %swap3A_29 = vector.load %arg6[%swap3A_27, %swap3A_28] : memref<2000x128xf32, #tpu.memory_space<vmem>>, vector<2000x128xf32>
    tpu.vector_store %arg6[%swap3A_27, %swap3A_28], %add3A_26 {strides = array<i32>} : memref<2000x128xf32, #tpu.memory_space<vmem>>, vector<2000x128xf32>,
    return
  }
  func.func @transform_0(%arg0: i32) -> (i32, i32) {
    %c0_i32 = arith.constant 0 : i32
    %c0_i32_0 = arith.constant 0 : i32
    return %arg0, %c0_i32 : i32, i32
  }
  func.func @transform_1(%arg0: i32) -> (i32, i32, i32) {
    %c0_i32 = arith.constant 0 : i32
    %c0_i32_0 = arith.constant 0 : i32
    %c0_i32_1 = arith.constant 0 : i32
    return %c0_i32, %arg0, %c0_i32_0 : i32, i32, i32
  }
  func.func @transform_2(%arg0: i32) -> (i32, i32) {
    %c0_i32 = arith.constant 0 : i32
    %c0_i32_0 = arith.constant 0 : i32
    return %arg0, %c0_i32 : i32, i32
  }
  func.func @transform_3(%arg0: i32) -> (i32, i32) {
    %c0_i32 = arith.constant 0 : i32
    %c0_i32_0 = arith.constant 0 : i32
    %c0_i32_1 = arith.constant 0 : i32
    return %c0_i32, %c0_i32_0 : i32, i32
  }
  func.func @transform_4(%arg0: i32) -> (i32, i32) {
    %c0_i32 = arith.constant 0 : i32
    %c0_i32_0 = arith.constant 0 : i32
    return %arg0, %c0_i32 : i32, i32
  }
  func.func @transform_5(%arg0: i32) -> (i32, i32) {
    %c0_i32 = arith.constant 0 : i32
    %c0_i32_0 = arith.constant 0 : i32
    return %arg0, %c0_i32 : i32, i32
  }
}

module attributes {stable_mosaic.version = 14 : i64} {
  func.func @_tc_final_body(%arg0: i32, %arg1: memref<2000x128xf32, #tpu.memory_space<vmem>>, %arg2: memref<2x2000x128xf32, #tpu.memory_space<vmem>>, %arg3: memref<2000x1xf32, #tpu.memory_space<vmem>>, %arg4: memref<128x128xf32, #tpu.memory_space<vmem>>, %arg5: memref<2000x128xf32, #tpu.memory_space<vmem>>) attributes {dimension_semantics = [#tpu.dimension_semantics<arbitrary>], iteration_bounds = array<i64: 5>, scalar_prefetch = 0 : i64, scratch_operands = 0 : i64, tpu.core_type = #tpu.core_type<tc>, window_params = [{transform_indices = @transform_0, window_bounds = array<i64: 2000, 128>}, {transform_indices = @transform_1, window_bounds = array<i64: 2, 2000, 128>}, {transform_indices = @transform_2, window_bounds = array<i64: 2000, 1>}, {pipeline_mode = #tpu.pipeline_mode<synchronous>, transform_indices = @transform_3, window_bounds = array<i64: 128, 128>}, {transform_indices = @transform_4, window_bounds = array<i64: 2000, 128>}]} {
    %get3A = arith.constant 0 : index
    %get3A_0 = arith.constant 0 : index
    %get3A_1 = arith.constant 0 : index
    %get3A_2 = vector.load %arg2[%get3A, %get3A_0, %get3A_1] : memref<2x2000x128xf32, #tpu.memory_space<vmem>>, vector<1x2000x128xf32>
    %get3A_3 = vector.shape_cast %get3A_2 : vector<1x2000x128xf32> to vector<2000x128xf32>
    %get3A_4 = arith.constant 1 : index
    %get3A_5 = arith.constant 0 : index
    %get3A_6 = arith.constant 0 : index
    %get3A_7 = vector.load %arg2[%get3A_4, %get3A_5, %get3A_6] : memref<2x2000x128xf32, #tpu.memory_space<vmem>>, vector<1x2000x128xf32>
    %get3A_8 = vector.shape_cast %get3A_7 : vector<1x2000x128xf32> to vector<2000x128xf32>
    %add3A = arith.addf %get3A_3, %get3A_8 : vector<2000x128xf32>
    %get3A_9 = arith.constant 0 : index
    %get3A_10 = arith.constant 0 : index
    %get3A_11 = vector.load %arg3[%get3A_9, %get3A_10] : memref<2000x1xf32, #tpu.memory_space<vmem>>, vector<2000x1xf32>
    %neg3A = arith.constant 0.000000e+00 : f32
    %neg3A_12 = vector.broadcast %neg3A : f32 to vector<2000x1xf32>
    %neg3A_13 = arith.subf %neg3A_12, %get3A_11 : vector<2000x1xf32>
    %mul3A = vector.broadcast %neg3A_13 : vector<2000x1xf32> to vector<2000x128xf32>
    %mul3A_14 = arith.mulf %mul3A, %add3A : vector<2000x128xf32>
    %get3A_15 = arith.constant 0 : index
    %get3A_16 = arith.constant 0 : index
    %get3A_17 = vector.load %arg1[%get3A_15, %get3A_16] : memref<2000x128xf32, #tpu.memory_space<vmem>>, vector<2000x128xf32>
    %get3A_18 = arith.constant 0 : index
    %get3A_19 = arith.constant 0 : index
    %get3A_20 = vector.load %arg4[%get3A_18, %get3A_19] : memref<128x128xf32, #tpu.memory_space<vmem>>, vector<128x128xf32>
    %dot_general3A = arith.constant dense<0.000000e+00> : vector<2000x128xf32>
    %dot_general3A_21 = tpu.matmul %mul3A_14, %get3A_20, %dot_general3A {dimension_numbers = #tpu.dot_dimension_numbers<[1], [0], [0], [1], [0, 0, 1, 1], [], []>, transpose_lhs_hint = false} : vector<2000x128xf32>, vector<128x128xf32>, vector<2000x128xf32> -> vector<2000x128xf32>
    %mul3A_22 = arith.constant 2.000000e+00 : f32
    %mul3A_23 = vector.broadcast %mul3A_22 : f32 to vector<2000x128xf32>
    %mul3A_24 = arith.mulf %mul3A_23, %dot_general3A_21 : vector<2000x128xf32>
    %add3A_25 = arith.addf %get3A_17, %mul3A_24 : vector<2000x128xf32>
    %max3A = arith.constant 0.000000e+00 : f32
    %max3A_26 = vector.broadcast %max3A : f32 to vector<2000x128xf32>
    %max3A_27 = arith.maximumf %add3A_25, %max3A_26 : vector<2000x128xf32>
    %swap3A = arith.constant 0 : index
    %swap3A_28 = arith.constant 0 : index
    %swap3A_29 = vector.load %arg5[%swap3A, %swap3A_28] : memref<2000x128xf32, #tpu.memory_space<vmem>>, vector<2000x128xf32>
    tpu.vector_store %arg5[%swap3A, %swap3A_28], %max3A_27 {strides = array<i32>} : memref<2000x128xf32, #tpu.memory_space<vmem>>, vector<2000x128xf32>,
    return
  }
  func.func @transform_0(%arg0: i32) -> (i32, i32) {
    %c0_i32 = arith.constant 0 : i32
    %c0_i32_0 = arith.constant 0 : i32
    return %arg0, %c0_i32 : i32, i32
  }
  func.func @transform_1(%arg0: i32) -> (i32, i32, i32) {
    %c0_i32 = arith.constant 0 : i32
    %c0_i32_0 = arith.constant 0 : i32
    %c0_i32_1 = arith.constant 0 : i32
    return %c0_i32, %arg0, %c0_i32_0 : i32, i32, i32
  }
  func.func @transform_2(%arg0: i32) -> (i32, i32) {
    %c0_i32 = arith.constant 0 : i32
    %c0_i32_0 = arith.constant 0 : i32
    return %arg0, %c0_i32 : i32, i32
  }
  func.func @transform_3(%arg0: i32) -> (i32, i32) {
    %c0_i32 = arith.constant 0 : i32
    %c0_i32_0 = arith.constant 0 : i32
    %c0_i32_1 = arith.constant 0 : i32
    return %c0_i32, %c0_i32_0 : i32, i32
  }
  func.func @transform_4(%arg0: i32) -> (i32, i32) {
    %c0_i32 = arith.constant 0 : i32
    %c0_i32_0 = arith.constant 0 : i32
    return %arg0, %c0_i32 : i32, i32
  }
}

module attributes {stable_mosaic.version = 14 : i64} {
  func.func @_tc_logits_body(%arg0: i32, %arg1: memref<1x256000xf32, #tpu.memory_space<vmem>>, %arg2: memref<10x256000xf32, #tpu.memory_space<vmem>>, %arg3: memref<1x10xf32, #tpu.memory_space<vmem>>, %arg4: memref<1x10xf32, #tpu.memory_space<vmem>>) attributes {dimension_semantics = [#tpu.dimension_semantics<arbitrary>], iteration_bounds = array<i64: 5>, scalar_prefetch = 0 : i64, scratch_operands = 0 : i64, tpu.core_type = #tpu.core_type<tc>, window_params = [{transform_indices = @transform_0, window_bounds = array<i64: 1, 256000>}, {transform_indices = @transform_1, window_bounds = array<i64: 10, 256000>}, {pipeline_mode = #tpu.pipeline_mode<synchronous>, transform_indices = @transform_2, window_bounds = array<i64: 1, 10>}, {pipeline_mode = #tpu.pipeline_mode<synchronous>, transform_indices = @transform_3, window_bounds = array<i64: 1, 10>}]} {
    %get3A = arith.constant 0 : index
    %get3A_0 = arith.constant 0 : index
    %get3A_1 = vector.load %arg2[%get3A, %get3A_0] : memref<10x256000xf32, #tpu.memory_space<vmem>>, vector<10x256000xf32>
    %get3A_2 = arith.constant 0 : index
    %get3A_3 = arith.constant 0 : index
    %get3A_4 = vector.load %arg1[%get3A_2, %get3A_3] : memref<1x256000xf32, #tpu.memory_space<vmem>>, vector<1x256000xf32>
    %mul3A = vector.broadcast %get3A_4 : vector<1x256000xf32> to vector<10x256000xf32>
    %mul3A_5 = arith.mulf %get3A_1, %mul3A : vector<10x256000xf32>
    %reduce_sum3A = arith.constant dense<0.000000e+00> : vector<10xf32>
    %reduce_sum3A_6 = vector.multi_reduction <add>, %mul3A_5, %reduce_sum3A [1] : vector<10x256000xf32> to vector<10xf32>
    %eq3A = arith.constant 0 : i32
    %eq3A_7 = arith.cmpi eq, %arg0, %eq3A : i32
    %convert_element_type3A = arith.extui %eq3A_7 : i1 to i32
    %cond3A = arith.constant 0 : i32
    %cond3A_8 = arith.cmpi ne, %convert_element_type3A, %cond3A : i32
    scf.if %cond3A_8 {
      %get3A_14 = arith.constant 0 : index
      %get3A_15 = arith.constant 0 : index
      %get3A_16 = vector.load %arg3[%get3A_14, %get3A_15] : memref<1x10xf32, #tpu.memory_space<vmem>>, vector<1x10xf32>
      %swap3A_17 = arith.constant 0 : index
      %swap3A_18 = arith.constant 0 : index
      %swap3A_19 = vector.load %arg4[%swap3A_17, %swap3A_18] : memref<1x10xf32, #tpu.memory_space<vmem>>, vector<1x10xf32>
      tpu.vector_store %arg4[%swap3A_17, %swap3A_18], %get3A_16 {strides = array<i32>} : memref<1x10xf32, #tpu.memory_space<vmem>>, vector<1x10xf32>,
    } else {
    }
    %get3A_9 = arith.constant 0 : index
    %get3A_10 = arith.constant 0 : index
    %get3A_11 = vector.load %arg4[%get3A_9, %get3A_10] : memref<1x10xf32, #tpu.memory_space<vmem>>, vector<1x10xf32>
    %broadcast_in_dim3A = vector.shape_cast %reduce_sum3A_6 : vector<10xf32> to vector<1x10xf32>
    %add3A = arith.addf %get3A_11, %broadcast_in_dim3A : vector<1x10xf32>
    %swap3A = arith.constant 0 : index
    %swap3A_12 = arith.constant 0 : index
    %swap3A_13 = vector.load %arg4[%swap3A, %swap3A_12] : memref<1x10xf32, #tpu.memory_space<vmem>>, vector<1x10xf32>
    tpu.vector_store %arg4[%swap3A, %swap3A_12], %add3A {strides = array<i32>} : memref<1x10xf32, #tpu.memory_space<vmem>>, vector<1x10xf32>,
    return
  }
  func.func @transform_0(%arg0: i32) -> (i32, i32) {
    %c0_i32 = arith.constant 0 : i32
    %c0_i32_0 = arith.constant 0 : i32
    return %c0_i32, %arg0 : i32, i32
  }
  func.func @transform_1(%arg0: i32) -> (i32, i32) {
    %c0_i32 = arith.constant 0 : i32
    %c0_i32_0 = arith.constant 0 : i32
    return %c0_i32, %arg0 : i32, i32
  }
  func.func @transform_2(%arg0: i32) -> (i32, i32) {
    %c0_i32 = arith.constant 0 : i32
    %c0_i32_0 = arith.constant 0 : i32
    %c0_i32_1 = arith.constant 0 : i32
    return %c0_i32, %c0_i32_0 : i32, i32
  }
  func.func @transform_3(%arg0: i32) -> (i32, i32) {
    %c0_i32 = arith.constant 0 : i32
    %c0_i32_0 = arith.constant 0 : i32
    %c0_i32_1 = arith.constant 0 : i32
    return %c0_i32, %c0_i32_0 : i32, i32
  }
}

</mosaic_0001>

<sc_bundles>
// kernel: kernel.12.cloned.1.call-start
scs
__scs_entry_jumppad:
0x0: {  	(pc) =	sbr.rel $0x88, $3  }
0x1: {  	(tag) =	ssettag $0x0;
	lr =	simm.s32 $0x1  }
0x2: {  	[smem:$0x3F99] =	sst lr;
	_ =	strace $0xD0000000  }
0x3: {  	_ = 	snop  }
0x4: {  	_ = 	snop  }
0x5: {  	_ = 	snop  }
0x6: {  	_ = 	snop  }
0x7: {  	_ = 	snop  }
__scs_overlays_trampoline_lowered:
0x8: {  	[smem:$0x3FA8] =	sst s0  }
0x9: {  	[smem:$0x3FA9] =	sst s1  }
0xa: {  	[smem:$0x3FAA] =	sst s2  }
0xb: {  	[smem:$0x3FAB] =	sst s3  }
0xc: {  	[smem:$0x3FAC] =	sst s4  }
0xd: {  	[smem:$0x3FAD] =	sst s5  }
0xe: {  	[smem:$0x3FAE] =	sst s6  }
0xf: {  	[smem:$0x3FAF] =	sst s7  }
0x10: {  	[smem:$0x3FB0] =	sst s8  }
0x11: {  	[smem:$0x3FB1] =	sst s9;
	s0 =	simm.s32 @!p0 $0x0  }
0x12: {  	s1 =	sld [smem:$0x3F97];
	s0 =	simm.s32 @p0 $0x1  }
0x13: {  	[smem:$0x3FB2] =	sst s0;
	s0 =	simm.s32 @!p1 $0x0  }
0x14: {  	s2 =	sld [smem:$0x3F96];
	s0 =	simm.s32 @p1 $0x1  }
0x15: {  	[smem:$0x3FB3] =	sst s0;
	s0 =	simm.s32 @!p2 $0x0  }
0x16: {  	s3 =	sld [smem:$0x3FDB];
	s0 =	simm.s32 @p2 $0x1  }
0x17: {  	s4 =	simm.s32 $0x1BF5;
	[smem:$0x3FB5] =	sst s0  }
0x18: {  	s0 =	sld [smem:$0x3F98];
	_ =	swait.ge [sflag:s4], $0x0  }
0x19: {  	s7 =	sld [smem:$0x3F99]  }
0x1a: {  	s8 =	sadd.s32 $0xFFFFE003, lr  }
0x1b: {  	s9 =	sadd.s32 $0xFFFFFEF7, lr;
	s5 =	simm.s32 $0xFFFFFFFF;
	p2 =	slt.u32 s8, $0xFFFFF086  }
0x1c: {  	p1 =	slt.u32 s9, $0xF7A;
	s5 =	simm.s32 @!p2 $0x0  }
0x1d: {  	s5 =	simm.s32 @p1 $0x1;
	p0 =	seq.s32 s7, s2  }
0x1e: {  	s7 =	smul.u32 @!p0 $0xF7A, s2;
	p2 =	seq.s32 @!p0 s5, $0x0  }
0x1f: {  	s9 =	smul.u32 $0xF7A, s1;
	s8 =	simm.s32 @!p0 $0x1BF5;
	p2 =	por !p2, p0  }
0x20: {  	[sflag:s8] =	ssyncset.s32 @!p0 $0xFFFFF086;
	s6 =	sadd.s32 @!p0 s3, s7;
	s7 =	simm.s32 @!p0 $0x108  }
0x21: {  	s3 =	sadd.s32 s3, s9;
	s6 =	sadd.s32 @!p0 $0x88, s6;
	s7 =	simm.s32 @p2 $0x1082  }
0x22: {  	[simem:s7], [sflag:s8] =	dma.local @!p0 [hbm:s6], $0xF7A  }
0x23: {  	s9 =	sor.u32 $0xD0000000, s2;
	s6 =	simm.s32 $0x108;
	_ =	swait.ge @!p0 [sflag:s8], $0x0  }
0x24: {  	s3 =	sadd.s32 $0x88, s3;
	s6 =	simm.s32 @!p1 $0x1082;
	[sflag:s4] =	ssyncset.s32 $0xFFFFF086  }
0x25: {  	[simem:s6], [sflag:s4] =	dma.local [hbm:s3], $0xF7A  }
0x26: {  	[smem:$0x3F99] =	sst s1;
	(tag) =	ssettag s2;
	_ =	strace s9  }
0x27: {  	s1 =	sld [smem:$0x3FA9]  }
0x28: {  	s2 =	sld [smem:$0x3FAA]  }
0x29: {  	s4 =	sld [smem:$0x3FAC]  }
0x2a: {  	p0 =	seq.s32 s5, $0x0;
	s5 =	sld [smem:$0x3FAD]  }
0x2b: {  	s6 =	sld [smem:$0x3FAE]  }
0x2c: {  	s7 =	sld [smem:$0x3FAF]  }
0x2d: {  	s3 =	simm.s32 $0x108;
	s8 =	sld [smem:$0x3FB0]  }
0x2e: {  	s3 =	simm.s32 @!p0 $0x1082;
	s9 =	sld [smem:$0x3FB1]  }
0x2f: {  	lr =	sadd.s32 s0, s3;
	s0 =	sld [smem:$0x3FA8]  }
0x30: {  	s3 =	sld [smem:$0x3FAB]  }
0x31: {  	[smem:$0x3FB4] =	sst s10  }
0x32: {  	s10 =	sld [smem:$0x3FB2];
	_ =	sdelay $0x3  }
0x33: {  	p0 =	seq.s32 s10, $0x1;
	s10 =	sld [smem:$0x3FB4];
	_ =	sdelay $0x3  }
0x34: {  	[smem:$0x3FB4] =	sst s10  }
0x35: {  	s10 =	sld [smem:$0x3FB3];
	_ =	sdelay $0x3  }
0x36: {  	p1 =	seq.s32 s10, $0x1;
	s10 =	sld [smem:$0x3FB4];
	_ =	sdelay $0x3  }
0x37: {  	[smem:$0x3FB4] =	sst s10  }
0x38: {  	s10 =	sld [smem:$0x3FB5]  }
0x39: {  	_ = 	snop;
	(pc) =	sbr.ind lr, $3  }
0x3a: {  	_ = 	snop  }
0x3b: {  	_ = 	snop  }
0x3c: {  	p2 =	seq.s32 s10, $0x1;
	s10 =	sld [smem:$0x3FB4]  }
0x3d: {  	_ =	shalt  }
0x3e: {  	_ =	shalt  }
0x3f: {  	_ =	shalt  }
0x40: {  	_ =	shalt  }
0x41: {  	_ =	shalt  }
0x42: {  	_ =	shalt  }
0x43: {  	_ =	shalt  }
0x44: {  	_ =	shalt  }
0x45: {  	_ =	shalt  }
0x46: {  	_ =	shalt  }
0x47: {  	_ =	shalt  }
0x48: {  	_ =	shalt  }
0x49: {  	_ =	shalt  }
0x4a: {  	_ =	shalt  }
0x4b: {  	_ =	shalt  }
0x4c: {  	_ =	shalt  }
0x4d: {  	_ =	shalt  }
0x4e: {  	_ =	shalt  }
0x4f: {  	_ =	shalt  }
0x50: {  	_ =	shalt  }
0x51: {  	_ =	shalt  }
0x52: {  	_ =	shalt  }
0x53: {  	_ =	shalt  }
0x54: {  	_ =	shalt  }
0x55: {  	_ =	shalt  }
0x56: {  	_ =	shalt  }
0x57: {  	_ =	shalt  }
0x58: {  	_ =	shalt  }
0x59: {  	_ =	shalt  }
0x5a: {  	_ =	shalt  }
0x5b: {  	_ =	shalt  }
0x5c: {  	_ =	shalt  }
0x5d: {  	_ =	shalt  }
0x5e: {  	_ =	shalt  }
0x5f: {  	_ =	shalt  }
0x60: {  	_ =	shalt  }
0x61: {  	_ =	shalt  }
0x62: {  	_ =	shalt  }
0x63: {  	_ =	shalt  }
0x64: {  	_ =	shalt  }
0x65: {  	_ =	shalt  }
0x66: {  	_ =	shalt  }
0x67: {  	_ =	shalt  }
0x68: {  	_ =	shalt  }
0x69: {  	_ =	shalt  }
0x6a: {  	_ =	shalt  }
0x6b: {  	_ =	shalt  }
0x6c: {  	_ =	shalt  }
0x6d: {  	_ =	shalt  }
0x6e: {  	_ =	shalt  }
0x6f: {  	_ =	shalt  }
0x70: {  	_ =	shalt  }
0x71: {  	_ =	shalt  }
0x72: {  	_ =	shalt  }
0x73: {  	_ =	shalt  }
0x74: {  	_ =	shalt  }
0x75: {  	_ =	shalt  }
0x76: {  	_ =	shalt  }
0x77: {  	_ =	shalt  }
0x78: {  	_ =	shalt  }
0x79: {  	_ =	shalt  }
0x7a: {  	_ =	shalt  }
0x7b: {  	_ =	shalt  }
0x7c: {  	_ =	shalt  }
0x7d: {  	_ =	shalt  }
0x7e: {  	_ =	shalt  }
0x7f: {  	_ =	shalt  }
0x80: {  	_ =	shalt  }
0x81: {  	_ =	shalt  }
0x82: {  	_ =	shalt  }
0x83: {  	_ =	shalt  }
0x84: {  	_ =	shalt  }
0x85: {  	_ =	shalt  }
0x86: {  	_ =	shalt  }
0x87: {  	_ =	shalt  }
.Lfunc_end0:
.L_simem_size_0:
called_computation_lowered:
.L_overlay_start_0:
0x88: {  	s2 =	sld [smem:$0x3FD9]  }
0x89: {  	s3 =	sld [smem:$0x3FFE];
	_ =	sdelay $0x1  }
0x8a: {  	s1 =	srdreg.scid  }
0x8b: {  	s0 =	sand.u32 $0x1, s1  }
0x8c: {  	s16 =	sshll.u32 s0, $0xA;
	s2 =	sadd.s32 s3, s2  }
0x8d: {  	s2 =	sadd.s32 s2, s16  }
0x8e: {  	[smem:$0x3FC0] =	sst s2  }
0x8f: {  	_ = 	snop  }
0x90: {  	(tm) =	ssettm $0x1  }
0x91: {  	s17 =	sld [smem:$0x3FFB];
	_ =	sdelay $0x3  }
0x92: {  	_ =	strace s17  }
0x93: {  	s2 =	sld [smem:$0x3FFC];
	_ =	sdelay $0x3  }
0x94: {  	_ =	strace s2  }
0x95: {  	s2 =	sld [smem:$0x3FFD];
	_ =	sdelay $0x3  }
0x96: {  	_ =	strace s2  }
0x97: {  	_ =	strace $0x8FFFFFFF  }
0x98: {  	s18 =	sld [smem:$0x3FDB];
	_ =	sdelay $0x1  }
0x99: {  	s19 =	simm.s32 $_scs_section_size  }
0x9a: {  	s4 =	simm.s32 $_size__tile_overlayer_lowered;
	s5 =	simm.s32 $_tile_overlayer_lowered  }
0x9b: {  	s22 =	simm.s32 $0x1BFF;
	s21 =	sshll.u32 s5, $0x1;
	s2 =	sadd.s32 s19, s18  }
0x9c: {  	s6 =	simm.s32 $0x0;
	s20 =	sshll.u32 s4, $0x1;
	s4 =	sadd.s32 s21, s2  }
0x9d: {  	[timem:s6], [sflag:s22] =	dma.local [hbm:s4], s20  }
0x9e: {  	_ =	swait.ge [sflag:s22], s20  }
0x9f: {  	s3 =	ssub.s32 $0x0, s20;
	[sflag:s22] =	ssyncset.done $0x0  }
0xa0: {  	[sflag:s22] =	ssyncadd.s32 s3;
	_ =	sdelay $0x1  }
0xa1: {  	s23 =	simm.s32 $0x1B8B  }
0xa2: {  	_ =	swait.ge [sflag:s23], $0x1  }
0xa3: {  	[sflag:s23] =	ssyncset.done $0x0  }
0xa4: {  	s25 =	simm.s32 $0x1B8E;
	s24 =	sld [smem:$0x3FFE];
	[sflag:s23] =	ssyncadd.s32 $0xFFFFFFFF  }
0xa5: {  	s26 =	simm.s32 $execute0_lowered;
	[smem:$0x3FD2] =	sst s25  }
0xa6: {  	s4 =	sshll.u32 s26, $0x1;
	_ =	strace $0x80000046;
	[dreg:$0x1] =	wrdreg $0xFFFFFFFF  }
0xa7: {  	s28 =	simm.s32 $_size_execute0_lowered;
	s2 =	sadd.s32 s2, s4;
	[dreg:$0x0] =	wrdreg $0x0  }
0xa8: {  	s4 =	sshll.u32 s28, $0x1;
	[dreg:$0x2] =	wrdreg s2  }
0xa9: {  	[dreg:$0x3] =	wrdreg s4  }
0xaa: {  	[dreg:$0x4] =	wrdreg $0xC0  }
0xab: {  	_ =	task [dreg:s6], $0x5FFFF  }
0xac: {  	[dreg:$0x1] =	wrdreg $0xFFFFFFFF  }
0xad: {  	[dreg:$0x0] =	wrdreg $0x60  }
0xae: {  	[dreg:$0x2] =	wrdreg s24  }
0xaf: {  	[dreg:$0x3] =	wrdreg $0xB000  }
0xb0: {  	[dreg:$0x4] =	wrdreg $0x9  }
0xb1: {  	_ =	task.clear_ibuf [dreg:s6], $0x5FFFF;
	_ =	strace $0x90000046  }
0xb2: {  	s29 =	simm.s32 $0x9;
	_ =	strace $0x80000048  }
0xb3: {  	_ =	swait.ge [sflag:s29], $0x1  }
0xb4: {  	[sflag:s29] =	ssyncadd.s32 $0xFFFFFFFF  }
0xb5: {  	_ =	strace $0x90000048  }
0xb6: {  	_ =	sfence  }
0xb7: {  	s30 =	sld [smem:$0x0];
	_ =	sdelay $0x2  }
0xb8: {  	s31 =	sshll.u32 s1, $0xD;
	s1 =	sshrl.u32 s1, $0x2  }
0xb9: {  	s3 =	sand.u32 $0x4000, s31;
	s1 =	sadd.s32 s1, s30  }
0xba: {  	s0 =	sor.u32 s3, s0;
	s1 =	sshll.u32 s1, $0x11  }
0xbb: {  	s0 =	sor.u32 s1, s0  }
0xbc: {  	s0 =	sadd.s32 $0x8F2B, s0  }
0xbd: {  	[sflag:s0] =	ssyncadd.remote.s32 $0x1  }
0xbe: {  	_ =	sfence.sel $0xFFFF  }
0xbf: {  	[dreg:$0x0] =	wrdreg $0xFFFFFFFF;
	(pc) =	sbr.abs _section_cstart, $3  }
0xc0: {  	[dreg:$0x1] =	wrdreg $0xFFFFFFFF  }
0xc1: {  	_ =	task.clear_ibuf [dreg:s6], $0x2FFFF;
	_ =	strace $0x9FFFFFFF  }
0xc2: {  	(tm) =	ssettm $0x7FFFFFFF  }
0xc3: {  	_ =	shalt  }
tec
execute0_lowered:
.L_overlay_start_1:
0x0: {  	(tag) =	ssettag $0x1  }
0x1: {  	s0 =	rddreg [dreg:$0x0];
	s1 =	srdreg.scid  }
0x2: {  	s9 =	stileid.u32;
	s2 =	rddreg [dreg:$0x1];
	s3 =	simm.s32 $0x0  }
0x3: {  	s18 =	simm.s32 $0x3;
	s28 =	simm.s32 $0x20;
	s5 =	smul.u32 $0x500, s9  }
0x4: {  	s29 =	simm.s32 $0x10;
	s30 =	simm.s32 $0x0;
	s8 =	smul.u32 $0x2710, s9  }
0x5: {  	s1 =	sand.u32 $0x1, s1;
	[smem:$0x7FF] =	sst s3;
	s20 =	smul.u32 $0xA00, s9  }
0x6: {  	s4 =	sadd.s32 $0xC400, s0;
	s6 =	smul.u32 $0x27100, s1;
	s7 =	sshll.u32 s1, $0x7  }
0x7: {  	_ =	strace $0x80000047;
	s1 =	ssub.s32 $0x2, s1;
	s5 =	sor.u32 s7, s5  }
0x8: {  	s22 =	sshrl.u32 s1, $0x1;
	s5 =	sshrl.u32 s5, $0x3;
	s17 =	sadd.s32 s8, s6  }
0x9: {  	s6 =	sshrl.u32 s20, $0x2;
	s1 =	ssub.s32 s1, s22;
	s22 =	simm.s32 $0x500  }
0xa: {  	s0 =	sadd.s32 s5, s0;
	s21 =	sshrl.u32 s17, $0x3;
	s6 =	sadd.s32 s6, s2  }
0xb: {  	s12 =	sadd.s32 $0x2D0, s17;
	s24 =	sadd.s32 $0x280, s17;
	s25 =	sadd.s32 $0x230, s17  }
0xc: {  	s15 =	sadd.s32 $0x1E0, s17;
	s5 =	sadd.s32 s4, s21;
	s11 =	sadd.s32 $0x20000, s0  }
0xd: {  	s23 =	sshrl.u32 s12, $0x3;
	s12 =	smax.u32 s1, $0x1;
	s0 =	sshrl.u32 s24, $0x3  }
0xe: {  	s26 =	sshrl.u32 s25, $0x3;
	s31 =	sshrl.u32 s15, $0x3;
	s1 =	sadd.s32 $0x190, s17  }
0xf: {  	s24 =	simm.s32 $0x50;
	s25 =	simm.s32 $0x280;
	s7 =	sadd.s32 $0xA, s5  }
0x10: {  	s8 =	sadd.s32 $0x14, s5;
	s9 =	sadd.s32 $0x1E, s5;
	s10 =	sadd.s32 $0x28, s5  }
0x11: {  	s13 =	sadd.s32 s23, s4;
	s14 =	sadd.s32 s0, s4;
	s15 =	sadd.s32 s26, s4  }
0x12: {  	v0 =	vimm.f32 $0.0e+00;
	v1 =	vimm.f32 $1.000000000e+00;
	s16 =	sadd.s32 s31, s4;
	s23 =	simm.s32 $0x1;
	s26 =	simm.s32 $0x2  }
.LBB2_1:
0x13: {  	[tilespmem:$0x0] =	vst v0  }
0x14: {  	[tilespmem:$0x10] =	vst v0  }
0x15: {  	[tilespmem:$0x20] =	vst v0  }
0x16: {  	[tilespmem:$0x30] =	vst v0  }
0x17: {  	[tilespmem:$0x40] =	vst v0  }
0x18: {  	[tilespmem:$0x50] =	vst v0  }
0x19: {  	[tilespmem:$0x60] =	vst v0  }
0x1a: {  	[tilespmem:$0x70] =	vst v0  }
0x1b: {  	[tilespmem:$0x80] =	vst v0  }
0x1c: {  	[tilespmem:$0x90] =	vst v0  }
0x1d: {  	[tilespmem:$0xA0] =	vst v0  }
0x1e: {  	[tilespmem:$0xB0] =	vst v0  }
0x1f: {  	[tilespmem:$0xC0] =	vst v0  }
0x20: {  	[tilespmem:$0xD0] =	vst v0  }
0x21: {  	[tilespmem:$0xE0] =	vst v0  }
0x22: {  	[tilespmem:$0xF0] =	vst v0  }
0x23: {  	[tilespmem:$0x100] =	vst v0  }
0x24: {  	[tilespmem:$0x110] =	vst v0  }
0x25: {  	[tilespmem:$0x120] =	vst v0  }
0x26: {  	[tilespmem:$0x130] =	vst v0  }
0x27: {  	[tilespmem:$0x140] =	vst v0  }
0x28: {  	[tilespmem:$0x150] =	vst v0  }
0x29: {  	[tilespmem:$0x160] =	vst v0  }
0x2a: {  	[tilespmem:$0x170] =	vst v0  }
0x2b: {  	[tilespmem:$0x180] =	vst v0  }
0x2c: {  	[tilespmem:$0x190] =	vst v0  }
0x2d: {  	[tilespmem:$0x1A0] =	vst v0  }
0x2e: {  	[tilespmem:$0x1B0] =	vst v0  }
0x2f: {  	[tilespmem:$0x1C0] =	vst v0  }
0x30: {  	[tilespmem:$0x1D0] =	vst v0  }
0x31: {  	[tilespmem:$0x1E0] =	vst v0  }
0x32: {  	[tilespmem:$0x1F0] =	vst v0  }
0x33: {  	[tilespmem:$0x200] =	vst v0  }
0x34: {  	[tilespmem:$0x210] =	vst v0  }
0x35: {  	[tilespmem:$0x220] =	vst v0  }
0x36: {  	[tilespmem:$0x230] =	vst v0  }
0x37: {  	[tilespmem:$0x240] =	vst v0  }
0x38: {  	[tilespmem:$0x250] =	vst v0  }
0x39: {  	[tilespmem:$0x260] =	vst v0  }
0x3a: {  	[tilespmem:$0x270] =	vst v0  }
0x3b: {  	[tilespmem:$0x280] =	vst v1  }
0x3c: {  	[tilespmem:$0x290] =	vst v1  }
0x3d: {  	[tilespmem:$0x2A0] =	vst v1  }
0x3e: {  	[tilespmem:$0x2B0] =	vst v1  }
0x3f: {  	[tilespmem:$0x2C0] =	vst v1  }
0x40: {  	[spmem:s6] =	stream.linear.scatter [tilespmem:s3], [sflag:$0x3], $0x280, $0x38;
	[tilespmem:$0xD80] =	vst v63  }
0x41: {  	_ =	swait.ge [sflag:s18], $0x280  }
0x42: {  	[sflag:s18] =	ssyncset.done $0x0  }
0x43: {  	s0 =	simm.s32 $0x300;
	[sflag:s18] =	ssyncadd.s32 $0xFFFFFD80  }
0x44: {  	[tilespmem:s0], [sflag:$0x1] =	stream.linear.gather [hbm4b:s5+s3], $0x50, $0x38;
	[tilespmem:$0xD80] =	vst v63  }
0x45: {  	s20 =	simm.s32 $0x380  }
0x46: {  	[tilespmem:s20], [sflag:$0x1] =	stream.linear.gather [hbm4b:s7+s3], $0x50, $0x38;
	[tilespmem:$0xD80] =	vst v63  }
0x47: {  	s31 =	simm.s32 $0x400  }
0x48: {  	[tilespmem:s31], [sflag:$0x1] =	stream.linear.gather [hbm4b:s8+s3], $0x50, $0x38;
	[tilespmem:$0xD80] =	vst v63  }
0x49: {  	s21 =	simm.s32 $0x480  }
0x4a: {  	[tilespmem:s21], [sflag:$0x1] =	stream.linear.gather [hbm4b:s9+s3], $0x50, $0x38;
	[tilespmem:$0xD80] =	vst v63  }
0x4b: {  	_ = 	snop  }
0x4c: {  	[tilespmem:s22], [sflag:$0x1] =	stream.linear.gather [hbm4b:s10+s3], $0x50, $0x38;
	[tilespmem:$0xD80] =	vst v63  }
0x4d: {  	s17 =	smov.u32 s1;
	s0 =	simm.s32 $0x0;
	[bflag:$0x0] =	sbarrier.arrive $0xFFFF  }
.LBB2_2:
0x4e: {  	_ =	swait.ge [sflag:s23], $0x50  }
0x4f: {  	[sflag:s23] =	ssyncset.done $0x0  }
0x50: {  	[sflag:s23] =	ssyncadd.s32 $0xFFFFFFB0  }
0x51: {  	_ =	swait.ge [sflag:s23], $0x50  }
0x52: {  	[sflag:s23] =	ssyncset.done $0x0  }
0x53: {  	[sflag:s23] =	ssyncadd.s32 $0xFFFFFFB0  }
0x54: {  	_ =	swait.ge [sflag:s23], $0x50  }
0x55: {  	[sflag:s23] =	ssyncset.done $0x0  }
0x56: {  	[sflag:s23] =	ssyncadd.s32 $0xFFFFFFB0  }
0x57: {  	_ =	swait.ge [sflag:s23], $0x50  }
0x58: {  	[sflag:s23] =	ssyncset.done $0x0  }
0x59: {  	[sflag:s23] =	ssyncadd.s32 $0xFFFFFFB0  }
0x5a: {  	_ =	swait.ge [sflag:s23], $0x50  }
0x5b: {  	p0 =	seq.s32 s0, $0x0;
	[sflag:s23] =	ssyncset.done $0x0  }
0x5c: {  	s19 =	simm.s32 @!p0 $0x2;
	[sflag:s23] =	ssyncadd.s32 $0xFFFFFFB0  }
0x5d: {  	_ =	swait.ge @!p0 [sflag:s19], $0x50  }
0x5e: {  	[sflag:s19] =	ssyncset.done @!p0 $0x0  }
0x5f: {  	[sflag:s19] =	ssyncadd.s32 @!p0 $0xFFFFFFB0  }
0x60: {  	_ =	swait.ge @!p0 [sflag:s19], $0x50  }
0x61: {  	[sflag:s19] =	ssyncset.done @!p0 $0x0  }
0x62: {  	[sflag:s19] =	ssyncadd.s32 @!p0 $0xFFFFFFB0  }
0x63: {  	_ =	swait.ge @!p0 [sflag:s19], $0x50  }
0x64: {  	[sflag:s19] =	ssyncset.done @!p0 $0x0  }
0x65: {  	[sflag:s19] =	ssyncadd.s32 @!p0 $0xFFFFFFB0  }
0x66: {  	_ =	swait.ge @!p0 [sflag:s19], $0x50  }
0x67: {  	[sflag:s19] =	ssyncset.done @!p0 $0x0  }
0x68: {  	[sflag:s19] =	ssyncadd.s32 @!p0 $0xFFFFFFB0  }
0x69: {  	p1 =	seq.s32 @!p0 s0, $0x4B0;
	_ =	swait.ge @!p0 [sflag:s19], $0x50  }
0x6a: {  	p1 =	por p0, !p1;
	[sflag:s19] =	ssyncset.done @!p0 $0x0  }
0x6b: {  	s20 =	sshrl.u32 @p1 s17, $0x3;
	[sflag:s19] =	ssyncadd.s32 @!p0 $0xFFFFFFB0;
	s19 =	sand.u32 @p1 $0x400, s31  }
0x6c: {  	s20 =	sadd.s32 @p1 s4, s20;
	s21 =	sor.u32 @p1 $0x300, s19  }
0x6d: {  	[tilespmem:s21], [sflag:$0x1] =	stream.linear.gather @p1 [hbm4b:s20+s3], $0x50, $0x38;
	[tilespmem:$0xD80] =	vst v63  }
0x6e: {  	s20 =	sor.u32 @p1 $0x380, s19;
	s21 =	sadd.s32 @p1 s0, s16  }
0x6f: {  	[tilespmem:s20], [sflag:$0x1] =	stream.linear.gather @p1 [hbm4b:s21+s3], $0x50, $0x38;
	[tilespmem:$0xD80] =	vst v63  }
0x70: {  	s20 =	sadd.s32 @p1 $0x400, s19;
	s21 =	sadd.s32 @p1 s0, s15  }
0x71: {  	[tilespmem:s20], [sflag:$0x1] =	stream.linear.gather @p1 [hbm4b:s21+s3], $0x50, $0x38;
	[tilespmem:$0xD80] =	vst v63  }
0x72: {  	s20 =	sadd.s32 @p1 $0x480, s19;
	s21 =	sadd.s32 @p1 s0, s14  }
0x73: {  	[tilespmem:s20], [sflag:$0x1] =	stream.linear.gather @p1 [hbm4b:s21+s3], $0x50, $0x38;
	[tilespmem:$0xD80] =	vst v63  }
0x74: {  	s19 =	sadd.s32 @p1 $0x500, s19;
	s20 =	sadd.s32 @p1 s0, s13  }
0x75: {  	[tilespmem:s19], [sflag:$0x1] =	stream.linear.gather @p1 [hbm4b:s20+s3], $0x50, $0x38;
	[tilespmem:$0xD80] =	vst v63  }
0x76: {  	s20 =	sadd.s32 $0xFFFFFC00, s31  }
0x77: {  	s19 =	sand.u32 $0x400, s20  }
0x78: {  	s21 =	sor.u32 $0x300, s19  }
0x79: {  	[spmem:s2] =	stream.indirect.scatter.add.f32 [tilespmem:s25], [sflag:$0x2], $0x1, s21, s24, $0xb8;
	[tilespmem:$0xD80] =	vst v63  }
0x7a: {  	s0 =	sadd.s32 $0x32, s0;
	s21 =	sor.u32 $0x380, s19  }
0x7b: {  	[spmem:s2] =	stream.indirect.scatter.add.f32 [tilespmem:s25], [sflag:$0x2], $0x1, s21, s24, $0xb8;
	[tilespmem:$0xD80] =	vst v63  }
0x7c: {  	p0 =	sne.s32 s0, $0x4E2;
	s21 =	sadd.s32 $0x400, s19  }
0x7d: {  	[spmem:s2] =	stream.indirect.scatter.add.f32 [tilespmem:s25], [sflag:$0x2], $0x1, s21, s24, $0xb8;
	[tilespmem:$0xD80] =	vst v63  }
.Ltmp0:
0x7e: {  	_ = 	snop;
	(pc) =	sbr.rel @p0 .LBB2_2-.Ltmp0, $4  }
0x7f: {  	s21 =	sadd.s32 $0x480, s19  }
0x80: {  	[spmem:s2] =	stream.indirect.scatter.add.f32 [tilespmem:s25], [sflag:$0x2], $0x1, s21, s24, $0xb8;
	[tilespmem:$0xD80] =	vst v63  }
0x81: {  	s17 =	sadd.s32 $0x190, s17;
	s31 =	sadd.s32 $0x400, s31;
	s19 =	sadd.s32 $0x500, s19  }
0x82: {  	[spmem:s2] =	stream.indirect.scatter.add.f32 [tilespmem:s25], [sflag:$0x2], $0x1, s19, s24, $0xb8;
	[tilespmem:$0xD80] =	vst v63  }
0x83: {  	_ =	swait.ge [sflag:s26], $0x50  }
0x84: {  	[sflag:s26] =	ssyncset.done $0x0  }
0x85: {  	[sflag:s26] =	ssyncadd.s32 $0xFFFFFFB0  }
0x86: {  	_ =	swait.ge [sflag:s26], $0x50  }
0x87: {  	[sflag:s26] =	ssyncset.done $0x0  }
0x88: {  	[sflag:s26] =	ssyncadd.s32 $0xFFFFFFB0  }
0x89: {  	_ =	swait.ge [sflag:s26], $0x50  }
0x8a: {  	[sflag:s26] =	ssyncset.done $0x0  }
0x8b: {  	[sflag:s26] =	ssyncadd.s32 $0xFFFFFFB0  }
0x8c: {  	_ =	swait.ge [sflag:s26], $0x50  }
0x8d: {  	[sflag:s26] =	ssyncset.done $0x0  }
0x8e: {  	[sflag:s26] =	ssyncadd.s32 $0xFFFFFFB0  }
0x8f: {  	s0 =	stileid.u32;
	_ =	swait.ge [sflag:s26], $0x50  }
0x90: {  	s17 =	sshrl.u32 s6, $0x3;
	s30 =	sadd.s32 $0x1, s30;
	[sflag:s26] =	ssyncset.done $0x0  }
0x91: {  	s0 =	sshll.u32 s0, $0x6;
	p0 =	sne.s32 s30, s12;
	[sflag:s26] =	ssyncadd.s32 $0xFFFFFFB0  }
.Ltmp1:
0x92: {  	s0 =	sor.u32 $0x1C03, s0;
	[bflag:$0x0] =	sbarrier.arrive $0xFFFF;
	(pc) =	sbr.rel @p0 .LBB2_1-.Ltmp1, $4  }
0x93: {  	[hbm:s11@s28], [sflag:s0] =	dma.strided [spmem:s17@s29], $0x50, s23, $0x10   }
0x94: {  	_ =	swait.ge [sflag:s18], $0x50  }
0x95: {  	[sflag:s18] =	ssyncset.done $0x0  }
0x96: {  	[sflag:s18] =	ssyncadd.s32 $0xFFFFFFB0  }
0x97: {  	_ =	sfence.sel $0x180000  }
0x98: {  	[bflag:$0x0] =	sbarrier.arrive $0xFFFF  }
0x99: {  	_ =	strace $0x90000047  }
0x9a: {  	s0 =	stileid.u32;
	[bflag:$0x2] =	sbarrier.arrive $0xFFFF  }
0x9b: {  	p0 =	sne.s32 s0, $0x0;
	s0 =	rddreg [dreg:$0x2]  }
0x9c: {  	s0 =	sadd.s32 @!p0 $0x100000, s0  }
0x9d: {  	[sflag:s0] =	ssyncadd.tile.s32 @!p0 $0x1;
	_ =	shalt  }
.Lfunc_end2:
_tile_overlayer_lowered:
.L_overlay_start_2:
0x9e: {  	(tag) =	ssettag $0x2  }
0x9f: {  	s0 =	rddreg [dreg:$0x0];
	s2 =	stileid.u32  }
0xa0: {  	s1 =	rddreg [dreg:$0x1];
	p0 =	sne.s32 s2, $0x0  }
0xa1: {  	s3 =	rddreg [dreg:$0x2];
	[bflag:$0x3] =	sbarrier.arrive $0xFFFF;
	s2 =	simm.s32 @!p0 $0x1C03  }
0xa2: {  	[timem:s3], [sflag:s2] =	dma.local @!p0 [hbm:s0], s1  }
0xa3: {  	s0 =	simm.s32 @!p0 $0x3  }
0xa4: {  	_ =	swait.ge @!p0 [sflag:s0], s1  }
0xa5: {  	s1 =	ssub.s32 @!p0 $0x0, s1;
	[sflag:s0] =	ssyncset.done @!p0 $0x0  }
0xa6: {  	[sflag:s0] =	ssyncadd.s32 @!p0 s1  }
0xa7: {  	[bflag:$0x3] =	sbarrier.arrive $0xFFFF  }
0xa8: {  	_ =	shalt  }

// kernel: kernel.15.cloned.1.call-start
scs
__scs_entry_jumppad:
0x0: {  	(pc) =	sbr.rel $0x88, $3  }
0x1: {  	(tag) =	ssettag $0x0;
	lr =	simm.s32 $0x1  }
0x2: {  	[smem:$0x3F99] =	sst lr;
	_ =	strace $0xD0000000  }
0x3: {  	_ = 	snop  }
0x4: {  	_ = 	snop  }
0x5: {  	_ = 	snop  }
0x6: {  	_ = 	snop  }
0x7: {  	_ = 	snop  }
__scs_overlays_trampoline_lowered:
0x8: {  	[smem:$0x3FA8] =	sst s0  }
0x9: {  	[smem:$0x3FA9] =	sst s1  }
0xa: {  	[smem:$0x3FAA] =	sst s2  }
0xb: {  	[smem:$0x3FAB] =	sst s3  }
0xc: {  	[smem:$0x3FAC] =	sst s4  }
0xd: {  	[smem:$0x3FAD] =	sst s5  }
0xe: {  	[smem:$0x3FAE] =	sst s6  }
0xf: {  	[smem:$0x3FAF] =	sst s7  }
0x10: {  	[smem:$0x3FB0] =	sst s8  }
0x11: {  	[smem:$0x3FB1] =	sst s9;
	s0 =	simm.s32 @!p0 $0x0  }
0x12: {  	s1 =	sld [smem:$0x3F97];
	s0 =	simm.s32 @p0 $0x1  }
0x13: {  	[smem:$0x3FB2] =	sst s0;
	s0 =	simm.s32 @!p1 $0x0  }
0x14: {  	s2 =	sld [smem:$0x3F96];
	s0 =	simm.s32 @p1 $0x1  }
0x15: {  	[smem:$0x3FB3] =	sst s0;
	s0 =	simm.s32 @!p2 $0x0  }
0x16: {  	s3 =	sld [smem:$0x3FDB];
	s0 =	simm.s32 @p2 $0x1  }
0x17: {  	s4 =	simm.s32 $0x1BF5;
	[smem:$0x3FB5] =	sst s0  }
0x18: {  	s0 =	sld [smem:$0x3F98];
	_ =	swait.ge [sflag:s4], $0x0  }
0x19: {  	s7 =	sld [smem:$0x3F99]  }
0x1a: {  	s8 =	sadd.s32 $0xFFFFE003, lr  }
0x1b: {  	s9 =	sadd.s32 $0xFFFFFEF7, lr;
	s5 =	simm.s32 $0xFFFFFFFF;
	p2 =	slt.u32 s8, $0xFFFFF086  }
0x1c: {  	p1 =	slt.u32 s9, $0xF7A;
	s5 =	simm.s32 @!p2 $0x0  }
0x1d: {  	s5 =	simm.s32 @p1 $0x1;
	p0 =	seq.s32 s7, s2  }
0x1e: {  	s7 =	smul.u32 @!p0 $0xF7A, s2;
	p2 =	seq.s32 @!p0 s5, $0x0  }
0x1f: {  	s9 =	smul.u32 $0xF7A, s1;
	s8 =	simm.s32 @!p0 $0x1BF5;
	p2 =	por !p2, p0  }
0x20: {  	[sflag:s8] =	ssyncset.s32 @!p0 $0xFFFFF086;
	s6 =	sadd.s32 @!p0 s3, s7;
	s7 =	simm.s32 @!p0 $0x108  }
0x21: {  	s3 =	sadd.s32 s3, s9;
	s6 =	sadd.s32 @!p0 $0x88, s6;
	s7 =	simm.s32 @p2 $0x1082  }
0x22: {  	[simem:s7], [sflag:s8] =	dma.local @!p0 [hbm:s6], $0xF7A  }
0x23: {  	s9 =	sor.u32 $0xD0000000, s2;
	s6 =	simm.s32 $0x108;
	_ =	swait.ge @!p0 [sflag:s8], $0x0  }
0x24: {  	s3 =	sadd.s32 $0x88, s3;
	s6 =	simm.s32 @!p1 $0x1082;
	[sflag:s4] =	ssyncset.s32 $0xFFFFF086  }
0x25: {  	[simem:s6], [sflag:s4] =	dma.local [hbm:s3], $0xF7A  }
0x26: {  	[smem:$0x3F99] =	sst s1;
	(tag) =	ssettag s2;
	_ =	strace s9  }
0x27: {  	s1 =	sld [smem:$0x3FA9]  }
0x28: {  	s2 =	sld [smem:$0x3FAA]  }
0x29: {  	s4 =	sld [smem:$0x3FAC]  }
0x2a: {  	p0 =	seq.s32 s5, $0x0;
	s5 =	sld [smem:$0x3FAD]  }
0x2b: {  	s6 =	sld [smem:$0x3FAE]  }
0x2c: {  	s7 =	sld [smem:$0x3FAF]  }
0x2d: {  	s3 =	simm.s32 $0x108;
	s8 =	sld [smem:$0x3FB0]  }
0x2e: {  	s3 =	simm.s32 @!p0 $0x1082;
	s9 =	sld [smem:$0x3FB1]  }
0x2f: {  	lr =	sadd.s32 s0, s3;
	s0 =	sld [smem:$0x3FA8]  }
0x30: {  	s3 =	sld [smem:$0x3FAB]  }
0x31: {  	[smem:$0x3FB4] =	sst s10  }
0x32: {  	s10 =	sld [smem:$0x3FB2];
	_ =	sdelay $0x3  }
0x33: {  	p0 =	seq.s32 s10, $0x1;
	s10 =	sld [smem:$0x3FB4];
	_ =	sdelay $0x3  }
0x34: {  	[smem:$0x3FB4] =	sst s10  }
0x35: {  	s10 =	sld [smem:$0x3FB3];
	_ =	sdelay $0x3  }
0x36: {  	p1 =	seq.s32 s10, $0x1;
	s10 =	sld [smem:$0x3FB4];
	_ =	sdelay $0x3  }
0x37: {  	[smem:$0x3FB4] =	sst s10  }
0x38: {  	s10 =	sld [smem:$0x3FB5]  }
0x39: {  	_ = 	snop;
	(pc) =	sbr.ind lr, $3  }
0x3a: {  	_ = 	snop  }
0x3b: {  	_ = 	snop  }
0x3c: {  	p2 =	seq.s32 s10, $0x1;
	s10 =	sld [smem:$0x3FB4]  }
0x3d: {  	_ =	shalt  }
0x3e: {  	_ =	shalt  }
0x3f: {  	_ =	shalt  }
0x40: {  	_ =	shalt  }
0x41: {  	_ =	shalt  }
0x42: {  	_ =	shalt  }
0x43: {  	_ =	shalt  }
0x44: {  	_ =	shalt  }
0x45: {  	_ =	shalt  }
0x46: {  	_ =	shalt  }
0x47: {  	_ =	shalt  }
0x48: {  	_ =	shalt  }
0x49: {  	_ =	shalt  }
0x4a: {  	_ =	shalt  }
0x4b: {  	_ =	shalt  }
0x4c: {  	_ =	shalt  }
0x4d: {  	_ =	shalt  }
0x4e: {  	_ =	shalt  }
0x4f: {  	_ =	shalt  }
0x50: {  	_ =	shalt  }
0x51: {  	_ =	shalt  }
0x52: {  	_ =	shalt  }
0x53: {  	_ =	shalt  }
0x54: {  	_ =	shalt  }
0x55: {  	_ =	shalt  }
0x56: {  	_ =	shalt  }
0x57: {  	_ =	shalt  }
0x58: {  	_ =	shalt  }
0x59: {  	_ =	shalt  }
0x5a: {  	_ =	shalt  }
0x5b: {  	_ =	shalt  }
0x5c: {  	_ =	shalt  }
0x5d: {  	_ =	shalt  }
0x5e: {  	_ =	shalt  }
0x5f: {  	_ =	shalt  }
0x60: {  	_ =	shalt  }
0x61: {  	_ =	shalt  }
0x62: {  	_ =	shalt  }
0x63: {  	_ =	shalt  }
0x64: {  	_ =	shalt  }
0x65: {  	_ =	shalt  }
0x66: {  	_ =	shalt  }
0x67: {  	_ =	shalt  }
0x68: {  	_ =	shalt  }
0x69: {  	_ =	shalt  }
0x6a: {  	_ =	shalt  }
0x6b: {  	_ =	shalt  }
0x6c: {  	_ =	shalt  }
0x6d: {  	_ =	shalt  }
0x6e: {  	_ =	shalt  }
0x6f: {  	_ =	shalt  }
0x70: {  	_ =	shalt  }
0x71: {  	_ =	shalt  }
0x72: {  	_ =	shalt  }
0x73: {  	_ =	shalt  }
0x74: {  	_ =	shalt  }
0x75: {  	_ =	shalt  }
0x76: {  	_ =	shalt  }
0x77: {  	_ =	shalt  }
0x78: {  	_ =	shalt  }
0x79: {  	_ =	shalt  }
0x7a: {  	_ =	shalt  }
0x7b: {  	_ =	shalt  }
0x7c: {  	_ =	shalt  }
0x7d: {  	_ =	shalt  }
0x7e: {  	_ =	shalt  }
0x7f: {  	_ =	shalt  }
0x80: {  	_ =	shalt  }
0x81: {  	_ =	shalt  }
0x82: {  	_ =	shalt  }
0x83: {  	_ =	shalt  }
0x84: {  	_ =	shalt  }
0x85: {  	_ =	shalt  }
0x86: {  	_ =	shalt  }
0x87: {  	_ =	shalt  }
.Lfunc_end0:
.L_simem_size_0:
called_computation.1_lowered:
.L_overlay_start_0:
0x88: {  	s2 =	sld [smem:$0x3FD9]  }
0x89: {  	s3 =	sld [smem:$0x3FFE];
	_ =	sdelay $0x1  }
0x8a: {  	s1 =	srdreg.scid  }
0x8b: {  	s0 =	sand.u32 $0x1, s1  }
0x8c: {  	s16 =	sshll.u32 s0, $0xA;
	s2 =	sadd.s32 s3, s2  }
0x8d: {  	s2 =	sadd.s32 s2, s16  }
0x8e: {  	[smem:$0x3FC0] =	sst s2  }
0x8f: {  	_ = 	snop  }
0x90: {  	(tm) =	ssettm $0x1  }
0x91: {  	s17 =	sld [smem:$0x3FFB];
	_ =	sdelay $0x3  }
0x92: {  	_ =	strace s17  }
0x93: {  	s2 =	sld [smem:$0x3FFC];
	_ =	sdelay $0x3  }
0x94: {  	_ =	strace s2  }
0x95: {  	s2 =	sld [smem:$0x3FFD];
	_ =	sdelay $0x3  }
0x96: {  	_ =	strace s2  }
0x97: {  	_ =	strace $0x8FFFFFFF  }
0x98: {  	s18 =	sld [smem:$0x3FDB];
	_ =	sdelay $0x1  }
0x99: {  	s19 =	simm.s32 $_scs_section_size  }
0x9a: {  	s4 =	simm.s32 $_size__tile_overlayer_lowered;
	s5 =	simm.s32 $_tile_overlayer_lowered  }
0x9b: {  	s22 =	simm.s32 $0x1BFF;
	s21 =	sshll.u32 s5, $0x1;
	s2 =	sadd.s32 s19, s18  }
0x9c: {  	s6 =	simm.s32 $0x0;
	s20 =	sshll.u32 s4, $0x1;
	s4 =	sadd.s32 s21, s2  }
0x9d: {  	[timem:s6], [sflag:s22] =	dma.local [hbm:s4], s20  }
0x9e: {  	_ =	swait.ge [sflag:s22], s20  }
0x9f: {  	s3 =	ssub.s32 $0x0, s20;
	[sflag:s22] =	ssyncset.done $0x0  }
0xa0: {  	[sflag:s22] =	ssyncadd.s32 s3;
	_ =	sdelay $0x1  }
0xa1: {  	s23 =	simm.s32 $0x1B8B  }
0xa2: {  	_ =	swait.ge [sflag:s23], $0x1  }
0xa3: {  	[sflag:s23] =	ssyncset.done $0x0  }
0xa4: {  	s25 =	simm.s32 $0x1B8E;
	s24 =	sld [smem:$0x3FFE];
	[sflag:s23] =	ssyncadd.s32 $0xFFFFFFFF  }
0xa5: {  	s26 =	simm.s32 $execute0_lowered;
	[smem:$0x3FD2] =	sst s25  }
0xa6: {  	s4 =	sshll.u32 s26, $0x1;
	_ =	strace $0x80000049;
	[dreg:$0x1] =	wrdreg $0xFFFFFFFF  }
0xa7: {  	s28 =	simm.s32 $_size_execute0_lowered;
	s2 =	sadd.s32 s2, s4;
	[dreg:$0x0] =	wrdreg $0x0  }
0xa8: {  	s4 =	sshll.u32 s28, $0x1;
	[dreg:$0x2] =	wrdreg s2  }
0xa9: {  	[dreg:$0x3] =	wrdreg s4  }
0xaa: {  	[dreg:$0x4] =	wrdreg $0xC0  }
0xab: {  	_ =	task [dreg:s6], $0x5FFFF  }
0xac: {  	[dreg:$0x1] =	wrdreg $0xFFFFFFFF  }
0xad: {  	[dreg:$0x0] =	wrdreg $0x60  }
0xae: {  	[dreg:$0x2] =	wrdreg s24  }
0xaf: {  	[dreg:$0x3] =	wrdreg $0xB4000  }
0xb0: {  	[dreg:$0x4] =	wrdreg $0x9  }
0xb1: {  	_ =	task.clear_ibuf [dreg:s6], $0x5FFFF;
	_ =	strace $0x90000049  }
0xb2: {  	s29 =	simm.s32 $0x9;
	_ =	strace $0x8000004B  }
0xb3: {  	_ =	swait.ge [sflag:s29], $0x1  }
0xb4: {  	[sflag:s29] =	ssyncadd.s32 $0xFFFFFFFF  }
0xb5: {  	_ =	strace $0x9000004B  }
0xb6: {  	_ =	sfence  }
0xb7: {  	s30 =	sld [smem:$0x0];
	_ =	sdelay $0x2  }
0xb8: {  	s31 =	sshll.u32 s1, $0xD;
	s1 =	sshrl.u32 s1, $0x2  }
0xb9: {  	s3 =	sand.u32 $0x4000, s31;
	s1 =	sadd.s32 s1, s30  }
0xba: {  	s0 =	sor.u32 s3, s0;
	s1 =	sshll.u32 s1, $0x11  }
0xbb: {  	s0 =	sor.u32 s1, s0  }
0xbc: {  	s0 =	sadd.s32 $0x8F2B, s0  }
0xbd: {  	[sflag:s0] =	ssyncadd.remote.s32 $0x1  }
0xbe: {  	_ =	sfence.sel $0xFFFF  }
0xbf: {  	[dreg:$0x0] =	wrdreg $0xFFFFFFFF;
	(pc) =	sbr.abs _section_cstart, $3  }
0xc0: {  	[dreg:$0x1] =	wrdreg $0xFFFFFFFF  }
0xc1: {  	_ =	task.clear_ibuf [dreg:s6], $0x2FFFF;
	_ =	strace $0x9FFFFFFF  }
0xc2: {  	(tm) =	ssettm $0x7FFFFFFF  }
0xc3: {  	_ =	shalt  }
tec
execute0_lowered:
.L_overlay_start_1:
0x0: {  	(tag) =	ssettag $0x1  }
0x1: {  	s0 =	rddreg [dreg:$0x0]  }
0x2: {  	s1 =	rddreg [dreg:$0x1];
	s11 =	stileid.u32  }
0x3: {  	s2 =	srdreg.scid;
	s3 =	simm.s32 $0x0;
	s5 =	smul.u32 $0x14000, s11  }
0x4: {  	s2 =	sand.u32 $0x1, s2;
	[smem:$0x7FF] =	sst s3;
	s8 =	smul.u32 $0x50000, s11  }
0x5: {  	s6 =	sadd.s32 $0x2600, s0;
	s7 =	sadd.s32 $0x16200, s0;
	s4 =	smul.u32 $0x140000, s2  }
0x6: {  	_ =	strace $0x8000004A;
	s28 =	ssub.s32 $0x2, s2;
	s9 =	sshll.u32 s2, $0x4  }
0x7: {  	s10 =	sshrl.u32 s28, $0x1;
	s8 =	sshrl.u32 s8, $0x2;
	s5 =	sadd.s32 s5, s4  }
0x8: {  	s4 =	sadd.s32 $0x20000, s0;
	s10 =	ssub.s32 s28, s10;
	s5 =	sshrl.u32 s5, $0x3  }
0x9: {  	s23 =	smax.u32 s10, $0x1;
	s0 =	sadd.s32 s5, s0;
	s5 =	sadd.s32 s8, s1  }
0xa: {  	s2 =	smul.u32 $0x27100, s2;
	[dreg:$0x16] =	wrdreg s23;
	s8 =	sadd.s32 $0x1000, s5  }
0xb: {  	s9 =	sor.u32 s11, s9;
	s29 =	sadd.s32 $0x2000, s5;
	[dreg:$0x3] =	wrdreg s8  }
0xc: {  	s11 =	smul.u32 $0x2710, s11;
	s30 =	sadd.s32 $0x3000, s5;
	[dreg:$0x4] =	wrdreg s29  }
0xd: {  	s9 =	smul.u32 $0x2710, s9;
	s31 =	sadd.s32 $0x4000, s5;
	[dreg:$0x5] =	wrdreg s30  }
0xe: {  	s2 =	sadd.s32 s11, s2;
	s12 =	sadd.s32 $0x5000, s5;
	[dreg:$0x6] =	wrdreg s31  }
0xf: {  	s10 =	simm.s32 $0x1;
	s13 =	sadd.s32 $0x6000, s5;
	[dreg:$0x7] =	wrdreg s12  }
0x10: {  	s15 =	sshrl.u32 s9, $0x3;
	s14 =	sadd.s32 $0x7000, s5;
	[dreg:$0x8] =	wrdreg s13  }
0x11: {  	s11 =	simm.s32 $0x1000;
	s9 =	sadd.s32 s6, s15;
	[dreg:$0x9] =	wrdreg s14  }
0x12: {  	s2 =	sadd.s32 $0x140, s2;
	s22 =	sadd.s32 $0x8000, s5;
	[dreg:$0xa] =	wrdreg s9  }
0x13: {  	s23 =	simm.s32 $0x8;
	s0 =	sadd.s32 $0x47200, s0;
	[dreg:$0x14] =	wrdreg s22  }
0x14: {  	s16 =	sadd.s32 $0xA, s15;
	s24 =	sadd.s32 $0x9000, s5;
	[dreg:$0x15] =	wrdreg s0  }
0x15: {  	s18 =	sadd.s32 $0x14, s15;
	s25 =	sadd.s32 $0xA000, s5;
	[dreg:$0x17] =	wrdreg s24  }
0x16: {  	s2 =	sshrl.u32 s2, $0x3;
	s26 =	sadd.s32 $0xB000, s5;
	[dreg:$0x18] =	wrdreg s25  }
0x17: {  	s28 =	sadd.s32 $0xC000, s5;
	s12 =	sadd.s32 s7, s15;
	[dreg:$0x19] =	wrdreg s26  }
0x18: {  	s17 =	sadd.s32 s6, s16;
	s9 =	sadd.s32 s7, s16;
	[dreg:$0x1a] =	wrdreg s28  }
0x19: {  	s19 =	sadd.s32 s6, s18;
	s20 =	sadd.s32 s7, s18;
	[dreg:$0xb] =	wrdreg s12  }
0x1a: {  	s8 =	sadd.s32 $0x1E, s15;
	s29 =	sadd.s32 $0xD000, s5;
	[dreg:$0xc] =	wrdreg s17  }
0x1b: {  	s30 =	sadd.s32 $0xE000, s5;
	s31 =	sadd.s32 $0xF000, s5;
	[dreg:$0xd] =	wrdreg s9  }
0x1c: {  	s13 =	simm.s32 $0x50;
	s14 =	simm.s32 $0x1400;
	[dreg:$0xe] =	wrdreg s19  }
0x1d: {  	s15 =	simm.s32 $0x1080;
	s16 =	simm.s32 $0x1280;
	[dreg:$0xf] =	wrdreg s20  }
0x1e: {  	s18 =	simm.s32 $0x2;
	s24 =	simm.s32 $0x6;
	[dreg:$0x1b] =	wrdreg s29  }
0x1f: {  	s22 =	simm.s32 $0xA;
	s25 =	simm.s32 $0x0;
	[dreg:$0x1c] =	wrdreg s30  }
0x20: {  	s21 =	sadd.s32 s6, s8;
	s8 =	sadd.s32 s7, s8;
	[dreg:$0x1d] =	wrdreg s31  }
0x21: {  	s7 =	sadd.s32 s2, s7;
	s2 =	sadd.s32 s2, s6;
	[dreg:$0x10] =	wrdreg s21  }
0x22: {  	s6 =	sadd.s32 $0x10000, s5;
	s9 =	sadd.s32 $0x13000, s5;
	[dreg:$0x11] =	wrdreg s8  }
0x23: {  	s12 =	simm.s32 $0x1200;
	s17 =	simm.s32 $0x3C00;
	[dreg:$0x12] =	wrdreg s7  }
0x24: {  	s19 =	simm.s32 $0x1100;
	s20 =	simm.s32 $0x3;
	[dreg:$0x13] =	wrdreg s2  }
0x25: {  	v0 =	vimm.f32 $0.0e+00;
	s7 =	sadd.s32 $0x11000, s5;
	s8 =	sadd.s32 $0x12000, s5;
	s21 =	simm.s32 $0x9  }
.LBB2_1:
0x26: {  	s26 =	simm.s32 $0x0;
	s28 =	simm.s32 $0x200  }
.LBB2_2:
0x27: {  	p0 =	sne.s32 s28, $0x3E00;
	[tilespmem:s26+$0x70] =	vst v0  }
0x28: {  	[tilespmem:s26+$0x0] =	vst v0  }
0x29: {  	[tilespmem:s26+$0x10] =	vst v0  }
.Ltmp0:
0x2a: {  	[tilespmem:s26+$0x20] =	vst v0;
	(pc) =	sbr.rel @p0 .LBB2_2-.Ltmp0, $4  }
0x2b: {  	[tilespmem:s26+$0x30] =	vst v0  }
0x2c: {  	[tilespmem:s26+$0x40] =	vst v0  }
0x2d: {  	[tilespmem:s26+$0x50] =	vst v0  }
0x2e: {  	[tilespmem:s26+$0x60] =	vst v0;
	s26 =	sshra.s32 s28, $0x2;
	s28 =	sadd.s32 $0x200, s28  }
0x2f: {  	[tilespmem:s26+$0x70] =	vst v0  }
0x30: {  	[tilespmem:s26+$0x0] =	vst v0  }
0x31: {  	[tilespmem:s26+$0x10] =	vst v0  }
0x32: {  	[tilespmem:s26+$0x20] =	vst v0  }
0x33: {  	[tilespmem:s26+$0x30] =	vst v0  }
0x34: {  	[tilespmem:s26+$0x40] =	vst v0  }
0x35: {  	[tilespmem:s26+$0x50] =	vst v0  }
0x36: {  	[tilespmem:s26+$0x60] =	vst v0  }
0x37: {  	[spmem:s5] =	stream.linear.scatter [tilespmem:s3], [sflag:$0x1], $0x1000, $0x38;
	[tilespmem:$0x1F400] =	vst v63  }
0x38: {  	s0 =	rddreg [dreg:$0x3]  }
0x39: {  	[spmem:s0] =	stream.linear.scatter [tilespmem:s3], [sflag:$0x1], $0x1000, $0x38;
	[tilespmem:$0x1F400] =	vst v63  }
0x3a: {  	s31 =	rddreg [dreg:$0x4]  }
0x3b: {  	[spmem:s31] =	stream.linear.scatter [tilespmem:s3], [sflag:$0x1], $0x1000, $0x38;
	[tilespmem:$0x1F400] =	vst v63  }
0x3c: {  	s2 =	rddreg [dreg:$0x5]  }
0x3d: {  	[spmem:s2] =	stream.linear.scatter [tilespmem:s3], [sflag:$0x1], $0x1000, $0x38;
	[tilespmem:$0x1F400] =	vst v63  }
0x3e: {  	s26 =	rddreg [dreg:$0x6]  }
0x3f: {  	[spmem:s26] =	stream.linear.scatter [tilespmem:s3], [sflag:$0x1], $0x1000, $0x38;
	[tilespmem:$0x1F400] =	vst v63  }
0x40: {  	s30 =	rddreg [dreg:$0x7]  }
0x41: {  	[spmem:s30] =	stream.linear.scatter [tilespmem:s3], [sflag:$0x1], $0x1000, $0x38;
	[tilespmem:$0x1F400] =	vst v63  }
0x42: {  	s31 =	rddreg [dreg:$0x8]  }
0x43: {  	[spmem:s31] =	stream.linear.scatter [tilespmem:s3], [sflag:$0x1], $0x1000, $0x38;
	[tilespmem:$0x1F400] =	vst v63  }
0x44: {  	s2 =	rddreg [dreg:$0x9]  }
0x45: {  	[spmem:s2] =	stream.linear.scatter [tilespmem:s3], [sflag:$0x1], $0x1000, $0x38;
	[tilespmem:$0x1F400] =	vst v63  }
0x46: {  	s26 =	rddreg [dreg:$0x14]  }
0x47: {  	[spmem:s26] =	stream.linear.scatter [tilespmem:s3], [sflag:$0x1], $0x1000, $0x38;
	[tilespmem:$0x1F400] =	vst v63  }
0x48: {  	s30 =	rddreg [dreg:$0x17]  }
0x49: {  	[spmem:s30] =	stream.linear.scatter [tilespmem:s3], [sflag:$0x1], $0x1000, $0x38;
	[tilespmem:$0x1F400] =	vst v63  }
0x4a: {  	s31 =	rddreg [dreg:$0x18]  }
0x4b: {  	[spmem:s31] =	stream.linear.scatter [tilespmem:s3], [sflag:$0x1], $0x1000, $0x38;
	[tilespmem:$0x1F400] =	vst v63  }
0x4c: {  	s2 =	rddreg [dreg:$0x19]  }
0x4d: {  	[spmem:s2] =	stream.linear.scatter [tilespmem:s3], [sflag:$0x1], $0x1000, $0x38;
	[tilespmem:$0x1F400] =	vst v63  }
0x4e: {  	s26 =	rddreg [dreg:$0x1a]  }
0x4f: {  	[spmem:s26] =	stream.linear.scatter [tilespmem:s3], [sflag:$0x1], $0x1000, $0x38;
	[tilespmem:$0x1F400] =	vst v63  }
0x50: {  	s30 =	rddreg [dreg:$0x1b]  }
0x51: {  	[spmem:s30] =	stream.linear.scatter [tilespmem:s3], [sflag:$0x1], $0x1000, $0x38;
	[tilespmem:$0x1F400] =	vst v63  }
0x52: {  	s31 =	rddreg [dreg:$0x1c]  }
0x53: {  	[spmem:s31] =	stream.linear.scatter [tilespmem:s3], [sflag:$0x1], $0x1000, $0x38;
	[tilespmem:$0x1F400] =	vst v63  }
0x54: {  	s2 =	rddreg [dreg:$0x1d]  }
0x55: {  	[spmem:s2] =	stream.linear.scatter [tilespmem:s3], [sflag:$0x1], $0x1000, $0x38;
	[tilespmem:$0x1F400] =	vst v63  }
0x56: {  	_ = 	snop  }
0x57: {  	[spmem:s6] =	stream.linear.scatter [tilespmem:s3], [sflag:$0x1], $0x1000, $0x38;
	[tilespmem:$0x1F400] =	vst v63  }
0x58: {  	_ = 	snop  }
0x59: {  	[spmem:s7] =	stream.linear.scatter [tilespmem:s3], [sflag:$0x1], $0x1000, $0x38;
	[tilespmem:$0x1F400] =	vst v63  }
0x5a: {  	_ = 	snop  }
0x5b: {  	[spmem:s8] =	stream.linear.scatter [tilespmem:s3], [sflag:$0x1], $0x1000, $0x38;
	[tilespmem:$0x1F400] =	vst v63  }
0x5c: {  	_ = 	snop  }
0x5d: {  	[spmem:s9] =	stream.linear.scatter [tilespmem:s3], [sflag:$0x1], $0x1000, $0x38;
	[tilespmem:$0x1F400] =	vst v63  }
0x5e: {  	_ =	swait.ge [sflag:s10], $0x1000  }
0x5f: {  	[sflag:s10] =	ssyncset.done $0x0  }
0x60: {  	[sflag:s10] =	ssyncadd.s32 $0xFFFFF000  }
0x61: {  	_ =	swait.ge [sflag:s10], $0x1000  }
0x62: {  	[sflag:s10] =	ssyncset.done $0x0  }
0x63: {  	[sflag:s10] =	ssyncadd.s32 $0xFFFFF000  }
0x64: {  	_ =	swait.ge [sflag:s10], $0x1000  }
0x65: {  	[sflag:s10] =	ssyncset.done $0x0  }
0x66: {  	[sflag:s10] =	ssyncadd.s32 $0xFFFFF000  }
0x67: {  	_ =	swait.ge [sflag:s10], $0x1000  }
0x68: {  	[sflag:s10] =	ssyncset.done $0x0  }
0x69: {  	[sflag:s10] =	ssyncadd.s32 $0xFFFFF000  }
0x6a: {  	_ =	swait.ge [sflag:s10], $0x1000  }
0x6b: {  	[sflag:s10] =	ssyncset.done $0x0  }
0x6c: {  	[sflag:s10] =	ssyncadd.s32 $0xFFFFF000  }
0x6d: {  	_ =	swait.ge [sflag:s10], $0x1000  }
0x6e: {  	[sflag:s10] =	ssyncset.done $0x0  }
0x6f: {  	[sflag:s10] =	ssyncadd.s32 $0xFFFFF000  }
0x70: {  	_ =	swait.ge [sflag:s10], $0x1000  }
0x71: {  	[sflag:s10] =	ssyncset.done $0x0  }
0x72: {  	[sflag:s10] =	ssyncadd.s32 $0xFFFFF000  }
0x73: {  	_ =	swait.ge [sflag:s10], $0x1000  }
0x74: {  	[sflag:s10] =	ssyncset.done $0x0  }
0x75: {  	[sflag:s10] =	ssyncadd.s32 $0xFFFFF000  }
0x76: {  	_ =	swait.ge [sflag:s10], $0x1000  }
0x77: {  	[sflag:s10] =	ssyncset.done $0x0  }
0x78: {  	[sflag:s10] =	ssyncadd.s32 $0xFFFFF000  }
0x79: {  	_ =	swait.ge [sflag:s10], $0x1000  }
0x7a: {  	[sflag:s10] =	ssyncset.done $0x0  }
0x7b: {  	[sflag:s10] =	ssyncadd.s32 $0xFFFFF000  }
0x7c: {  	_ =	swait.ge [sflag:s10], $0x1000  }
0x7d: {  	[sflag:s10] =	ssyncset.done $0x0  }
0x7e: {  	[sflag:s10] =	ssyncadd.s32 $0xFFFFF000  }
0x7f: {  	_ =	swait.ge [sflag:s10], $0x1000  }
0x80: {  	[sflag:s10] =	ssyncset.done $0x0  }
0x81: {  	[sflag:s10] =	ssyncadd.s32 $0xFFFFF000  }
0x82: {  	_ =	swait.ge [sflag:s10], $0x1000  }
0x83: {  	[sflag:s10] =	ssyncset.done $0x0  }
0x84: {  	[sflag:s10] =	ssyncadd.s32 $0xFFFFF000  }
0x85: {  	_ =	swait.ge [sflag:s10], $0x1000  }
0x86: {  	[sflag:s10] =	ssyncset.done $0x0  }
0x87: {  	[sflag:s10] =	ssyncadd.s32 $0xFFFFF000  }
0x88: {  	_ =	swait.ge [sflag:s10], $0x1000  }
0x89: {  	[sflag:s10] =	ssyncset.done $0x0  }
0x8a: {  	[sflag:s10] =	ssyncadd.s32 $0xFFFFF000  }
0x8b: {  	_ =	swait.ge [sflag:s10], $0x1000  }
0x8c: {  	[sflag:s10] =	ssyncset.done $0x0  }
0x8d: {  	[sflag:s10] =	ssyncadd.s32 $0xFFFFF000  }
0x8e: {  	_ =	swait.ge [sflag:s10], $0x1000  }
0x8f: {  	[sflag:s10] =	ssyncset.done $0x0  }
0x90: {  	[sflag:s10] =	ssyncadd.s32 $0xFFFFF000  }
0x91: {  	_ =	swait.ge [sflag:s10], $0x1000  }
0x92: {  	[sflag:s10] =	ssyncset.done $0x0  }
0x93: {  	[sflag:s10] =	ssyncadd.s32 $0xFFFFF000  }
0x94: {  	_ =	swait.ge [sflag:s10], $0x1000  }
0x95: {  	[sflag:s10] =	ssyncset.done $0x0  }
0x96: {  	[sflag:s10] =	ssyncadd.s32 $0xFFFFF000  }
0x97: {  	_ =	swait.ge [sflag:s10], $0x1000  }
0x98: {  	[sflag:s10] =	ssyncset.done $0x0  }
0x99: {  	s26 =	rddreg [dreg:$0xa];
	[sflag:s10] =	ssyncadd.s32 $0xFFFFF000  }
0x9a: {  	[tilespmem:s11], [sflag:$0x1] =	stream.linear.gather [hbm4b:s26+s3], $0x50, $0x38;
	[tilespmem:$0x1F400] =	vst v63  }
0x9b: {  	s30 =	rddreg [dreg:$0xb]  }
0x9c: {  	[tilespmem:s12], [sflag:$0x1] =	stream.linear.gather [hbm4b:s30+s3], $0x50, $0x38;
	[tilespmem:$0x1F400] =	vst v63  }
0x9d: {  	[bflag:$0x0] =	sbarrier.arrive $0xFFFF  }
0x9e: {  	_ =	swait.ge [sflag:s10], $0x50  }
0x9f: {  	[sflag:s10] =	ssyncset.done $0x0  }
0xa0: {  	[sflag:s10] =	ssyncadd.s32 $0xFFFFFFB0  }
0xa1: {  	_ =	swait.ge [sflag:s10], $0x50  }
0xa2: {  	[sflag:s10] =	ssyncset.done $0x0  }
0xa3: {  	[sflag:s10] =	ssyncadd.s32 $0xFFFFFFB0  }
0xa4: {  	[tilespmem:s14], [sflag:$0x2] =	stream.indirect.gather [hbm4b:s4+s13], $0x80, s11, s13, $0xb8;
	[tilespmem:$0x1F400] =	vst v63  }
0xa5: {  	s31 =	rddreg [dreg:$0xc]  }
0xa6: {  	[tilespmem:s15], [sflag:$0x1] =	stream.linear.gather [hbm4b:s31+s3], $0x50, $0x38;
	[tilespmem:$0x1F400] =	vst v63  }
0xa7: {  	s2 =	rddreg [dreg:$0xd]  }
0xa8: {  	[tilespmem:s16], [sflag:$0x1] =	stream.linear.gather [hbm4b:s2+s3], $0x50, $0x38;
	[tilespmem:$0x1F400] =	vst v63  }
0xa9: {  	_ =	swait.ge [sflag:s10], $0x50  }
0xaa: {  	[sflag:s10] =	ssyncset.done $0x0  }
0xab: {  	[sflag:s10] =	ssyncadd.s32 $0xFFFFFFB0  }
0xac: {  	_ =	swait.ge [sflag:s10], $0x50  }
0xad: {  	[sflag:s10] =	ssyncset.done $0x0  }
0xae: {  	[sflag:s10] =	ssyncadd.s32 $0xFFFFFFB0  }
0xaf: {  	[tilespmem:s17], [sflag:$0x3] =	stream.indirect.gather [hbm4b:s4+s13], $0x80, s15, s13, $0xb8;
	[tilespmem:$0x1F400] =	vst v63  }
0xb0: {  	_ =	swait.ge [sflag:s18], $0x2800  }
0xb1: {  	[sflag:s18] =	ssyncset.done $0x0  }
0xb2: {  	[sflag:s18] =	ssyncadd.s32 $0xFFFFD800  }
0xb3: {  	[spmem:s1] =	stream.indirect.scatter.add.f32 [tilespmem:s14], [sflag:$0x6], $0x80, s12, s13, $0xb8;
	[tilespmem:$0x1F400] =	vst v63  }
0xb4: {  	s26 =	rddreg [dreg:$0xe]  }
0xb5: {  	[tilespmem:s19], [sflag:$0x1] =	stream.linear.gather [hbm4b:s26+s3], $0x50, $0x38;
	[tilespmem:$0x1F400] =	vst v63  }
0xb6: {  	s2 =	simm.s32 $0x1300;
	s30 =	rddreg [dreg:$0xf]  }
0xb7: {  	[tilespmem:s2], [sflag:$0x1] =	stream.linear.gather [hbm4b:s30+s3], $0x50, $0x38;
	[tilespmem:$0x1F400] =	vst v63  }
0xb8: {  	_ =	swait.ge [sflag:s10], $0x50  }
0xb9: {  	[sflag:s10] =	ssyncset.done $0x0  }
0xba: {  	[sflag:s10] =	ssyncadd.s32 $0xFFFFFFB0  }
0xbb: {  	_ =	swait.ge [sflag:s10], $0x50  }
0xbc: {  	[sflag:s10] =	ssyncset.done $0x0  }
0xbd: {  	s31 =	simm.s32 $0x6400;
	[sflag:s10] =	ssyncadd.s32 $0xFFFFFFB0  }
0xbe: {  	[tilespmem:s31], [sflag:$0x4] =	stream.indirect.gather [hbm4b:s4+s13], $0x80, s19, s13, $0xb8;
	[tilespmem:$0x1F400] =	vst v63  }
0xbf: {  	_ =	swait.ge [sflag:s20], $0x2800  }
0xc0: {  	[sflag:s20] =	ssyncset.done $0x0;
	s2 =	rddreg [dreg:$0x10]  }
0xc1: {  	s30 =	rddreg [dreg:$0x11];
	[sflag:s20] =	ssyncadd.s32 $0xFFFFD800  }
0xc2: {  	[spmem:s1] =	stream.indirect.scatter.add.f32 [tilespmem:s17], [sflag:$0x7], $0x80, s16, s13, $0xb8;
	[tilespmem:$0x1F400] =	vst v63  }
0xc3: {  	s26 =	simm.s32 $0x1180;
	s28 =	rddreg [dreg:$0x13]  }
0xc4: {  	[tilespmem:s26], [sflag:$0x1] =	stream.linear.gather [hbm4b:s2+s3], $0x50, $0x38;
	[tilespmem:$0x1F400] =	vst v63  }
0xc5: {  	s31 =	simm.s32 $0x1380;
	s29 =	rddreg [dreg:$0x12];
	s26 =	simm.s32 $0x6  }
0xc6: {  	[tilespmem:s31], [sflag:$0x1] =	stream.linear.gather [hbm4b:s30+s3], $0x50, $0x38;
	[tilespmem:$0x1F400] =	vst v63  }
.LBB2_4:
0xc7: {  	s30 =	sadd.s32 $0xFFFFFFFD, s26;
	_ =	swait.ge [sflag:s10], $0x50  }
0xc8: {  	s30 =	sand.u32 $0x3, s30;
	[sflag:s10] =	ssyncset.done $0x0  }
0xc9: {  	[sflag:s10] =	ssyncadd.s32 $0xFFFFFFB0;
	s31 =	smul.u32 $0xA000, s30  }
0xca: {  	s0 =	sshll.u32 s30, $0x7;
	_ =	swait.ge [sflag:s10], $0x50  }
0xcb: {  	s30 =	sadd.s32 $0x2, s30;
	[sflag:s10] =	ssyncset.done $0x0;
	s31 =	sshrl.u32 s31, $0x2  }
0xcc: {  	s0 =	sor.u32 $0x1000, s0;
	[sflag:s10] =	ssyncadd.s32 $0xFFFFFFB0;
	s31 =	sadd.s32 $0x1400, s31  }
0xcd: {  	[tilespmem:s31], [sflag:s30] =	stream.indirect.gather [hbm4b:s4+s13], $0x80, s0, s13, $0xb8;
	[tilespmem:$0x1F400] =	vst v63  }
0xce: {  	s0 =	sand.u32 $0x3, s26  }
0xcf: {  	s30 =	sadd.s32 $0x2, s0  }
0xd0: {  	s31 =	sadd.s32 $0xFFFFFFFE, s26;
	s2 =	smul.u32 $0xA000, s0;
	_ =	swait.ge [sflag:s30], $0x2800  }
0xd1: {  	p0 =	seq.s32 s26, $0x7F;
	s31 =	sand.u32 $0x3, s31;
	[sflag:s30] =	ssyncset.done $0x0  }
0xd2: {  	s2 =	sshrl.u32 s2, $0x2;
	[sflag:s30] =	ssyncadd.s32 $0xFFFFD800;
	s30 =	sshll.u32 s0, $0x7  }
0xd3: {  	s2 =	sadd.s32 $0x1400, s2;
	s0 =	sadd.s32 $0x6, s0;
	s30 =	sor.u32 $0x1200, s30  }
0xd4: {  	[spmem:s1] =	stream.indirect.scatter.add.f32 [tilespmem:s2], [sflag:s0], $0x80, s30, s13, $0xb8;
	[tilespmem:$0x1F400] =	vst v63  }
0xd5: {  	s26 =	sadd.s32 @!p0 $0x1, s26;
	s30 =	sadd.s32 $0x6, s31  }
0xd6: {  	p1 =	sne.s32 @!p0 s26, $0x80;
	s2 =	sshll.u32 @!p0 s31, $0x7;
	_ =	swait.ge [sflag:s30], $0x2800  }
0xd7: {  	p1 =	por p0, !p1;
	s0 =	sor.u32 @!p0 $0x1000, s2;
	[sflag:s30] =	ssyncset.done $0x0  }
.Ltmp1:
0xd8: {  	[sflag:s30] =	ssyncadd.s32 $0xFFFFD800;
	s30 =	simm.s32 @!p0 $0x0;
	(pc) =	sbr.rel @!p1 .LBB2_4-.Ltmp1, $4  }
0xd9: {  	[tilespmem:s0], [sflag:$0x1] =	stream.linear.gather @!p0 [hbm4b:s28+s30], $0x50, $0x38;
	[tilespmem:$0x1F400] =	vst v63  }
0xda: {  	s0 =	sor.u32 @!p0 $0x1200, s2  }
0xdb: {  	[tilespmem:s0], [sflag:$0x1] =	stream.linear.gather @!p0 [hbm4b:s29+s30], $0x50, $0x38;
	[tilespmem:$0x1F400] =	vst v63  }
0xdc: {  	s28 =	sadd.s32 @!p0 $0xA, s28;
	s29 =	sadd.s32 @!p0 $0xA, s29  }
0xdd: {  	_ =	swait.ge [sflag:s18], $0x2800  }
0xde: {  	[sflag:s18] =	ssyncset.done $0x0  }
0xdf: {  	[sflag:s18] =	ssyncadd.s32 $0xFFFFD800  }
0xe0: {  	[spmem:s1] =	stream.indirect.scatter.add.f32 [tilespmem:s14], [sflag:$0x6], $0x80, s12, s13, $0xb8;
	[tilespmem:$0x1F400] =	vst v63  }
0xe1: {  	_ =	swait.ge [sflag:s23], $0x2800  }
0xe2: {  	[sflag:s23] =	ssyncset.done $0x0  }
0xe3: {  	[sflag:s23] =	ssyncadd.s32 $0xFFFFD800  }
0xe4: {  	_ =	swait.ge [sflag:s21], $0x2800  }
0xe5: {  	[sflag:s21] =	ssyncset.done $0x0  }
0xe6: {  	[sflag:s21] =	ssyncadd.s32 $0xFFFFD800  }
0xe7: {  	_ =	swait.ge [sflag:s24], $0x2800  }
0xe8: {  	[sflag:s24] =	ssyncset.done $0x0  }
0xe9: {  	s0 =	stileid.u32;
	[sflag:s24] =	ssyncadd.s32 $0xFFFFD800  }
0xea: {  	s0 =	sshll.u32 s0, $0x6;
	[bflag:$0x0] =	sbarrier.arrive $0xFFFF  }
0xeb: {  	s2 =	sshrl.u32 s5, $0x3;
	s0 =	sor.u32 $0x1C0A, s0;
	s26 =	rddreg [dreg:$0x15]  }
0xec: {  	[hbm:s26], [sflag:s0] =	dma.local [spmem:s2], $0x2800  }
0xed: {  	_ =	swait.ge [sflag:s22], $0x2800  }
0xee: {  	s25 =	sadd.s32 $0x1, s25;
	s31 =	rddreg [dreg:$0x16]  }
0xef: {  	p0 =	sne.s32 s25, s31  }
.Ltmp2:
0xf0: {  	_ = 	snop;
	(pc) =	sbr.rel @p0 .LBB2_1-.Ltmp2, $3  }
0xf1: {  	_ =	sdelay $0x1  }
0xf2: {  	[sflag:s22] =	ssyncset.done $0x0  }
0xf3: {  	[sflag:s22] =	ssyncadd.s32 $0xFFFFD800  }
0xf4: {  	_ =	sfence.sel $0x180000  }
0xf5: {  	[bflag:$0x0] =	sbarrier.arrive $0xFFFF  }
0xf6: {  	_ =	strace $0x9000004A  }
0xf7: {  	s0 =	stileid.u32;
	[bflag:$0x2] =	sbarrier.arrive $0xFFFF  }
0xf8: {  	p0 =	sne.s32 s0, $0x0;
	s0 =	rddreg [dreg:$0x2]  }
0xf9: {  	s0 =	sadd.s32 @!p0 $0x100000, s0  }
0xfa: {  	[sflag:s0] =	ssyncadd.tile.s32 @!p0 $0x1;
	_ =	shalt  }
.Lfunc_end2:
_tile_overlayer_lowered:
.L_overlay_start_2:
0xfb: {  	(tag) =	ssettag $0x2  }
0xfc: {  	s0 =	rddreg [dreg:$0x0];
	s2 =	stileid.u32  }
0xfd: {  	s1 =	rddreg [dreg:$0x1];
	p0 =	sne.s32 s2, $0x0  }
0xfe: {  	s3 =	rddreg [dreg:$0x2];
	[bflag:$0x3] =	sbarrier.arrive $0xFFFF;
	s2 =	simm.s32 @!p0 $0x1C0A  }
0xff: {  	[timem:s3], [sflag:s2] =	dma.local @!p0 [hbm:s0], s1  }
0x100: {  	s0 =	simm.s32 @!p0 $0xA  }
0x101: {  	_ =	swait.ge @!p0 [sflag:s0], s1  }
0x102: {  	s1 =	ssub.s32 @!p0 $0x0, s1;
	[sflag:s0] =	ssyncset.done @!p0 $0x0  }
0x103: {  	[sflag:s0] =	ssyncadd.s32 @!p0 s1  }
0x104: {  	[bflag:$0x3] =	sbarrier.arrive $0xFFFF  }
0x105: {  	_ =	shalt  }

// kernel: kernel.18.cloned.1.call-start
scs
__scs_entry_jumppad:
0x0: {  	(pc) =	sbr.rel $0x88, $3  }
0x1: {  	(tag) =	ssettag $0x0;
	lr =	simm.s32 $0x1  }
0x2: {  	[smem:$0x3F99] =	sst lr;
	_ =	strace $0xD0000000  }
0x3: {  	_ = 	snop  }
0x4: {  	_ = 	snop  }
0x5: {  	_ = 	snop  }
0x6: {  	_ = 	snop  }
0x7: {  	_ = 	snop  }
__scs_overlays_trampoline_lowered:
0x8: {  	[smem:$0x3FA8] =	sst s0  }
0x9: {  	[smem:$0x3FA9] =	sst s1  }
0xa: {  	[smem:$0x3FAA] =	sst s2  }
0xb: {  	[smem:$0x3FAB] =	sst s3  }
0xc: {  	[smem:$0x3FAC] =	sst s4  }
0xd: {  	[smem:$0x3FAD] =	sst s5  }
0xe: {  	[smem:$0x3FAE] =	sst s6  }
0xf: {  	[smem:$0x3FAF] =	sst s7  }
0x10: {  	[smem:$0x3FB0] =	sst s8  }
0x11: {  	[smem:$0x3FB1] =	sst s9;
	s0 =	simm.s32 @!p0 $0x0  }
0x12: {  	s1 =	sld [smem:$0x3F97];
	s0 =	simm.s32 @p0 $0x1  }
0x13: {  	[smem:$0x3FB2] =	sst s0;
	s0 =	simm.s32 @!p1 $0x0  }
0x14: {  	s2 =	sld [smem:$0x3F96];
	s0 =	simm.s32 @p1 $0x1  }
0x15: {  	[smem:$0x3FB3] =	sst s0;
	s0 =	simm.s32 @!p2 $0x0  }
0x16: {  	s3 =	sld [smem:$0x3FDB];
	s0 =	simm.s32 @p2 $0x1  }
0x17: {  	s4 =	simm.s32 $0x1BF5;
	[smem:$0x3FB5] =	sst s0  }
0x18: {  	s0 =	sld [smem:$0x3F98];
	_ =	swait.ge [sflag:s4], $0x0  }
0x19: {  	s7 =	sld [smem:$0x3F99]  }
0x1a: {  	s8 =	sadd.s32 $0xFFFFE003, lr  }
0x1b: {  	s9 =	sadd.s32 $0xFFFFFEF7, lr;
	s5 =	simm.s32 $0xFFFFFFFF;
	p2 =	slt.u32 s8, $0xFFFFF086  }
0x1c: {  	p1 =	slt.u32 s9, $0xF7A;
	s5 =	simm.s32 @!p2 $0x0  }
0x1d: {  	s5 =	simm.s32 @p1 $0x1;
	p0 =	seq.s32 s7, s2  }
0x1e: {  	s7 =	smul.u32 @!p0 $0xF7A, s2;
	p2 =	seq.s32 @!p0 s5, $0x0  }
0x1f: {  	s9 =	smul.u32 $0xF7A, s1;
	s8 =	simm.s32 @!p0 $0x1BF5;
	p2 =	por !p2, p0  }
0x20: {  	[sflag:s8] =	ssyncset.s32 @!p0 $0xFFFFF086;
	s6 =	sadd.s32 @!p0 s3, s7;
	s7 =	simm.s32 @!p0 $0x108  }
0x21: {  	s3 =	sadd.s32 s3, s9;
	s6 =	sadd.s32 @!p0 $0x88, s6;
	s7 =	simm.s32 @p2 $0x1082  }
0x22: {  	[simem:s7], [sflag:s8] =	dma.local @!p0 [hbm:s6], $0xF7A  }
0x23: {  	s9 =	sor.u32 $0xD0000000, s2;
	s6 =	simm.s32 $0x108;
	_ =	swait.ge @!p0 [sflag:s8], $0x0  }
0x24: {  	s3 =	sadd.s32 $0x88, s3;
	s6 =	simm.s32 @!p1 $0x1082;
	[sflag:s4] =	ssyncset.s32 $0xFFFFF086  }
0x25: {  	[simem:s6], [sflag:s4] =	dma.local [hbm:s3], $0xF7A  }
0x26: {  	[smem:$0x3F99] =	sst s1;
	(tag) =	ssettag s2;
	_ =	strace s9  }
0x27: {  	s1 =	sld [smem:$0x3FA9]  }
0x28: {  	s2 =	sld [smem:$0x3FAA]  }
0x29: {  	s4 =	sld [smem:$0x3FAC]  }
0x2a: {  	p0 =	seq.s32 s5, $0x0;
	s5 =	sld [smem:$0x3FAD]  }
0x2b: {  	s6 =	sld [smem:$0x3FAE]  }
0x2c: {  	s7 =	sld [smem:$0x3FAF]  }
0x2d: {  	s3 =	simm.s32 $0x108;
	s8 =	sld [smem:$0x3FB0]  }
0x2e: {  	s3 =	simm.s32 @!p0 $0x1082;
	s9 =	sld [smem:$0x3FB1]  }
0x2f: {  	lr =	sadd.s32 s0, s3;
	s0 =	sld [smem:$0x3FA8]  }
0x30: {  	s3 =	sld [smem:$0x3FAB]  }
0x31: {  	[smem:$0x3FB4] =	sst s10  }
0x32: {  	s10 =	sld [smem:$0x3FB2];
	_ =	sdelay $0x3  }
0x33: {  	p0 =	seq.s32 s10, $0x1;
	s10 =	sld [smem:$0x3FB4];
	_ =	sdelay $0x3  }
0x34: {  	[smem:$0x3FB4] =	sst s10  }
0x35: {  	s10 =	sld [smem:$0x3FB3];
	_ =	sdelay $0x3  }
0x36: {  	p1 =	seq.s32 s10, $0x1;
	s10 =	sld [smem:$0x3FB4];
	_ =	sdelay $0x3  }
0x37: {  	[smem:$0x3FB4] =	sst s10  }
0x38: {  	s10 =	sld [smem:$0x3FB5]  }
0x39: {  	_ = 	snop;
	(pc) =	sbr.ind lr, $3  }
0x3a: {  	_ = 	snop  }
0x3b: {  	_ = 	snop  }
0x3c: {  	p2 =	seq.s32 s10, $0x1;
	s10 =	sld [smem:$0x3FB4]  }
0x3d: {  	_ =	shalt  }
0x3e: {  	_ =	shalt  }
0x3f: {  	_ =	shalt  }
0x40: {  	_ =	shalt  }
0x41: {  	_ =	shalt  }
0x42: {  	_ =	shalt  }
0x43: {  	_ =	shalt  }
0x44: {  	_ =	shalt  }
0x45: {  	_ =	shalt  }
0x46: {  	_ =	shalt  }
0x47: {  	_ =	shalt  }
0x48: {  	_ =	shalt  }
0x49: {  	_ =	shalt  }
0x4a: {  	_ =	shalt  }
0x4b: {  	_ =	shalt  }
0x4c: {  	_ =	shalt  }
0x4d: {  	_ =	shalt  }
0x4e: {  	_ =	shalt  }
0x4f: {  	_ =	shalt  }
0x50: {  	_ =	shalt  }
0x51: {  	_ =	shalt  }
0x52: {  	_ =	shalt  }
0x53: {  	_ =	shalt  }
0x54: {  	_ =	shalt  }
0x55: {  	_ =	shalt  }
0x56: {  	_ =	shalt  }
0x57: {  	_ =	shalt  }
0x58: {  	_ =	shalt  }
0x59: {  	_ =	shalt  }
0x5a: {  	_ =	shalt  }
0x5b: {  	_ =	shalt  }
0x5c: {  	_ =	shalt  }
0x5d: {  	_ =	shalt  }
0x5e: {  	_ =	shalt  }
0x5f: {  	_ =	shalt  }
0x60: {  	_ =	shalt  }
0x61: {  	_ =	shalt  }
0x62: {  	_ =	shalt  }
0x63: {  	_ =	shalt  }
0x64: {  	_ =	shalt  }
0x65: {  	_ =	shalt  }
0x66: {  	_ =	shalt  }
0x67: {  	_ =	shalt  }
0x68: {  	_ =	shalt  }
0x69: {  	_ =	shalt  }
0x6a: {  	_ =	shalt  }
0x6b: {  	_ =	shalt  }
0x6c: {  	_ =	shalt  }
0x6d: {  	_ =	shalt  }
0x6e: {  	_ =	shalt  }
0x6f: {  	_ =	shalt  }
0x70: {  	_ =	shalt  }
0x71: {  	_ =	shalt  }
0x72: {  	_ =	shalt  }
0x73: {  	_ =	shalt  }
0x74: {  	_ =	shalt  }
0x75: {  	_ =	shalt  }
0x76: {  	_ =	shalt  }
0x77: {  	_ =	shalt  }
0x78: {  	_ =	shalt  }
0x79: {  	_ =	shalt  }
0x7a: {  	_ =	shalt  }
0x7b: {  	_ =	shalt  }
0x7c: {  	_ =	shalt  }
0x7d: {  	_ =	shalt  }
0x7e: {  	_ =	shalt  }
0x7f: {  	_ =	shalt  }
0x80: {  	_ =	shalt  }
0x81: {  	_ =	shalt  }
0x82: {  	_ =	shalt  }
0x83: {  	_ =	shalt  }
0x84: {  	_ =	shalt  }
0x85: {  	_ =	shalt  }
0x86: {  	_ =	shalt  }
0x87: {  	_ =	shalt  }
.Lfunc_end0:
.L_simem_size_0:
called_computation.2_lowered:
.L_overlay_start_0:
0x88: {  	s2 =	sld [smem:$0x3FD9]  }
0x89: {  	s3 =	sld [smem:$0x3FFE];
	_ =	sdelay $0x1  }
0x8a: {  	s1 =	srdreg.scid  }
0x8b: {  	s0 =	sand.u32 $0x1, s1  }
0x8c: {  	s16 =	sshll.u32 s0, $0xA;
	s2 =	sadd.s32 s3, s2  }
0x8d: {  	s2 =	sadd.s32 s2, s16  }
0x8e: {  	[smem:$0x3FC0] =	sst s2  }
0x8f: {  	_ = 	snop  }
0x90: {  	(tm) =	ssettm $0x1  }
0x91: {  	s17 =	sld [smem:$0x3FFB];
	_ =	sdelay $0x3  }
0x92: {  	_ =	strace s17  }
0x93: {  	s2 =	sld [smem:$0x3FFC];
	_ =	sdelay $0x3  }
0x94: {  	_ =	strace s2  }
0x95: {  	s2 =	sld [smem:$0x3FFD];
	_ =	sdelay $0x3  }
0x96: {  	_ =	strace s2  }
0x97: {  	_ =	strace $0x8FFFFFFF  }
0x98: {  	s18 =	sld [smem:$0x3FDB];
	_ =	sdelay $0x1  }
0x99: {  	s19 =	simm.s32 $_scs_section_size  }
0x9a: {  	s4 =	simm.s32 $_size__tile_overlayer_lowered;
	s5 =	simm.s32 $_tile_overlayer_lowered  }
0x9b: {  	s22 =	simm.s32 $0x1BFF;
	s21 =	sshll.u32 s5, $0x1;
	s2 =	sadd.s32 s19, s18  }
0x9c: {  	s6 =	simm.s32 $0x0;
	s20 =	sshll.u32 s4, $0x1;
	s4 =	sadd.s32 s21, s2  }
0x9d: {  	[timem:s6], [sflag:s22] =	dma.local [hbm:s4], s20  }
0x9e: {  	_ =	swait.ge [sflag:s22], s20  }
0x9f: {  	s3 =	ssub.s32 $0x0, s20;
	[sflag:s22] =	ssyncset.done $0x0  }
0xa0: {  	[sflag:s22] =	ssyncadd.s32 s3;
	_ =	sdelay $0x1  }
0xa1: {  	s23 =	simm.s32 $0x1B8B  }
0xa2: {  	_ =	swait.ge [sflag:s23], $0x1  }
0xa3: {  	[sflag:s23] =	ssyncset.done $0x0  }
0xa4: {  	s25 =	simm.s32 $0x1B8E;
	s24 =	sld [smem:$0x3FFE];
	[sflag:s23] =	ssyncadd.s32 $0xFFFFFFFF  }
0xa5: {  	s26 =	simm.s32 $execute0_lowered;
	[smem:$0x3FD2] =	sst s25  }
0xa6: {  	s4 =	sshll.u32 s26, $0x1;
	_ =	strace $0x8000004C;
	[dreg:$0x1] =	wrdreg $0xFFFFFFFF  }
0xa7: {  	s28 =	simm.s32 $_size_execute0_lowered;
	s2 =	sadd.s32 s2, s4;
	[dreg:$0x0] =	wrdreg $0x0  }
0xa8: {  	s4 =	sshll.u32 s28, $0x1;
	[dreg:$0x2] =	wrdreg s2  }
0xa9: {  	[dreg:$0x3] =	wrdreg s4  }
0xaa: {  	[dreg:$0x4] =	wrdreg $0xC0  }
0xab: {  	_ =	task [dreg:s6], $0x5FFFF  }
0xac: {  	[dreg:$0x1] =	wrdreg $0xFFFFFFFF  }
0xad: {  	[dreg:$0x0] =	wrdreg $0x60  }
0xae: {  	[dreg:$0x2] =	wrdreg s24  }
0xaf: {  	[dreg:$0x3] =	wrdreg $0xB4000  }
0xb0: {  	[dreg:$0x4] =	wrdreg $0x9  }
0xb1: {  	_ =	task.clear_ibuf [dreg:s6], $0x5FFFF;
	_ =	strace $0x9000004C  }
0xb2: {  	s29 =	simm.s32 $0x9;
	_ =	strace $0x8000004E  }
0xb3: {  	_ =	swait.ge [sflag:s29], $0x1  }
0xb4: {  	[sflag:s29] =	ssyncadd.s32 $0xFFFFFFFF  }
0xb5: {  	_ =	strace $0x9000004E  }
0xb6: {  	_ =	sfence  }
0xb7: {  	s30 =	sld [smem:$0x0];
	_ =	sdelay $0x2  }
0xb8: {  	s31 =	sshll.u32 s1, $0xD;
	s1 =	sshrl.u32 s1, $0x2  }
0xb9: {  	s3 =	sand.u32 $0x4000, s31;
	s1 =	sadd.s32 s1, s30  }
0xba: {  	s0 =	sor.u32 s3, s0;
	s1 =	sshll.u32 s1, $0x11  }
0xbb: {  	s0 =	sor.u32 s1, s0  }
0xbc: {  	s0 =	sadd.s32 $0x8F2B, s0  }
0xbd: {  	[sflag:s0] =	ssyncadd.remote.s32 $0x1  }
0xbe: {  	_ =	sfence.sel $0xFFFF  }
0xbf: {  	[dreg:$0x0] =	wrdreg $0xFFFFFFFF;
	(pc) =	sbr.abs _section_cstart, $3  }
0xc0: {  	[dreg:$0x1] =	wrdreg $0xFFFFFFFF  }
0xc1: {  	_ =	task.clear_ibuf [dreg:s6], $0x2FFFF;
	_ =	strace $0x9FFFFFFF  }
0xc2: {  	(tm) =	ssettm $0x7FFFFFFF  }
0xc3: {  	_ =	shalt  }
tec
execute0_lowered:
.L_overlay_start_1:
0x0: {  	(tag) =	ssettag $0x1  }
0x1: {  	s0 =	rddreg [dreg:$0x0]  }
0x2: {  	s1 =	rddreg [dreg:$0x1];
	s11 =	stileid.u32  }
0x3: {  	s2 =	srdreg.scid;
	s3 =	simm.s32 $0x0;
	s5 =	smul.u32 $0x14000, s11  }
0x4: {  	s2 =	sand.u32 $0x1, s2;
	[smem:$0x7FF] =	sst s3;
	s8 =	smul.u32 $0x50000, s11  }
0x5: {  	s6 =	sadd.s32 $0x2600, s0;
	s7 =	sadd.s32 $0x16200, s0;
	s4 =	smul.u32 $0x140000, s2  }
0x6: {  	_ =	strace $0x8000004D;
	s28 =	ssub.s32 $0x2, s2;
	s9 =	sshll.u32 s2, $0x4  }
0x7: {  	s10 =	sshrl.u32 s28, $0x1;
	s8 =	sshrl.u32 s8, $0x2;
	s5 =	sadd.s32 s5, s4  }
0x8: {  	s4 =	sadd.s32 $0x20000, s0;
	s10 =	ssub.s32 s28, s10;
	s5 =	sshrl.u32 s5, $0x3  }
0x9: {  	s23 =	smax.u32 s10, $0x1;
	s0 =	sadd.s32 s5, s0;
	s5 =	sadd.s32 s8, s1  }
0xa: {  	s2 =	smul.u32 $0x27100, s2;
	[dreg:$0x16] =	wrdreg s23;
	s8 =	sadd.s32 $0x1000, s5  }
0xb: {  	s9 =	sor.u32 s11, s9;
	s29 =	sadd.s32 $0x2000, s5;
	[dreg:$0x3] =	wrdreg s8  }
0xc: {  	s11 =	smul.u32 $0x2710, s11;
	s30 =	sadd.s32 $0x3000, s5;
	[dreg:$0x4] =	wrdreg s29  }
0xd: {  	s9 =	smul.u32 $0x2710, s9;
	s31 =	sadd.s32 $0x4000, s5;
	[dreg:$0x5] =	wrdreg s30  }
0xe: {  	s2 =	sadd.s32 s11, s2;
	s12 =	sadd.s32 $0x5000, s5;
	[dreg:$0x6] =	wrdreg s31  }
0xf: {  	s10 =	simm.s32 $0x1;
	s13 =	sadd.s32 $0x6000, s5;
	[dreg:$0x7] =	wrdreg s12  }
0x10: {  	s15 =	sshrl.u32 s9, $0x3;
	s14 =	sadd.s32 $0x7000, s5;
	[dreg:$0x8] =	wrdreg s13  }
0x11: {  	s11 =	simm.s32 $0x1000;
	s9 =	sadd.s32 s6, s15;
	[dreg:$0x9] =	wrdreg s14  }
0x12: {  	s2 =	sadd.s32 $0x140, s2;
	s22 =	sadd.s32 $0x8000, s5;
	[dreg:$0xa] =	wrdreg s9  }
0x13: {  	s23 =	simm.s32 $0x8;
	s0 =	sadd.s32 $0x47200, s0;
	[dreg:$0x14] =	wrdreg s22  }
0x14: {  	s16 =	sadd.s32 $0xA, s15;
	s24 =	sadd.s32 $0x9000, s5;
	[dreg:$0x15] =	wrdreg s0  }
0x15: {  	s18 =	sadd.s32 $0x14, s15;
	s25 =	sadd.s32 $0xA000, s5;
	[dreg:$0x17] =	wrdreg s24  }
0x16: {  	s2 =	sshrl.u32 s2, $0x3;
	s26 =	sadd.s32 $0xB000, s5;
	[dreg:$0x18] =	wrdreg s25  }
0x17: {  	s28 =	sadd.s32 $0xC000, s5;
	s12 =	sadd.s32 s7, s15;
	[dreg:$0x19] =	wrdreg s26  }
0x18: {  	s17 =	sadd.s32 s6, s16;
	s9 =	sadd.s32 s7, s16;
	[dreg:$0x1a] =	wrdreg s28  }
0x19: {  	s19 =	sadd.s32 s6, s18;
	s20 =	sadd.s32 s7, s18;
	[dreg:$0xb] =	wrdreg s12  }
0x1a: {  	s8 =	sadd.s32 $0x1E, s15;
	s29 =	sadd.s32 $0xD000, s5;
	[dreg:$0xc] =	wrdreg s17  }
0x1b: {  	s30 =	sadd.s32 $0xE000, s5;
	s31 =	sadd.s32 $0xF000, s5;
	[dreg:$0xd] =	wrdreg s9  }
0x1c: {  	s13 =	simm.s32 $0x50;
	s14 =	simm.s32 $0x1400;
	[dreg:$0xe] =	wrdreg s19  }
0x1d: {  	s15 =	simm.s32 $0x1080;
	s16 =	simm.s32 $0x1280;
	[dreg:$0xf] =	wrdreg s20  }
0x1e: {  	s18 =	simm.s32 $0x2;
	s24 =	simm.s32 $0x6;
	[dreg:$0x1b] =	wrdreg s29  }
0x1f: {  	s22 =	simm.s32 $0xA;
	s25 =	simm.s32 $0x0;
	[dreg:$0x1c] =	wrdreg s30  }
0x20: {  	s21 =	sadd.s32 s6, s8;
	s8 =	sadd.s32 s7, s8;
	[dreg:$0x1d] =	wrdreg s31  }
0x21: {  	s7 =	sadd.s32 s2, s7;
	s2 =	sadd.s32 s2, s6;
	[dreg:$0x10] =	wrdreg s21  }
0x22: {  	s6 =	sadd.s32 $0x10000, s5;
	s9 =	sadd.s32 $0x13000, s5;
	[dreg:$0x11] =	wrdreg s8  }
0x23: {  	s12 =	simm.s32 $0x1200;
	s17 =	simm.s32 $0x3C00;
	[dreg:$0x12] =	wrdreg s7  }
0x24: {  	s19 =	simm.s32 $0x1100;
	s20 =	simm.s32 $0x3;
	[dreg:$0x13] =	wrdreg s2  }
0x25: {  	v0 =	vimm.f32 $0.0e+00;
	s7 =	sadd.s32 $0x11000, s5;
	s8 =	sadd.s32 $0x12000, s5;
	s21 =	simm.s32 $0x9  }
.LBB2_1:
0x26: {  	s26 =	simm.s32 $0x0;
	s28 =	simm.s32 $0x200  }
.LBB2_2:
0x27: {  	p0 =	sne.s32 s28, $0x3E00;
	[tilespmem:s26+$0x70] =	vst v0  }
0x28: {  	[tilespmem:s26+$0x0] =	vst v0  }
0x29: {  	[tilespmem:s26+$0x10] =	vst v0  }
.Ltmp0:
0x2a: {  	[tilespmem:s26+$0x20] =	vst v0;
	(pc) =	sbr.rel @p0 .LBB2_2-.Ltmp0, $4  }
0x2b: {  	[tilespmem:s26+$0x30] =	vst v0  }
0x2c: {  	[tilespmem:s26+$0x40] =	vst v0  }
0x2d: {  	[tilespmem:s26+$0x50] =	vst v0  }
0x2e: {  	[tilespmem:s26+$0x60] =	vst v0;
	s26 =	sshra.s32 s28, $0x2;
	s28 =	sadd.s32 $0x200, s28  }
0x2f: {  	[tilespmem:s26+$0x70] =	vst v0  }
0x30: {  	[tilespmem:s26+$0x0] =	vst v0  }
0x31: {  	[tilespmem:s26+$0x10] =	vst v0  }
0x32: {  	[tilespmem:s26+$0x20] =	vst v0  }
0x33: {  	[tilespmem:s26+$0x30] =	vst v0  }
0x34: {  	[tilespmem:s26+$0x40] =	vst v0  }
0x35: {  	[tilespmem:s26+$0x50] =	vst v0  }
0x36: {  	[tilespmem:s26+$0x60] =	vst v0  }
0x37: {  	[spmem:s5] =	stream.linear.scatter [tilespmem:s3], [sflag:$0x1], $0x1000, $0x38;
	[tilespmem:$0x1F400] =	vst v63  }
0x38: {  	s0 =	rddreg [dreg:$0x3]  }
0x39: {  	[spmem:s0] =	stream.linear.scatter [tilespmem:s3], [sflag:$0x1], $0x1000, $0x38;
	[tilespmem:$0x1F400] =	vst v63  }
0x3a: {  	s31 =	rddreg [dreg:$0x4]  }
0x3b: {  	[spmem:s31] =	stream.linear.scatter [tilespmem:s3], [sflag:$0x1], $0x1000, $0x38;
	[tilespmem:$0x1F400] =	vst v63  }
0x3c: {  	s2 =	rddreg [dreg:$0x5]  }
0x3d: {  	[spmem:s2] =	stream.linear.scatter [tilespmem:s3], [sflag:$0x1], $0x1000, $0x38;
	[tilespmem:$0x1F400] =	vst v63  }
0x3e: {  	s26 =	rddreg [dreg:$0x6]  }
0x3f: {  	[spmem:s26] =	stream.linear.scatter [tilespmem:s3], [sflag:$0x1], $0x1000, $0x38;
	[tilespmem:$0x1F400] =	vst v63  }
0x40: {  	s30 =	rddreg [dreg:$0x7]  }
0x41: {  	[spmem:s30] =	stream.linear.scatter [tilespmem:s3], [sflag:$0x1], $0x1000, $0x38;
	[tilespmem:$0x1F400] =	vst v63  }
0x42: {  	s31 =	rddreg [dreg:$0x8]  }
0x43: {  	[spmem:s31] =	stream.linear.scatter [tilespmem:s3], [sflag:$0x1], $0x1000, $0x38;
	[tilespmem:$0x1F400] =	vst v63  }
0x44: {  	s2 =	rddreg [dreg:$0x9]  }
0x45: {  	[spmem:s2] =	stream.linear.scatter [tilespmem:s3], [sflag:$0x1], $0x1000, $0x38;
	[tilespmem:$0x1F400] =	vst v63  }
0x46: {  	s26 =	rddreg [dreg:$0x14]  }
0x47: {  	[spmem:s26] =	stream.linear.scatter [tilespmem:s3], [sflag:$0x1], $0x1000, $0x38;
	[tilespmem:$0x1F400] =	vst v63  }
0x48: {  	s30 =	rddreg [dreg:$0x17]  }
0x49: {  	[spmem:s30] =	stream.linear.scatter [tilespmem:s3], [sflag:$0x1], $0x1000, $0x38;
	[tilespmem:$0x1F400] =	vst v63  }
0x4a: {  	s31 =	rddreg [dreg:$0x18]  }
0x4b: {  	[spmem:s31] =	stream.linear.scatter [tilespmem:s3], [sflag:$0x1], $0x1000, $0x38;
	[tilespmem:$0x1F400] =	vst v63  }
0x4c: {  	s2 =	rddreg [dreg:$0x19]  }
0x4d: {  	[spmem:s2] =	stream.linear.scatter [tilespmem:s3], [sflag:$0x1], $0x1000, $0x38;
	[tilespmem:$0x1F400] =	vst v63  }
0x4e: {  	s26 =	rddreg [dreg:$0x1a]  }
0x4f: {  	[spmem:s26] =	stream.linear.scatter [tilespmem:s3], [sflag:$0x1], $0x1000, $0x38;
	[tilespmem:$0x1F400] =	vst v63  }
0x50: {  	s30 =	rddreg [dreg:$0x1b]  }
0x51: {  	[spmem:s30] =	stream.linear.scatter [tilespmem:s3], [sflag:$0x1], $0x1000, $0x38;
	[tilespmem:$0x1F400] =	vst v63  }
0x52: {  	s31 =	rddreg [dreg:$0x1c]  }
0x53: {  	[spmem:s31] =	stream.linear.scatter [tilespmem:s3], [sflag:$0x1], $0x1000, $0x38;
	[tilespmem:$0x1F400] =	vst v63  }
0x54: {  	s2 =	rddreg [dreg:$0x1d]  }
0x55: {  	[spmem:s2] =	stream.linear.scatter [tilespmem:s3], [sflag:$0x1], $0x1000, $0x38;
	[tilespmem:$0x1F400] =	vst v63  }
0x56: {  	_ = 	snop  }
0x57: {  	[spmem:s6] =	stream.linear.scatter [tilespmem:s3], [sflag:$0x1], $0x1000, $0x38;
	[tilespmem:$0x1F400] =	vst v63  }
0x58: {  	_ = 	snop  }
0x59: {  	[spmem:s7] =	stream.linear.scatter [tilespmem:s3], [sflag:$0x1], $0x1000, $0x38;
	[tilespmem:$0x1F400] =	vst v63  }
0x5a: {  	_ = 	snop  }
0x5b: {  	[spmem:s8] =	stream.linear.scatter [tilespmem:s3], [sflag:$0x1], $0x1000, $0x38;
	[tilespmem:$0x1F400] =	vst v63  }
0x5c: {  	_ = 	snop  }
0x5d: {  	[spmem:s9] =	stream.linear.scatter [tilespmem:s3], [sflag:$0x1], $0x1000, $0x38;
	[tilespmem:$0x1F400] =	vst v63  }
0x5e: {  	_ =	swait.ge [sflag:s10], $0x1000  }
0x5f: {  	[sflag:s10] =	ssyncset.done $0x0  }
0x60: {  	[sflag:s10] =	ssyncadd.s32 $0xFFFFF000  }
0x61: {  	_ =	swait.ge [sflag:s10], $0x1000  }
0x62: {  	[sflag:s10] =	ssyncset.done $0x0  }
0x63: {  	[sflag:s10] =	ssyncadd.s32 $0xFFFFF000  }
0x64: {  	_ =	swait.ge [sflag:s10], $0x1000  }
0x65: {  	[sflag:s10] =	ssyncset.done $0x0  }
0x66: {  	[sflag:s10] =	ssyncadd.s32 $0xFFFFF000  }
0x67: {  	_ =	swait.ge [sflag:s10], $0x1000  }
0x68: {  	[sflag:s10] =	ssyncset.done $0x0  }
0x69: {  	[sflag:s10] =	ssyncadd.s32 $0xFFFFF000  }
0x6a: {  	_ =	swait.ge [sflag:s10], $0x1000  }
0x6b: {  	[sflag:s10] =	ssyncset.done $0x0  }
0x6c: {  	[sflag:s10] =	ssyncadd.s32 $0xFFFFF000  }
0x6d: {  	_ =	swait.ge [sflag:s10], $0x1000  }
0x6e: {  	[sflag:s10] =	ssyncset.done $0x0  }
0x6f: {  	[sflag:s10] =	ssyncadd.s32 $0xFFFFF000  }
0x70: {  	_ =	swait.ge [sflag:s10], $0x1000  }
0x71: {  	[sflag:s10] =	ssyncset.done $0x0  }
0x72: {  	[sflag:s10] =	ssyncadd.s32 $0xFFFFF000  }
0x73: {  	_ =	swait.ge [sflag:s10], $0x1000  }
0x74: {  	[sflag:s10] =	ssyncset.done $0x0  }
0x75: {  	[sflag:s10] =	ssyncadd.s32 $0xFFFFF000  }
0x76: {  	_ =	swait.ge [sflag:s10], $0x1000  }
0x77: {  	[sflag:s10] =	ssyncset.done $0x0  }
0x78: {  	[sflag:s10] =	ssyncadd.s32 $0xFFFFF000  }
0x79: {  	_ =	swait.ge [sflag:s10], $0x1000  }
0x7a: {  	[sflag:s10] =	ssyncset.done $0x0  }
0x7b: {  	[sflag:s10] =	ssyncadd.s32 $0xFFFFF000  }
0x7c: {  	_ =	swait.ge [sflag:s10], $0x1000  }
0x7d: {  	[sflag:s10] =	ssyncset.done $0x0  }
0x7e: {  	[sflag:s10] =	ssyncadd.s32 $0xFFFFF000  }
0x7f: {  	_ =	swait.ge [sflag:s10], $0x1000  }
0x80: {  	[sflag:s10] =	ssyncset.done $0x0  }
0x81: {  	[sflag:s10] =	ssyncadd.s32 $0xFFFFF000  }
0x82: {  	_ =	swait.ge [sflag:s10], $0x1000  }
0x83: {  	[sflag:s10] =	ssyncset.done $0x0  }
0x84: {  	[sflag:s10] =	ssyncadd.s32 $0xFFFFF000  }
0x85: {  	_ =	swait.ge [sflag:s10], $0x1000  }
0x86: {  	[sflag:s10] =	ssyncset.done $0x0  }
0x87: {  	[sflag:s10] =	ssyncadd.s32 $0xFFFFF000  }
0x88: {  	_ =	swait.ge [sflag:s10], $0x1000  }
0x89: {  	[sflag:s10] =	ssyncset.done $0x0  }
0x8a: {  	[sflag:s10] =	ssyncadd.s32 $0xFFFFF000  }
0x8b: {  	_ =	swait.ge [sflag:s10], $0x1000  }
0x8c: {  	[sflag:s10] =	ssyncset.done $0x0  }
0x8d: {  	[sflag:s10] =	ssyncadd.s32 $0xFFFFF000  }
0x8e: {  	_ =	swait.ge [sflag:s10], $0x1000  }
0x8f: {  	[sflag:s10] =	ssyncset.done $0x0  }
0x90: {  	[sflag:s10] =	ssyncadd.s32 $0xFFFFF000  }
0x91: {  	_ =	swait.ge [sflag:s10], $0x1000  }
0x92: {  	[sflag:s10] =	ssyncset.done $0x0  }
0x93: {  	[sflag:s10] =	ssyncadd.s32 $0xFFFFF000  }
0x94: {  	_ =	swait.ge [sflag:s10], $0x1000  }
0x95: {  	[sflag:s10] =	ssyncset.done $0x0  }
0x96: {  	[sflag:s10] =	ssyncadd.s32 $0xFFFFF000  }
0x97: {  	_ =	swait.ge [sflag:s10], $0x1000  }
0x98: {  	[sflag:s10] =	ssyncset.done $0x0  }
0x99: {  	s26 =	rddreg [dreg:$0xa];
	[sflag:s10] =	ssyncadd.s32 $0xFFFFF000  }
0x9a: {  	[tilespmem:s11], [sflag:$0x1] =	stream.linear.gather [hbm4b:s26+s3], $0x50, $0x38;
	[tilespmem:$0x1F400] =	vst v63  }
0x9b: {  	s30 =	rddreg [dreg:$0xb]  }
0x9c: {  	[tilespmem:s12], [sflag:$0x1] =	stream.linear.gather [hbm4b:s30+s3], $0x50, $0x38;
	[tilespmem:$0x1F400] =	vst v63  }
0x9d: {  	[bflag:$0x0] =	sbarrier.arrive $0xFFFF  }
0x9e: {  	_ =	swait.ge [sflag:s10], $0x50  }
0x9f: {  	[sflag:s10] =	ssyncset.done $0x0  }
0xa0: {  	[sflag:s10] =	ssyncadd.s32 $0xFFFFFFB0  }
0xa1: {  	_ =	swait.ge [sflag:s10], $0x50  }
0xa2: {  	[sflag:s10] =	ssyncset.done $0x0  }
0xa3: {  	[sflag:s10] =	ssyncadd.s32 $0xFFFFFFB0  }
0xa4: {  	[tilespmem:s14], [sflag:$0x2] =	stream.indirect.gather [hbm4b:s4+s13], $0x80, s11, s13, $0xb8;
	[tilespmem:$0x1F400] =	vst v63  }
0xa5: {  	s31 =	rddreg [dreg:$0xc]  }
0xa6: {  	[tilespmem:s15], [sflag:$0x1] =	stream.linear.gather [hbm4b:s31+s3], $0x50, $0x38;
	[tilespmem:$0x1F400] =	vst v63  }
0xa7: {  	s2 =	rddreg [dreg:$0xd]  }
0xa8: {  	[tilespmem:s16], [sflag:$0x1] =	stream.linear.gather [hbm4b:s2+s3], $0x50, $0x38;
	[tilespmem:$0x1F400] =	vst v63  }
0xa9: {  	_ =	swait.ge [sflag:s10], $0x50  }
0xaa: {  	[sflag:s10] =	ssyncset.done $0x0  }
0xab: {  	[sflag:s10] =	ssyncadd.s32 $0xFFFFFFB0  }
0xac: {  	_ =	swait.ge [sflag:s10], $0x50  }
0xad: {  	[sflag:s10] =	ssyncset.done $0x0  }
0xae: {  	[sflag:s10] =	ssyncadd.s32 $0xFFFFFFB0  }
0xaf: {  	[tilespmem:s17], [sflag:$0x3] =	stream.indirect.gather [hbm4b:s4+s13], $0x80, s15, s13, $0xb8;
	[tilespmem:$0x1F400] =	vst v63  }
0xb0: {  	_ =	swait.ge [sflag:s18], $0x2800  }
0xb1: {  	[sflag:s18] =	ssyncset.done $0x0  }
0xb2: {  	[sflag:s18] =	ssyncadd.s32 $0xFFFFD800  }
0xb3: {  	[spmem:s1] =	stream.indirect.scatter.add.f32 [tilespmem:s14], [sflag:$0x6], $0x80, s12, s13, $0xb8;
	[tilespmem:$0x1F400] =	vst v63  }
0xb4: {  	s26 =	rddreg [dreg:$0xe]  }
0xb5: {  	[tilespmem:s19], [sflag:$0x1] =	stream.linear.gather [hbm4b:s26+s3], $0x50, $0x38;
	[tilespmem:$0x1F400] =	vst v63  }
0xb6: {  	s2 =	simm.s32 $0x1300;
	s30 =	rddreg [dreg:$0xf]  }
0xb7: {  	[tilespmem:s2], [sflag:$0x1] =	stream.linear.gather [hbm4b:s30+s3], $0x50, $0x38;
	[tilespmem:$0x1F400] =	vst v63  }
0xb8: {  	_ =	swait.ge [sflag:s10], $0x50  }
0xb9: {  	[sflag:s10] =	ssyncset.done $0x0  }
0xba: {  	[sflag:s10] =	ssyncadd.s32 $0xFFFFFFB0  }
0xbb: {  	_ =	swait.ge [sflag:s10], $0x50  }
0xbc: {  	[sflag:s10] =	ssyncset.done $0x0  }
0xbd: {  	s31 =	simm.s32 $0x6400;
	[sflag:s10] =	ssyncadd.s32 $0xFFFFFFB0  }
0xbe: {  	[tilespmem:s31], [sflag:$0x4] =	stream.indirect.gather [hbm4b:s4+s13], $0x80, s19, s13, $0xb8;
	[tilespmem:$0x1F400] =	vst v63  }
0xbf: {  	_ =	swait.ge [sflag:s20], $0x2800  }
0xc0: {  	[sflag:s20] =	ssyncset.done $0x0;
	s2 =	rddreg [dreg:$0x10]  }
0xc1: {  	s30 =	rddreg [dreg:$0x11];
	[sflag:s20] =	ssyncadd.s32 $0xFFFFD800  }
0xc2: {  	[spmem:s1] =	stream.indirect.scatter.add.f32 [tilespmem:s17], [sflag:$0x7], $0x80, s16, s13, $0xb8;
	[tilespmem:$0x1F400] =	vst v63  }
0xc3: {  	s26 =	simm.s32 $0x1180;
	s28 =	rddreg [dreg:$0x13]  }
0xc4: {  	[tilespmem:s26], [sflag:$0x1] =	stream.linear.gather [hbm4b:s2+s3], $0x50, $0x38;
	[tilespmem:$0x1F400] =	vst v63  }
0xc5: {  	s31 =	simm.s32 $0x1380;
	s29 =	rddreg [dreg:$0x12];
	s26 =	simm.s32 $0x6  }
0xc6: {  	[tilespmem:s31], [sflag:$0x1] =	stream.linear.gather [hbm4b:s30+s3], $0x50, $0x38;
	[tilespmem:$0x1F400] =	vst v63  }
.LBB2_4:
0xc7: {  	s30 =	sadd.s32 $0xFFFFFFFD, s26;
	_ =	swait.ge [sflag:s10], $0x50  }
0xc8: {  	s30 =	sand.u32 $0x3, s30;
	[sflag:s10] =	ssyncset.done $0x0  }
0xc9: {  	[sflag:s10] =	ssyncadd.s32 $0xFFFFFFB0;
	s31 =	smul.u32 $0xA000, s30  }
0xca: {  	s0 =	sshll.u32 s30, $0x7;
	_ =	swait.ge [sflag:s10], $0x50  }
0xcb: {  	s30 =	sadd.s32 $0x2, s30;
	[sflag:s10] =	ssyncset.done $0x0;
	s31 =	sshrl.u32 s31, $0x2  }
0xcc: {  	s0 =	sor.u32 $0x1000, s0;
	[sflag:s10] =	ssyncadd.s32 $0xFFFFFFB0;
	s31 =	sadd.s32 $0x1400, s31  }
0xcd: {  	[tilespmem:s31], [sflag:s30] =	stream.indirect.gather [hbm4b:s4+s13], $0x80, s0, s13, $0xb8;
	[tilespmem:$0x1F400] =	vst v63  }
0xce: {  	s0 =	sand.u32 $0x3, s26  }
0xcf: {  	s30 =	sadd.s32 $0x2, s0  }
0xd0: {  	s31 =	sadd.s32 $0xFFFFFFFE, s26;
	s2 =	smul.u32 $0xA000, s0;
	_ =	swait.ge [sflag:s30], $0x2800  }
0xd1: {  	p0 =	seq.s32 s26, $0x7F;
	s31 =	sand.u32 $0x3, s31;
	[sflag:s30] =	ssyncset.done $0x0  }
0xd2: {  	s2 =	sshrl.u32 s2, $0x2;
	[sflag:s30] =	ssyncadd.s32 $0xFFFFD800;
	s30 =	sshll.u32 s0, $0x7  }
0xd3: {  	s2 =	sadd.s32 $0x1400, s2;
	s0 =	sadd.s32 $0x6, s0;
	s30 =	sor.u32 $0x1200, s30  }
0xd4: {  	[spmem:s1] =	stream.indirect.scatter.add.f32 [tilespmem:s2], [sflag:s0], $0x80, s30, s13, $0xb8;
	[tilespmem:$0x1F400] =	vst v63  }
0xd5: {  	s26 =	sadd.s32 @!p0 $0x1, s26;
	s30 =	sadd.s32 $0x6, s31  }
0xd6: {  	p1 =	sne.s32 @!p0 s26, $0x80;
	s2 =	sshll.u32 @!p0 s31, $0x7;
	_ =	swait.ge [sflag:s30], $0x2800  }
0xd7: {  	p1 =	por p0, !p1;
	s0 =	sor.u32 @!p0 $0x1000, s2;
	[sflag:s30] =	ssyncset.done $0x0  }
.Ltmp1:
0xd8: {  	[sflag:s30] =	ssyncadd.s32 $0xFFFFD800;
	s30 =	simm.s32 @!p0 $0x0;
	(pc) =	sbr.rel @!p1 .LBB2_4-.Ltmp1, $4  }
0xd9: {  	[tilespmem:s0], [sflag:$0x1] =	stream.linear.gather @!p0 [hbm4b:s28+s30], $0x50, $0x38;
	[tilespmem:$0x1F400] =	vst v63  }
0xda: {  	s0 =	sor.u32 @!p0 $0x1200, s2  }
0xdb: {  	[tilespmem:s0], [sflag:$0x1] =	stream.linear.gather @!p0 [hbm4b:s29+s30], $0x50, $0x38;
	[tilespmem:$0x1F400] =	vst v63  }
0xdc: {  	s28 =	sadd.s32 @!p0 $0xA, s28;
	s29 =	sadd.s32 @!p0 $0xA, s29  }
0xdd: {  	_ =	swait.ge [sflag:s18], $0x2800  }
0xde: {  	[sflag:s18] =	ssyncset.done $0x0  }
0xdf: {  	[sflag:s18] =	ssyncadd.s32 $0xFFFFD800  }
0xe0: {  	[spmem:s1] =	stream.indirect.scatter.add.f32 [tilespmem:s14], [sflag:$0x6], $0x80, s12, s13, $0xb8;
	[tilespmem:$0x1F400] =	vst v63  }
0xe1: {  	_ =	swait.ge [sflag:s23], $0x2800  }
0xe2: {  	[sflag:s23] =	ssyncset.done $0x0  }
0xe3: {  	[sflag:s23] =	ssyncadd.s32 $0xFFFFD800  }
0xe4: {  	_ =	swait.ge [sflag:s21], $0x2800  }
0xe5: {  	[sflag:s21] =	ssyncset.done $0x0  }
0xe6: {  	[sflag:s21] =	ssyncadd.s32 $0xFFFFD800  }
0xe7: {  	_ =	swait.ge [sflag:s24], $0x2800  }
0xe8: {  	[sflag:s24] =	ssyncset.done $0x0  }
0xe9: {  	s0 =	stileid.u32;
	[sflag:s24] =	ssyncadd.s32 $0xFFFFD800  }
0xea: {  	s0 =	sshll.u32 s0, $0x6;
	[bflag:$0x0] =	sbarrier.arrive $0xFFFF  }
0xeb: {  	s2 =	sshrl.u32 s5, $0x3;
	s0 =	sor.u32 $0x1C0A, s0;
	s26 =	rddreg [dreg:$0x15]  }
0xec: {  	[hbm:s26], [sflag:s0] =	dma.local [spmem:s2], $0x2800  }
0xed: {  	_ =	swait.ge [sflag:s22], $0x2800  }
0xee: {  	s25 =	sadd.s32 $0x1, s25;
	s31 =	rddreg [dreg:$0x16]  }
0xef: {  	p0 =	sne.s32 s25, s31  }
.Ltmp2:
0xf0: {  	_ = 	snop;
	(pc) =	sbr.rel @p0 .LBB2_1-.Ltmp2, $3  }
0xf1: {  	_ =	sdelay $0x1  }
0xf2: {  	[sflag:s22] =	ssyncset.done $0x0  }
0xf3: {  	[sflag:s22] =	ssyncadd.s32 $0xFFFFD800  }
0xf4: {  	_ =	sfence.sel $0x180000  }
0xf5: {  	[bflag:$0x0] =	sbarrier.arrive $0xFFFF  }
0xf6: {  	_ =	strace $0x9000004D  }
0xf7: {  	s0 =	stileid.u32;
	[bflag:$0x2] =	sbarrier.arrive $0xFFFF  }
0xf8: {  	p0 =	sne.s32 s0, $0x0;
	s0 =	rddreg [dreg:$0x2]  }
0xf9: {  	s0 =	sadd.s32 @!p0 $0x100000, s0  }
0xfa: {  	[sflag:s0] =	ssyncadd.tile.s32 @!p0 $0x1;
	_ =	shalt  }
.Lfunc_end2:
_tile_overlayer_lowered:
.L_overlay_start_2:
0xfb: {  	(tag) =	ssettag $0x2  }
0xfc: {  	s0 =	rddreg [dreg:$0x0];
	s2 =	stileid.u32  }
0xfd: {  	s1 =	rddreg [dreg:$0x1];
	p0 =	sne.s32 s2, $0x0  }
0xfe: {  	s3 =	rddreg [dreg:$0x2];
	[bflag:$0x3] =	sbarrier.arrive $0xFFFF;
	s2 =	simm.s32 @!p0 $0x1C0A  }
0xff: {  	[timem:s3], [sflag:s2] =	dma.local @!p0 [hbm:s0], s1  }
0x100: {  	s0 =	simm.s32 @!p0 $0xA  }
0x101: {  	_ =	swait.ge @!p0 [sflag:s0], s1  }
0x102: {  	s1 =	ssub.s32 @!p0 $0x0, s1;
	[sflag:s0] =	ssyncset.done @!p0 $0x0  }
0x103: {  	[sflag:s0] =	ssyncadd.s32 @!p0 s1  }
0x104: {  	[bflag:$0x3] =	sbarrier.arrive $0xFFFF  }
0x105: {  	_ =	shalt  }

</sc_bundles>
